<compile_context>
chip_gen: v7x
topology: tpu7x:2x2x1
jax: 0.10.2.dev20260603
libtpu: 0.0.44.dev20260713+nightly
codegen_flags: <defaults>
</compile_context>

<pallas_src>
import functools

import jax
import jax.numpy as jnp
from jax import lax
from jax.experimental import pallas as pl
from jax.experimental.pallas import tpu as pltpu
from jax.experimental.pallas import tpu_sc as plsc

N = 10000
E = 320000
D = 128
G = 16

NP = 10240
BN = 1024
NB = NP // BN
NC = 2
NS = 16
NW = NC * NS
NBUF = 3
K = 112
EW = 10080
NCH = EW // K
EP = NW * EW
RPT = NP // NS
DW = 128
EPS = 1e-5
HI = lax.Precision.HIGHEST



def _sc_scatter_body(y_hbm, idx_hbm, zeros_hbm, z_hbm, *scr):
    c = lax.axis_index("c")
    s = lax.axis_index("s")
    wid = s * NC + c
    ibufs = scr[0:NBUF]
    bufs = scr[NBUF:2 * NBUF]
    z_sh = scr[2 * NBUF]
    isems = scr[2 * NBUF + 1:3 * NBUF + 1]
    sems = scr[3 * NBUF + 1:4 * NBUF + 1]

    def idx_start(j, b):
        pltpu.async_copy(idx_hbm.at[wid, j], ibufs[b], isems[b])

    def idx_wait(j, b):
        pltpu.make_async_copy(idx_hbm.at[wid, j], ibufs[b], isems[b]).wait()

    def gather_start(b):
        pltpu.async_copy(y_hbm.at[ibufs[b].at[0]], bufs[b], sems[b])

    def gather_wait(b):
        pltpu.make_async_copy(y_hbm.at[ibufs[b].at[0]], bufs[b],
                              sems[b]).wait()

    def scatter(b):
        pltpu.sync_copy(bufs[b], z_sh.at[ibufs[b].at[1]], add=True)

    pltpu.sync_copy(zeros_hbm.at[pl.ds(s * RPT, RPT)],
                    z_sh.at[pl.ds(s * RPT, RPT)])
    plsc.subcore_barrier()

    for b in range(NBUF):
        idx_start(b, b)
    for b in range(NBUF - 1):
        idx_wait(b, b)
        gather_start(b)

    @pl.loop(0, NCH - NBUF, step=NBUF)
    def _(j):
        for b in range(NBUF):
            jb = j + b
            b2 = (b + NBUF - 1) % NBUF
            idx_wait(jb + NBUF - 1, b2)
            gather_start(b2)
            gather_wait(b)
            scatter(b)
            idx_start(jb + NBUF, b)

    base = NCH - NBUF
    b2 = (base + NBUF - 1) % NBUF
    idx_wait(NCH - 1, b2)
    gather_start(b2)
    for b in range(NBUF):
        jb = base + b
        gather_wait(jb % NBUF)
        scatter(jb % NBUF)

    plsc.subcore_barrier()
    pltpu.sync_copy(z_sh.at[pl.ds(s * RPT, RPT)],
                    z_hbm.at[c, pl.ds(s * RPT, RPT)])


@functools.lru_cache(maxsize=None)
def _sc_scatter():
    return pl.kernel(
        _sc_scatter_body,
        out_type=jax.ShapeDtypeStruct((NC, NP, D), jnp.float32),
        mesh=plsc.VectorSubcoreMesh(core_axis_name="c", subcore_axis_name="s",
                                    num_cores=NC, num_subcores=NS),
        scratch_types=(
            [pltpu.VMEM((2, K), jnp.int32)] * NBUF
            + [pltpu.VMEM((K, D), jnp.float32)] * NBUF
            + [pltpu.VMEM_SHARED((NP, D), jnp.float32)]
            + [pltpu.SemaphoreType.DMA] * (2 * NBUF)
        ),
    )


def _sc_deg_body(col_hbm, zeros_hbm, ones_hbm, deg_hbm,
                 col_v, ones_v, deg_sh, sem):
    c = lax.axis_index("c")
    s = lax.axis_index("s")
    wid = s * NC + c
    pltpu.sync_copy(col_hbm.at[wid], col_v)
    pltpu.sync_copy(ones_hbm, ones_v)
    pltpu.sync_copy(zeros_hbm.at[pl.ds(s * RPT, RPT)],
                    deg_sh.at[pl.ds(s * RPT, RPT)])
    plsc.subcore_barrier()

    @pl.loop(0, NCH)
    def _(j):
        pltpu.async_copy(ones_v, deg_sh.at[col_v.at[j]], sem, add=True)

    @pl.loop(0, NCH)
    def _(j):
        pltpu.make_async_copy(ones_v, deg_sh.at[col_v.at[j]], sem).wait()

    plsc.subcore_barrier()
    pltpu.sync_copy(deg_sh.at[pl.ds(s * RPT, RPT)],
                    deg_hbm.at[c, pl.ds(s * RPT, RPT)])


@functools.lru_cache(maxsize=None)
def _sc_deg():
    return pl.kernel(
        _sc_deg_body,
        out_type=jax.ShapeDtypeStruct((NC, NP, DW), jnp.float32),
        mesh=plsc.VectorSubcoreMesh(core_axis_name="c", subcore_axis_name="s",
                                    num_cores=NC, num_subcores=NS),
        scratch_types=[
            pltpu.VMEM((NCH, K), jnp.int32),
            pltpu.VMEM((K, DW), jnp.float32),
            pltpu.VMEM_SHARED((NP, DW), jnp.float32),
            pltpu.SemaphoreType.DMA,
        ],
    )



def _dinv(deg_ref):
    deg = deg_ref[0, :, 0] + deg_ref[1, :, 0] + 1.0
    return lax.rsqrt(deg)


def _tc_xw_body(x_ref, w_ref, xw_ref):
    xw_ref[...] = jnp.dot(x_ref[...], w_ref[...],
                          preferred_element_type=jnp.float32)


def _tc_y_body(xw_ref, deg_ref, y_ref):
    y_ref[...] = xw_ref[...] * _dinv(deg_ref)[:, None]


def _seg_stats(bvec, t):
    oh = (bvec[None, :] == lax.broadcasted_iota(jnp.int32, (G, BN), 0))
    oh = oh.astype(jnp.float32)
    s1 = jnp.dot(oh, t, preferred_element_type=jnp.float32, precision=HI)
    s2 = jnp.dot(oh, t * t, preferred_element_type=jnp.float32, precision=HI)
    cnt = jnp.broadcast_to(jnp.sum(oh, axis=1)[:, None], (G, D))
    return s1, s2, cnt


def _tc_t_body(z_ref, y_ref, deg_ref, b0_ref, batch_ref, t_ref, stats_ref):
    i = pl.program_id(0)
    dinv = _dinv(deg_ref)
    t = dinv[:, None] * (z_ref[0] + z_ref[1] + y_ref[...]) + b0_ref[...]
    t_ref[...] = t
    s1, s2, cnt = _seg_stats(batch_ref[0, :], t)
    blk = jnp.stack([s1, s2, cnt])

    @pl.when(i == 0)
    def _():
        stats_ref[...] = blk

    @pl.when(i > 0)
    def _():
        stats_ref[...] = stats_ref[...] + blk


def _norm_factors(s1, s2, cnt, a):
    cnt = jnp.maximum(cnt, 1.0)
    mean = s1 / cnt
    var = s2 / cnt - (2.0 * a - a * a) * mean * mean
    invstd = lax.rsqrt(jnp.maximum(var, 0.0) + EPS)
    return mean * a, invstd


def _row_norm(bvec, t, mean_a, invstd, w, b):
    oh = (bvec[:, None] == lax.broadcasted_iota(jnp.int32, (BN, G), 1))
    oh = oh.astype(jnp.float32)
    mean_rows = jnp.dot(oh, mean_a, preferred_element_type=jnp.float32,
                        precision=HI)
    invstd_rows = jnp.dot(oh, invstd, preferred_element_type=jnp.float32,
                          precision=HI)
    return w * ((t - mean_rows) * invstd_rows) + b


def _tc_h0_body(t_ref, stats_ref, batch_ref, w_ref, b_ref, a_ref,
                ggw_ref, h_ref, m_ref):
    st = stats_ref[...]
    mean_a, invstd = _norm_factors(st[0], st[1], st[2], a_ref[...])
    h0 = _row_norm(batch_ref[0, :], t_ref[...], mean_a, invstd,
                   w_ref[...], b_ref[...])
    h_ref[...] = h0
    m_ref[...] = jnp.dot(h0, ggw_ref[...], preferred_element_type=jnp.float32)


def _gru(z_ref, h_ref, wih_ref, whh_ref, bih_ref, bhh_ref):
    agg = z_ref[0] + z_ref[1]
    h = h_ref[...]
    gi = jnp.dot(agg, wih_ref[...],
                 preferred_element_type=jnp.float32) + bih_ref[...]
    gh = jnp.dot(h, whh_ref[...],
                 preferred_element_type=jnp.float32) + bhh_ref[...]
    r = jax.nn.sigmoid(gi[:, :D] + gh[:, :D])
    zz = jax.nn.sigmoid(gi[:, D:2 * D] + gh[:, D:2 * D])
    n = jnp.tanh(gi[:, 2 * D:] + r * gh[:, 2 * D:])
    return (1.0 - zz) * n + zz * h


def _tc_gru_body(z_ref, h_ref, wih_ref, whh_ref, bih_ref, bhh_ref, wn_ref,
                 hn_ref, m_ref):
    hn = _gru(z_ref, h_ref, wih_ref, whh_ref, bih_ref, bhh_ref)
    hn_ref[...] = hn
    m_ref[...] = jnp.dot(hn, wn_ref[...], preferred_element_type=jnp.float32)


def _tc_gru2_body(z_ref, h_ref, wih_ref, whh_ref, bih_ref, bhh_ref, batch_ref,
                  u_ref, stats_ref):
    i = pl.program_id(0)
    hn = _gru(z_ref, h_ref, wih_ref, whh_ref, bih_ref, bhh_ref)
    u = 0.5 * hn * (1.0 + lax.erf(hn * 0.7071067811865476))
    u_ref[...] = u
    s1, s2, cnt = _seg_stats(batch_ref[0, :], u)
    blk = jnp.stack([s1, s2, cnt])

    @pl.when(i == 0)
    def _():
        stats_ref[...] = blk

    @pl.when(i > 0)
    def _():
        stats_ref[...] = stats_ref[...] + blk


def _tc_fin_body(u_ref, stats_ref, batch_ref, w_ref, b_ref, a_ref,
                 h0_ref, wlin_ref, blin_ref, out_ref):
    st = stats_ref[...]
    mean_a, invstd = _norm_factors(st[0], st[1], st[2], a_ref[...])
    gn = _row_norm(batch_ref[0, :], u_ref[...], mean_a, invstd,
                   w_ref[...], b_ref[...])
    v = h0_ref[...] + gn
    out_ref[...] = jnp.dot(v, wlin_ref[...],
                           preferred_element_type=jnp.float32) + blin_ref[...]


_ROW = pl.BlockSpec((BN, D), lambda i: (i, 0))
_ROW3 = pl.BlockSpec((BN, 3 * D), lambda i: (i, 0))
_ZPART = pl.BlockSpec((NC, BN, D), lambda i: (0, i, 0))
_DEG = pl.BlockSpec((NC, BN, DW), lambda i: (0, i, 0))
_BATCH = pl.BlockSpec((1, BN), lambda i: (0, i))
_FULL = lambda *shape: pl.BlockSpec(shape, lambda i: (0,) * len(shape))

_f32 = jnp.float32


def _call_xw(x_p, W0):
    return pl.pallas_call(
        _tc_xw_body,
        grid=(NB,),
        in_specs=[_ROW, _FULL(D, D)],
        out_specs=_ROW,
        out_shape=jax.ShapeDtypeStruct((NP, D), _f32),
    )(x_p, W0)


def _call_y(xw, deg):
    return pl.pallas_call(
        _tc_y_body,
        grid=(NB,),
        in_specs=[_ROW, _DEG],
        out_specs=_ROW,
        out_shape=jax.ShapeDtypeStruct((NP, D), _f32),
    )(xw, deg)


def _call_t(z, y, deg, b0, batch_p):
    return pl.pallas_call(
        _tc_t_body,
        grid=(NB,),
        in_specs=[_ZPART, _ROW, _DEG, _FULL(1, D), _BATCH],
        out_specs=[_ROW, _FULL(3, G, D)],
        out_shape=[jax.ShapeDtypeStruct((NP, D), _f32),
                   jax.ShapeDtypeStruct((3, G, D), _f32)],
    )(z, y, deg, b0, batch_p)


def _call_h0(t, stats, batch_p, w, b, a, ggw):
    return pl.pallas_call(
        _tc_h0_body,
        grid=(NB,),
        in_specs=[_ROW, _FULL(3, G, D), _BATCH, _FULL(1, D),
                  _FULL(1, D), _FULL(1, D), _FULL(D, D)],
        out_specs=[_ROW, _ROW],
        out_shape=[jax.ShapeDtypeStruct((NP, D), _f32),
                   jax.ShapeDtypeStruct((NP, D), _f32)],
    )(t, stats, batch_p, w, b, a, ggw)


def _call_gru(z, h, wih_t, whh_t, bih, bhh, wn):
    return pl.pallas_call(
        _tc_gru_body,
        grid=(NB,),
        in_specs=[_ZPART, _ROW, _FULL(D, 3 * D), _FULL(D, 3 * D),
                  _FULL(1, 3 * D), _FULL(1, 3 * D), _FULL(D, D)],
        out_specs=[_ROW, _ROW],
        out_shape=[jax.ShapeDtypeStruct((NP, D), _f32),
                   jax.ShapeDtypeStruct((NP, D), _f32)],
    )(z, h, wih_t, whh_t, bih, bhh, wn)


def _call_gru2(z, h, wih_t, whh_t, bih, bhh, batch_p):
    return pl.pallas_call(
        _tc_gru2_body,
        grid=(NB,),
        in_specs=[_ZPART, _ROW, _FULL(D, 3 * D), _FULL(D, 3 * D),
                  _FULL(1, 3 * D), _FULL(1, 3 * D), _BATCH],
        out_specs=[_ROW, _FULL(3, G, D)],
        out_shape=[jax.ShapeDtypeStruct((NP, D), _f32),
                   jax.ShapeDtypeStruct((3, G, D), _f32)],
    )(z, h, wih_t, whh_t, bih, bhh, batch_p)


def _call_fin(u, stats2, batch_p, w, b, a, h0, wlin_t, blin):
    return pl.pallas_call(
        _tc_fin_body,
        grid=(NB,),
        in_specs=[_ROW, _FULL(3, G, D), _BATCH, _FULL(1, D),
                  _FULL(1, D), _FULL(1, D), _ROW, _FULL(D, D), _FULL(1, D)],
        out_specs=_ROW,
        out_shape=jax.ShapeDtypeStruct((NP, D), _f32),
    )(u, stats2, batch_p, w, b, a, h0, wlin_t, blin)




def kernel(x, edge_index, batch, W0, b0, gn0_w, gn0_b, gn0_a, ggc_w,
           gru_wih, gru_whh, gru_bih, gru_bhh, gn1_w, gn1_b, gn1_a,
           W_lin, b_lin):
    x_p = jnp.zeros((NP, D), _f32).at[:N].set(x)
    batch_p = jnp.full((1, NP), G, jnp.int32).at[0, :N].set(batch)

    pad = EP - E
    dummy = N + jnp.arange(pad, dtype=jnp.int32) % (NP - N)
    row = jnp.concatenate([edge_index[0], dummy]).reshape(NW, NCH, 1, K)
    col = jnp.concatenate([edge_index[1], dummy]).reshape(NW, NCH, 1, K)
    idx = jnp.concatenate([row, col], axis=2)
    col3 = col.reshape(NW, NCH, K)

    zeros_d = jnp.zeros((NP, D), _f32)
    ones_w = jnp.ones((K, DW), _f32)

    r2 = lambda v: v.reshape(1, -1)
    wih_t = gru_wih.T
    whh_t = gru_whh.T

    deg = _sc_deg()(col3, zeros_d, ones_w)
    xw = _call_xw(x_p, W0)
    y = _call_y(xw, deg)
    z = _sc_scatter()(y, idx, zeros_d)
    t, stats = _call_t(z, y, deg, r2(b0), batch_p)
    h0, m0 = _call_h0(t, stats, batch_p, r2(gn0_w), r2(gn0_b),
                      r2(gn0_a), ggc_w[0])
    a0 = _sc_scatter()(m0, idx, zeros_d)
    h1, m1 = _call_gru(a0, h0, wih_t, whh_t, r2(gru_bih), r2(gru_bhh),
                       ggc_w[1])
    a1 = _sc_scatter()(m1, idx, zeros_d)
    u, stats2 = _call_gru2(a1, h1, wih_t, whh_t, r2(gru_bih), r2(gru_bhh),
                           batch_p)
    out = _call_fin(u, stats2, batch_p, r2(gn1_w), r2(gn1_b),
                    r2(gn1_a), h0, W_lin.T, r2(b_lin))
    return out[:N]

# --- scband reference (transcript-rebuilt; emitter-appended) ---
"""Pipeline reference for scband-gated-gcn-72018011619926 (READ-ONLY COPY).

The authoritative reference and input builder live on the scoring server;
editing this copy changes nothing except your own understanding.
"""

import jax, jax.numpy as jnp
import numpy as np

N = 10000
E = 320000
D = 128
G = 16

def gru_cell(inp, h, wih, whh, bih, bhh):
    gi = inp @ wih.T + bih
    gh = h @ whh.T + bhh
    i_r, i_z, i_n = jnp.split(gi, 3, axis=1)
    h_r, h_z, h_n = jnp.split(gh, 3, axis=1)
    r = jax.nn.sigmoid(i_r + h_r)
    z = jax.nn.sigmoid(i_z + h_z)
    n = jnp.tanh(i_n + r * h_n)
    return (1.0 - z) * n + z * h

def gcn_conv(x, edge_index, W, b):
    xw = x @ W
    row = jnp.concatenate([edge_index[0], jnp.arange(N, dtype=edge_index.dtype)])
    col = jnp.concatenate([edge_index[1], jnp.arange(N, dtype=edge_index.dtype)])
    deg = jnp.zeros((N,), dtype=xw.dtype).at[col].add(1.0)
    dinv = jnp.where(deg > 0, deg ** -0.5, 0.0)
    norm = dinv[row] * dinv[col]
    out = jnp.zeros((N, xw.shape[1]), dtype=xw.dtype).at[col].add(xw[row] * norm[:, None])
    return out + b

def graph_norm(x, batch, weight, bias, mean_scale, eps=1e-5):
    cnt = jnp.clip(jax.ops.segment_sum(jnp.ones((x.shape[0],), dtype=x.dtype), batch, num_segments=G), 1.0)
    mean = jax.ops.segment_sum(x, batch, num_segments=G) / cnt[:, None]
    out = x - mean[batch] * mean_scale
    var = jax.ops.segment_sum(out * out, batch, num_segments=G) / cnt[:, None]
    std = jnp.sqrt(var + eps)
    return weight * (out / std[batch]) + bias

def gated_graph_conv(x, edge_index, ggc_w, wih, whh, bih, bhh):
    h = x
    row, col = edge_index[0], edge_index[1]
    for i in range(2):
        m = h @ ggc_w[i]
        agg = jnp.zeros_like(h).at[col].add(m[row])
        h = gru_cell(agg, h, wih, whh, bih, bhh)
    return h

def setup_inputs(seed: int = 0):
    key = jax.random.key(seed)
    ks = jax.random.split(key, 16)
    s = 1.0 / np.sqrt(D)
    inp = {}
    inp["x"] = jax.random.normal(ks[0], (N, D), dtype=jnp.float32)
    inp["edge_index"] = jax.random.randint(ks[1], (2, E), 0, N, dtype=jnp.int32)
    inp["batch"] = jnp.sort(jax.random.randint(ks[2], (N,), 0, G, dtype=jnp.int32))
    inp["W0"] = jax.random.normal(ks[3], (D, D), dtype=jnp.float32) * s
    inp["b0"] = jnp.zeros((D,), dtype=jnp.float32)
    inp["gn0_w"] = jnp.ones((D,), dtype=jnp.float32)
    inp["gn0_b"] = jnp.zeros((D,), dtype=jnp.float32)
    inp["gn0_a"] = jnp.ones((D,), dtype=jnp.float32)
    inp["ggc_w"] = jax.random.normal(ks[4], (2, D, D), dtype=jnp.float32) * s
    inp["gru_wih"] = jax.random.normal(ks[5], (3 * D, D), dtype=jnp.float32) * s
    inp["gru_whh"] = jax.random.normal(ks[6], (3 * D, D), dtype=jnp.float32) * s
    inp["gru_bih"] = jnp.zeros((3 * D,), dtype=jnp.float32)
    inp["gru_bhh"] = jnp.zeros((3 * D,), dtype=jnp.float32)
    inp["gn1_w"] = jnp.ones((D,), dtype=jnp.float32)
    inp["gn1_b"] = jnp.zeros((D,), dtype=jnp.float32)
    inp["gn1_a"] = jnp.ones((D,), dtype=jnp.float32)
    inp["W_lin"] = jax.random.normal(ks[7], (D, D), dtype=jnp.float32) * s
    inp["b_lin"] = jnp.zeros((D,), dtype=jnp.float32)
    return inp

def reference(x, edge_index, batch, W0, b0, gn0_w, gn0_b, gn0_a, ggc_w, gru_wih, gru_whh, gru_bih, gru_bhh, gn1_w, gn1_b, gn1_a, W_lin, b_lin):
    h = gcn_conv(x, edge_index, W0, b0)
    h = graph_norm(h, batch, gn0_w, gn0_b, gn0_a)
    g = gated_graph_conv(h, edge_index, ggc_w, gru_wih, gru_whh, gru_bih, gru_bhh)
    h = h + graph_norm(jax.nn.gelu(g, approximate=False), batch, gn1_w, gn1_b, gn1_a)
    return h @ W_lin.T + b_lin

if __name__ == "__main__":
    import jax
    _d = setup_inputs()
    print(jax.jit(kernel)(*tuple(_d.values())))

</pallas_src>

<mosaic_0001>
#map = affine_map<(d0, d1) -> (0, 0)>
#map1 = affine_map<(d0, d1) -> (0, 0, 0, 0)>
#map2 = affine_map<(d0, d1) -> (0, 0, 0)>
module attributes {stable_mosaic.version = 14 : i64} {
  func.func @_sc_scatter_body(%arg0: i32, %arg1: i32, %arg2: memref<10240x128xf32, #tpu.memory_space<hbm>>, %arg3: memref<32x90x2x112xi32, #tpu.memory_space<hbm>>, %arg4: memref<10240x128xf32, #tpu.memory_space<hbm>>, %arg5: memref<2x10240x128xf32, #tpu.memory_space<hbm>>, %arg6: memref<2x112xi32, #tpu.memory_space<vmem>>, %arg7: memref<2x112xi32, #tpu.memory_space<vmem>>, %arg8: memref<2x112xi32, #tpu.memory_space<vmem>>, %arg9: memref<112x128xf32, #tpu.memory_space<vmem>>, %arg10: memref<112x128xf32, #tpu.memory_space<vmem>>, %arg11: memref<112x128xf32, #tpu.memory_space<vmem>>, %arg12: memref<10240x128xf32, #tpu.memory_space<vmem_shared>>, %arg13: memref<!tpu.dma_semaphore, #tpu.memory_space<semaphore_mem>>, %arg14: memref<!tpu.dma_semaphore, #tpu.memory_space<semaphore_mem>>, %arg15: memref<!tpu.dma_semaphore, #tpu.memory_space<semaphore_mem>>, %arg16: memref<!tpu.dma_semaphore, #tpu.memory_space<semaphore_mem>>, %arg17: memref<!tpu.dma_semaphore, #tpu.memory_space<semaphore_mem>>, %arg18: memref<!tpu.dma_semaphore, #tpu.memory_space<semaphore_mem>>) attributes {dimension_semantics = [#tpu.dimension_semantics<core_parallel>, #tpu.dimension_semantics<subcore_parallel>], iteration_bounds = array<i64: 2, 16>, scalar_prefetch = 0 : i64, scratch_operands = 13 : i64, tpu.core_type = #tpu.core_type<sc_vector_subcore>, window_params = [{transform_indices = #map}, {transform_indices = #map1}, {transform_indices = #map}, {transform_indices = #map2}]} {
    %mul3A = arith.constant 2 : i32
    %mul3A_0 = arith.muli %arg1, %mul3A : i32
    %add3A = arith.addi %mul3A_0, %arg0 : i32
    %mul3A_1 = arith.constant 640 : i32
    %mul3A_2 = arith.muli %arg1, %mul3A_1 : i32
    %mul3A_3 = arith.constant 640 : i32
    %mul3A_4 = arith.muli %arg1, %mul3A_3 : i32
    "tpu.region"() ({
      %run_scoped3A_110 = tpu.sem_alloc : memref<!tpu.dma_semaphore, #tpu.memory_space<semaphore_mem>>
      %dma_start3A_111 = arith.constant 0 : i32
      %dma_start3A_112 = tpu.memref_slice %arg12[%mul3A_4, %dma_start3A_111] : memref<10240x128xf32, #tpu.memory_space<vmem_shared>> -> memref<640x128xf32, #tpu.memory_space<vmem_shared>>
      %dma_start3A_113 = arith.constant 0 : i32
      %dma_start3A_114 = tpu.memref_slice %arg4[%mul3A_2, %dma_start3A_113] : memref<10240x128xf32, #tpu.memory_space<hbm>> -> memref<640x128xf32, #tpu.memory_space<hbm>>
      tpu.enqueue_dma source(%dma_start3A_114 : memref<640x128xf32, #tpu.memory_space<hbm>>) target(%dma_start3A_112 : memref<640x128xf32, #tpu.memory_space<vmem_shared>>) target_semaphore(%run_scoped3A_110 : memref<!tpu.dma_semaphore, #tpu.memory_space<semaphore_mem>>)
      %dma_wait3A_115 = arith.constant 0 : i32
      %dma_wait3A_116 = tpu.memref_slice %arg12[%mul3A_4, %dma_wait3A_115] : memref<10240x128xf32, #tpu.memory_space<vmem_shared>> -> memref<640x128xf32, #tpu.memory_space<vmem_shared>>
      %dma_wait3A_117 = arith.constant 0 : i32
      %dma_wait3A_118 = tpu.memref_slice %arg4[%mul3A_2, %dma_wait3A_117] : memref<10240x128xf32, #tpu.memory_space<hbm>> -> memref<640x128xf32, #tpu.memory_space<hbm>>
      tpu.wait_dma2 semaphore(%run_scoped3A_110 : memref<!tpu.dma_semaphore, #tpu.memory_space<semaphore_mem>>) src(%dma_wait3A_118 : memref<640x128xf32, #tpu.memory_space<hbm>>) dst(%dma_wait3A_116 : memref<640x128xf32, #tpu.memory_space<vmem_shared>>)
      tpu.yield
    }) : () -> ()
    %barrier3A = arith.constant 0 : index
    tpu.barrier barrier_id(%barrier3A)
    %dma_start3A = arith.constant 0 : i32
    %dma_start3A_5 = arith.constant 0 : i32
    %dma_start3A_6 = arith.constant 0 : i32
    %dma_start3A_7 = tpu.memref_slice %arg3[%add3A, %dma_start3A, %dma_start3A_5, %dma_start3A_6] : memref<32x90x2x112xi32, #tpu.memory_space<hbm>> -> memref<1x1x2x112xi32, #tpu.memory_space<hbm>>
    %dma_start3A_8 = tpu.memref_squeeze %dma_start3A_7 : memref<1x1x2x112xi32, #tpu.memory_space<hbm>> -> memref<2x112xi32, #tpu.memory_space<hbm>>
    %dma_start3A_9 = arith.constant 0 : i32
    %dma_start3A_10 = arith.constant 0 : i32
    %dma_start3A_11 = tpu.memref_slice %arg3[%add3A, %dma_start3A, %dma_start3A_9, %dma_start3A_10] : memref<32x90x2x112xi32, #tpu.memory_space<hbm>> -> memref<1x1x2x112xi32, #tpu.memory_space<hbm>>
    %dma_start3A_12 = tpu.memref_squeeze %dma_start3A_11 : memref<1x1x2x112xi32, #tpu.memory_space<hbm>> -> memref<2x112xi32, #tpu.memory_space<hbm>>
    tpu.enqueue_dma source(%dma_start3A_12 : memref<2x112xi32, #tpu.memory_space<hbm>>) target(%arg6 : memref<2x112xi32, #tpu.memory_space<vmem>>) target_semaphore(%arg13 : memref<!tpu.dma_semaphore, #tpu.memory_space<semaphore_mem>>)
    %dma_start3A_13 = arith.constant 1 : i32
    %dma_start3A_14 = arith.constant 0 : i32
    %dma_start3A_15 = arith.constant 0 : i32
    %dma_start3A_16 = tpu.memref_slice %arg3[%add3A, %dma_start3A_13, %dma_start3A_14, %dma_start3A_15] : memref<32x90x2x112xi32, #tpu.memory_space<hbm>> -> memref<1x1x2x112xi32, #tpu.memory_space<hbm>>
    %dma_start3A_17 = tpu.memref_squeeze %dma_start3A_16 : memref<1x1x2x112xi32, #tpu.memory_space<hbm>> -> memref<2x112xi32, #tpu.memory_space<hbm>>
    %dma_start3A_18 = arith.constant 0 : i32
    %dma_start3A_19 = arith.constant 0 : i32
    %dma_start3A_20 = tpu.memref_slice %arg3[%add3A, %dma_start3A_13, %dma_start3A_18, %dma_start3A_19] : memref<32x90x2x112xi32, #tpu.memory_space<hbm>> -> memref<1x1x2x112xi32, #tpu.memory_space<hbm>>
    %dma_start3A_21 = tpu.memref_squeeze %dma_start3A_20 : memref<1x1x2x112xi32, #tpu.memory_space<hbm>> -> memref<2x112xi32, #tpu.memory_space<hbm>>
    tpu.enqueue_dma source(%dma_start3A_21 : memref<2x112xi32, #tpu.memory_space<hbm>>) target(%arg7 : memref<2x112xi32, #tpu.memory_space<vmem>>) target_semaphore(%arg14 : memref<!tpu.dma_semaphore, #tpu.memory_space<semaphore_mem>>)
    %dma_start3A_22 = arith.constant 2 : i32
    %dma_start3A_23 = arith.constant 0 : i32
    %dma_start3A_24 = arith.constant 0 : i32
    %dma_start3A_25 = tpu.memref_slice %arg3[%add3A, %dma_start3A_22, %dma_start3A_23, %dma_start3A_24] : memref<32x90x2x112xi32, #tpu.memory_space<hbm>> -> memref<1x1x2x112xi32, #tpu.memory_space<hbm>>
    %dma_start3A_26 = tpu.memref_squeeze %dma_start3A_25 : memref<1x1x2x112xi32, #tpu.memory_space<hbm>> -> memref<2x112xi32, #tpu.memory_space<hbm>>
    %dma_start3A_27 = arith.constant 0 : i32
    %dma_start3A_28 = arith.constant 0 : i32
    %dma_start3A_29 = tpu.memref_slice %arg3[%add3A, %dma_start3A_22, %dma_start3A_27, %dma_start3A_28] : memref<32x90x2x112xi32, #tpu.memory_space<hbm>> -> memref<1x1x2x112xi32, #tpu.memory_space<hbm>>
    %dma_start3A_30 = tpu.memref_squeeze %dma_start3A_29 : memref<1x1x2x112xi32, #tpu.memory_space<hbm>> -> memref<2x112xi32, #tpu.memory_space<hbm>>
    tpu.enqueue_dma source(%dma_start3A_30 : memref<2x112xi32, #tpu.memory_space<hbm>>) target(%arg8 : memref<2x112xi32, #tpu.memory_space<vmem>>) target_semaphore(%arg15 : memref<!tpu.dma_semaphore, #tpu.memory_space<semaphore_mem>>)
    %dma_wait3A = arith.constant 0 : i32
    %dma_wait3A_31 = arith.constant 0 : i32
    %dma_wait3A_32 = arith.constant 0 : i32
    %dma_wait3A_33 = tpu.memref_slice %arg3[%add3A, %dma_wait3A, %dma_wait3A_31, %dma_wait3A_32] : memref<32x90x2x112xi32, #tpu.memory_space<hbm>> -> memref<1x1x2x112xi32, #tpu.memory_space<hbm>>
    %dma_wait3A_34 = tpu.memref_squeeze %dma_wait3A_33 : memref<1x1x2x112xi32, #tpu.memory_space<hbm>> -> memref<2x112xi32, #tpu.memory_space<hbm>>
    %dma_wait3A_35 = arith.constant 0 : i32
    %dma_wait3A_36 = arith.constant 0 : i32
    %dma_wait3A_37 = tpu.memref_slice %arg3[%add3A, %dma_wait3A, %dma_wait3A_35, %dma_wait3A_36] : memref<32x90x2x112xi32, #tpu.memory_space<hbm>> -> memref<1x1x2x112xi32, #tpu.memory_space<hbm>>
    %dma_wait3A_38 = tpu.memref_squeeze %dma_wait3A_37 : memref<1x1x2x112xi32, #tpu.memory_space<hbm>> -> memref<2x112xi32, #tpu.memory_space<hbm>>
    tpu.wait_dma2 semaphore(%arg13 : memref<!tpu.dma_semaphore, #tpu.memory_space<semaphore_mem>>) src(%dma_wait3A_38 : memref<2x112xi32, #tpu.memory_space<hbm>>) dst(%arg6 : memref<2x112xi32, #tpu.memory_space<vmem>>)
    %dma_start3A_39 = arith.constant 0 : i32
    %dma_start3A_40 = arith.constant 0 : i32
    %dma_start3A_41 = tpu.memref_slice %arg6[%dma_start3A_39, %dma_start3A_40] : memref<2x112xi32, #tpu.memory_space<vmem>> -> memref<1x112xi32, #tpu.memory_space<vmem>>
    %dma_start3A_42 = tpu.memref_squeeze %dma_start3A_41 : memref<1x112xi32, #tpu.memory_space<vmem>> -> memref<112xi32, #tpu.memory_space<vmem>>
    %dma_start3A_43 = arith.constant 0 : i32
    %dma_start3A_44 = arith.constant 0 : i32
    %dma_start3A_45 = tpu.memref_slice %arg2[%dma_start3A_43, %dma_start3A_44] : memref<10240x128xf32, #tpu.memory_space<hbm>> -> memref<10240x128xf32, #tpu.memory_space<hbm>>
    tpu.enqueue_indirect_dma source(%dma_start3A_45 : memref<10240x128xf32, #tpu.memory_space<hbm>>) target(%arg9 : memref<112x128xf32, #tpu.memory_space<vmem>>) offsets(%dma_start3A_42 : memref<112xi32, #tpu.memory_space<vmem>>) semaphore(%arg16 : memref<!tpu.dma_semaphore, #tpu.memory_space<semaphore_mem>>)
    %dma_wait3A_46 = arith.constant 1 : i32
    %dma_wait3A_47 = arith.constant 0 : i32
    %dma_wait3A_48 = arith.constant 0 : i32
    %dma_wait3A_49 = tpu.memref_slice %arg3[%add3A, %dma_wait3A_46, %dma_wait3A_47, %dma_wait3A_48] : memref<32x90x2x112xi32, #tpu.memory_space<hbm>> -> memref<1x1x2x112xi32, #tpu.memory_space<hbm>>
    %dma_wait3A_50 = tpu.memref_squeeze %dma_wait3A_49 : memref<1x1x2x112xi32, #tpu.memory_space<hbm>> -> memref<2x112xi32, #tpu.memory_space<hbm>>
    %dma_wait3A_51 = arith.constant 0 : i32
    %dma_wait3A_52 = arith.constant 0 : i32
    %dma_wait3A_53 = tpu.memref_slice %arg3[%add3A, %dma_wait3A_46, %dma_wait3A_51, %dma_wait3A_52] : memref<32x90x2x112xi32, #tpu.memory_space<hbm>> -> memref<1x1x2x112xi32, #tpu.memory_space<hbm>>
    %dma_wait3A_54 = tpu.memref_squeeze %dma_wait3A_53 : memref<1x1x2x112xi32, #tpu.memory_space<hbm>> -> memref<2x112xi32, #tpu.memory_space<hbm>>
    tpu.wait_dma2 semaphore(%arg14 : memref<!tpu.dma_semaphore, #tpu.memory_space<semaphore_mem>>) src(%dma_wait3A_54 : memref<2x112xi32, #tpu.memory_space<hbm>>) dst(%arg7 : memref<2x112xi32, #tpu.memory_space<vmem>>)
    %dma_start3A_55 = arith.constant 0 : i32
    %dma_start3A_56 = arith.constant 0 : i32
    %dma_start3A_57 = tpu.memref_slice %arg7[%dma_start3A_55, %dma_start3A_56] : memref<2x112xi32, #tpu.memory_space<vmem>> -> memref<1x112xi32, #tpu.memory_space<vmem>>
    %dma_start3A_58 = tpu.memref_squeeze %dma_start3A_57 : memref<1x112xi32, #tpu.memory_space<vmem>> -> memref<112xi32, #tpu.memory_space<vmem>>
    %dma_start3A_59 = arith.constant 0 : i32
    %dma_start3A_60 = arith.constant 0 : i32
    %dma_start3A_61 = tpu.memref_slice %arg2[%dma_start3A_59, %dma_start3A_60] : memref<10240x128xf32, #tpu.memory_space<hbm>> -> memref<10240x128xf32, #tpu.memory_space<hbm>>
    tpu.enqueue_indirect_dma source(%dma_start3A_61 : memref<10240x128xf32, #tpu.memory_space<hbm>>) target(%arg10 : memref<112x128xf32, #tpu.memory_space<vmem>>) offsets(%dma_start3A_58 : memref<112xi32, #tpu.memory_space<vmem>>) semaphore(%arg17 : memref<!tpu.dma_semaphore, #tpu.memory_space<semaphore_mem>>)
    %scan3A = arith.constant 0 : i32
    %scan3A_62 = arith.constant 29 : i32
    %scan3A_63 = arith.addi %scan3A, %scan3A_62 : i32
    %scan3A_64 = arith.constant 1 : i32
    scf.for %scan3A_110 = %scan3A to %scan3A_63 step %scan3A_64  : i32 {
      %mul3A_111 = arith.constant 3 : i32
      %mul3A_112 = arith.muli %scan3A_110, %mul3A_111 : i32
      %add3A_113 = arith.constant 0 : i32
      %add3A_114 = arith.addi %add3A_113, %mul3A_112 : i32
      %add3A_115 = arith.constant 0 : i32
      %add3A_116 = arith.addi %add3A_114, %add3A_115 : i32
      %add3A_117 = arith.constant 3 : i32
      %add3A_118 = arith.addi %add3A_116, %add3A_117 : i32
      %sub3A = arith.constant 1 : i32
      %sub3A_119 = arith.subi %add3A_118, %sub3A : i32
      %dma_wait3A_120 = arith.constant 0 : i32
      %dma_wait3A_121 = arith.constant 0 : i32
      %dma_wait3A_122 = tpu.memref_slice %arg3[%add3A, %sub3A_119, %dma_wait3A_120, %dma_wait3A_121] : memref<32x90x2x112xi32, #tpu.memory_space<hbm>> -> memref<1x1x2x112xi32, #tpu.memory_space<hbm>>
      %dma_wait3A_123 = tpu.memref_squeeze %dma_wait3A_122 : memref<1x1x2x112xi32, #tpu.memory_space<hbm>> -> memref<2x112xi32, #tpu.memory_space<hbm>>
      %dma_wait3A_124 = arith.constant 0 : i32
      %dma_wait3A_125 = arith.constant 0 : i32
      %dma_wait3A_126 = tpu.memref_slice %arg3[%add3A, %sub3A_119, %dma_wait3A_124, %dma_wait3A_125] : memref<32x90x2x112xi32, #tpu.memory_space<hbm>> -> memref<1x1x2x112xi32, #tpu.memory_space<hbm>>
      %dma_wait3A_127 = tpu.memref_squeeze %dma_wait3A_126 : memref<1x1x2x112xi32, #tpu.memory_space<hbm>> -> memref<2x112xi32, #tpu.memory_space<hbm>>
      tpu.wait_dma2 semaphore(%arg15 : memref<!tpu.dma_semaphore, #tpu.memory_space<semaphore_mem>>) src(%dma_wait3A_127 : memref<2x112xi32, #tpu.memory_space<hbm>>) dst(%arg8 : memref<2x112xi32, #tpu.memory_space<vmem>>)
      %dma_start3A_128 = arith.constant 0 : i32
      %dma_start3A_129 = arith.constant 0 : i32
      %dma_start3A_130 = tpu.memref_slice %arg8[%dma_start3A_128, %dma_start3A_129] : memref<2x112xi32, #tpu.memory_space<vmem>> -> memref<1x112xi32, #tpu.memory_space<vmem>>
      %dma_start3A_131 = tpu.memref_squeeze %dma_start3A_130 : memref<1x112xi32, #tpu.memory_space<vmem>> -> memref<112xi32, #tpu.memory_space<vmem>>
      %dma_start3A_132 = arith.constant 0 : i32
      %dma_start3A_133 = arith.constant 0 : i32
      %dma_start3A_134 = tpu.memref_slice %arg2[%dma_start3A_132, %dma_start3A_133] : memref<10240x128xf32, #tpu.memory_space<hbm>> -> memref<10240x128xf32, #tpu.memory_space<hbm>>
      tpu.enqueue_indirect_dma source(%dma_start3A_134 : memref<10240x128xf32, #tpu.memory_space<hbm>>) target(%arg11 : memref<112x128xf32, #tpu.memory_space<vmem>>) offsets(%dma_start3A_131 : memref<112xi32, #tpu.memory_space<vmem>>) semaphore(%arg18 : memref<!tpu.dma_semaphore, #tpu.memory_space<semaphore_mem>>)
      %dma_wait3A_135 = arith.constant 0 : i32
      %dma_wait3A_136 = arith.constant 0 : i32
      %dma_wait3A_137 = tpu.memref_slice %arg6[%dma_wait3A_135, %dma_wait3A_136] : memref<2x112xi32, #tpu.memory_space<vmem>> -> memref<1x112xi32, #tpu.memory_space<vmem>>
      %dma_wait3A_138 = tpu.memref_squeeze %dma_wait3A_137 : memref<1x112xi32, #tpu.memory_space<vmem>> -> memref<112xi32, #tpu.memory_space<vmem>>
      %dma_wait3A_139 = arith.constant 0 : i32
      %dma_wait3A_140 = arith.constant 0 : i32
      %dma_wait3A_141 = tpu.memref_slice %arg2[%dma_wait3A_139, %dma_wait3A_140] : memref<10240x128xf32, #tpu.memory_space<hbm>> -> memref<10240x128xf32, #tpu.memory_space<hbm>>
      tpu.wait_indirect_dma semaphore(%arg16 : memref<!tpu.dma_semaphore, #tpu.memory_space<semaphore_mem>>) src(%dma_wait3A_141 : memref<10240x128xf32, #tpu.memory_space<hbm>>) dst(%arg9 : memref<112x128xf32, #tpu.memory_space<vmem>>)
      %run_scoped3A_142 = arith.constant 1 : i32
      "tpu.region"() ({
        %run_scoped3A_231 = tpu.sem_alloc : memref<!tpu.dma_semaphore, #tpu.memory_space<semaphore_mem>>
        %dma_start3A_232 = arith.constant 0 : i32
        %dma_start3A_233 = tpu.memref_slice %arg6[%run_scoped3A_142, %dma_start3A_232] : memref<2x112xi32, #tpu.memory_space<vmem>> -> memref<1x112xi32, #tpu.memory_space<vmem>>
        %dma_start3A_234 = tpu.memref_squeeze %dma_start3A_233 : memref<1x112xi32, #tpu.memory_space<vmem>> -> memref<112xi32, #tpu.memory_space<vmem>>
        %dma_start3A_235 = arith.constant 0 : i32
        %dma_start3A_236 = arith.constant 0 : i32
        %dma_start3A_237 = tpu.memref_slice %arg12[%dma_start3A_235, %dma_start3A_236] : memref<10240x128xf32, #tpu.memory_space<vmem_shared>> -> memref<10240x128xf32, #tpu.memory_space<vmem_shared>>
        tpu.enqueue_indirect_dma source(%arg9 : memref<112x128xf32, #tpu.memory_space<vmem>>) target(%dma_start3A_237 : memref<10240x128xf32, #tpu.memory_space<vmem_shared>>) offsets(%dma_start3A_234 : memref<112xi32, #tpu.memory_space<vmem>>) semaphore(%run_scoped3A_231 : memref<!tpu.dma_semaphore, #tpu.memory_space<semaphore_mem>>) {add = true}
        %dma_wait3A_238 = arith.constant 0 : i32
        %dma_wait3A_239 = tpu.memref_slice %arg6[%run_scoped3A_142, %dma_wait3A_238] : memref<2x112xi32, #tpu.memory_space<vmem>> -> memref<1x112xi32, #tpu.memory_space<vmem>>
        %dma_wait3A_240 = tpu.memref_squeeze %dma_wait3A_239 : memref<1x112xi32, #tpu.memory_space<vmem>> -> memref<112xi32, #tpu.memory_space<vmem>>
        %dma_wait3A_241 = arith.constant 0 : i32
        %dma_wait3A_242 = arith.constant 0 : i32
        %dma_wait3A_243 = tpu.memref_slice %arg12[%dma_wait3A_241, %dma_wait3A_242] : memref<10240x128xf32, #tpu.memory_space<vmem_shared>> -> memref<10240x128xf32, #tpu.memory_space<vmem_shared>>
        tpu.wait_indirect_dma semaphore(%run_scoped3A_231 : memref<!tpu.dma_semaphore, #tpu.memory_space<semaphore_mem>>) src(%arg9 : memref<112x128xf32, #tpu.memory_space<vmem>>) dst(%dma_wait3A_243 : memref<10240x128xf32, #tpu.memory_space<vmem_shared>>)
        tpu.yield
      }) : () -> ()
      %add3A_143 = arith.constant 3 : i32
      %add3A_144 = arith.addi %add3A_116, %add3A_143 : i32
      %dma_start3A_145 = arith.constant 0 : i32
      %dma_start3A_146 = arith.constant 0 : i32
      %dma_start3A_147 = tpu.memref_slice %arg3[%add3A, %add3A_144, %dma_start3A_145, %dma_start3A_146] : memref<32x90x2x112xi32, #tpu.memory_space<hbm>> -> memref<1x1x2x112xi32, #tpu.memory_space<hbm>>
      %dma_start3A_148 = tpu.memref_squeeze %dma_start3A_147 : memref<1x1x2x112xi32, #tpu.memory_space<hbm>> -> memref<2x112xi32, #tpu.memory_space<hbm>>
      %dma_start3A_149 = arith.constant 0 : i32
      %dma_start3A_150 = arith.constant 0 : i32
      %dma_start3A_151 = tpu.memref_slice %arg3[%add3A, %add3A_144, %dma_start3A_149, %dma_start3A_150] : memref<32x90x2x112xi32, #tpu.memory_space<hbm>> -> memref<1x1x2x112xi32, #tpu.memory_space<hbm>>
      %dma_start3A_152 = tpu.memref_squeeze %dma_start3A_151 : memref<1x1x2x112xi32, #tpu.memory_space<hbm>> -> memref<2x112xi32, #tpu.memory_space<hbm>>
      tpu.enqueue_dma source(%dma_start3A_152 : memref<2x112xi32, #tpu.memory_space<hbm>>) target(%arg6 : memref<2x112xi32, #tpu.memory_space<vmem>>) target_semaphore(%arg13 : memref<!tpu.dma_semaphore, #tpu.memory_space<semaphore_mem>>)
      %add3A_153 = arith.constant 1 : i32
      %add3A_154 = arith.addi %add3A_114, %add3A_153 : i32
      %add3A_155 = arith.constant 3 : i32
      %add3A_156 = arith.addi %add3A_154, %add3A_155 : i32
      %sub3A_157 = arith.constant 1 : i32
      %sub3A_158 = arith.subi %add3A_156, %sub3A_157 : i32
      %dma_wait3A_159 = arith.constant 0 : i32
      %dma_wait3A_160 = arith.constant 0 : i32
      %dma_wait3A_161 = tpu.memref_slice %arg3[%add3A, %sub3A_158, %dma_wait3A_159, %dma_wait3A_160] : memref<32x90x2x112xi32, #tpu.memory_space<hbm>> -> memref<1x1x2x112xi32, #tpu.memory_space<hbm>>
      %dma_wait3A_162 = tpu.memref_squeeze %dma_wait3A_161 : memref<1x1x2x112xi32, #tpu.memory_space<hbm>> -> memref<2x112xi32, #tpu.memory_space<hbm>>
      %dma_wait3A_163 = arith.constant 0 : i32
      %dma_wait3A_164 = arith.constant 0 : i32
      %dma_wait3A_165 = tpu.memref_slice %arg3[%add3A, %sub3A_158, %dma_wait3A_163, %dma_wait3A_164] : memref<32x90x2x112xi32, #tpu.memory_space<hbm>> -> memref<1x1x2x112xi32, #tpu.memory_space<hbm>>
      %dma_wait3A_166 = tpu.memref_squeeze %dma_wait3A_165 : memref<1x1x2x112xi32, #tpu.memory_space<hbm>> -> memref<2x112xi32, #tpu.memory_space<hbm>>
      tpu.wait_dma2 semaphore(%arg13 : memref<!tpu.dma_semaphore, #tpu.memory_space<semaphore_mem>>) src(%dma_wait3A_166 : memref<2x112xi32, #tpu.memory_space<hbm>>) dst(%arg6 : memref<2x112xi32, #tpu.memory_space<vmem>>)
      %dma_start3A_167 = arith.constant 0 : i32
      %dma_start3A_168 = arith.constant 0 : i32
      %dma_start3A_169 = tpu.memref_slice %arg6[%dma_start3A_167, %dma_start3A_168] : memref<2x112xi32, #tpu.memory_space<vmem>> -> memref<1x112xi32, #tpu.memory_space<vmem>>
      %dma_start3A_170 = tpu.memref_squeeze %dma_start3A_169 : memref<1x112xi32, #tpu.memory_space<vmem>> -> memref<112xi32, #tpu.memory_space<vmem>>
      %dma_start3A_171 = arith.constant 0 : i32
      %dma_start3A_172 = arith.constant 0 : i32
      %dma_start3A_173 = tpu.memref_slice %arg2[%dma_start3A_171, %dma_start3A_172] : memref<10240x128xf32, #tpu.memory_space<hbm>> -> memref<10240x128xf32, #tpu.memory_space<hbm>>
      tpu.enqueue_indirect_dma source(%dma_start3A_173 : memref<10240x128xf32, #tpu.memory_space<hbm>>) target(%arg9 : memref<112x128xf32, #tpu.memory_space<vmem>>) offsets(%dma_start3A_170 : memref<112xi32, #tpu.memory_space<vmem>>) semaphore(%arg16 : memref<!tpu.dma_semaphore, #tpu.memory_space<semaphore_mem>>)
      %dma_wait3A_174 = arith.constant 0 : i32
      %dma_wait3A_175 = arith.constant 0 : i32
      %dma_wait3A_176 = tpu.memref_slice %arg7[%dma_wait3A_174, %dma_wait3A_175] : memref<2x112xi32, #tpu.memory_space<vmem>> -> memref<1x112xi32, #tpu.memory_space<vmem>>
      %dma_wait3A_177 = tpu.memref_squeeze %dma_wait3A_176 : memref<1x112xi32, #tpu.memory_space<vmem>> -> memref<112xi32, #tpu.memory_space<vmem>>
      %dma_wait3A_178 = arith.constant 0 : i32
      %dma_wait3A_179 = arith.constant 0 : i32
      %dma_wait3A_180 = tpu.memref_slice %arg2[%dma_wait3A_178, %dma_wait3A_179] : memref<10240x128xf32, #tpu.memory_space<hbm>> -> memref<10240x128xf32, #tpu.memory_space<hbm>>
      tpu.wait_indirect_dma semaphore(%arg17 : memref<!tpu.dma_semaphore, #tpu.memory_space<semaphore_mem>>) src(%dma_wait3A_180 : memref<10240x128xf32, #tpu.memory_space<hbm>>) dst(%arg10 : memref<112x128xf32, #tpu.memory_space<vmem>>)
      %run_scoped3A_181 = arith.constant 1 : i32
      "tpu.region"() ({
        %run_scoped3A_231 = tpu.sem_alloc : memref<!tpu.dma_semaphore, #tpu.memory_space<semaphore_mem>>
        %dma_start3A_232 = arith.constant 0 : i32
        %dma_start3A_233 = tpu.memref_slice %arg7[%run_scoped3A_181, %dma_start3A_232] : memref<2x112xi32, #tpu.memory_space<vmem>> -> memref<1x112xi32, #tpu.memory_space<vmem>>
        %dma_start3A_234 = tpu.memref_squeeze %dma_start3A_233 : memref<1x112xi32, #tpu.memory_space<vmem>> -> memref<112xi32, #tpu.memory_space<vmem>>
        %dma_start3A_235 = arith.constant 0 : i32
        %dma_start3A_236 = arith.constant 0 : i32
        %dma_start3A_237 = tpu.memref_slice %arg12[%dma_start3A_235, %dma_start3A_236] : memref<10240x128xf32, #tpu.memory_space<vmem_shared>> -> memref<10240x128xf32, #tpu.memory_space<vmem_shared>>
        tpu.enqueue_indirect_dma source(%arg10 : memref<112x128xf32, #tpu.memory_space<vmem>>) target(%dma_start3A_237 : memref<10240x128xf32, #tpu.memory_space<vmem_shared>>) offsets(%dma_start3A_234 : memref<112xi32, #tpu.memory_space<vmem>>) semaphore(%run_scoped3A_231 : memref<!tpu.dma_semaphore, #tpu.memory_space<semaphore_mem>>) {add = true}
        %dma_wait3A_238 = arith.constant 0 : i32
        %dma_wait3A_239 = tpu.memref_slice %arg7[%run_scoped3A_181, %dma_wait3A_238] : memref<2x112xi32, #tpu.memory_space<vmem>> -> memref<1x112xi32, #tpu.memory_space<vmem>>
        %dma_wait3A_240 = tpu.memref_squeeze %dma_wait3A_239 : memref<1x112xi32, #tpu.memory_space<vmem>> -> memref<112xi32, #tpu.memory_space<vmem>>
        %dma_wait3A_241 = arith.constant 0 : i32
        %dma_wait3A_242 = arith.constant 0 : i32
        %dma_wait3A_243 = tpu.memref_slice %arg12[%dma_wait3A_241, %dma_wait3A_242] : memref<10240x128xf32, #tpu.memory_space<vmem_shared>> -> memref<10240x128xf32, #tpu.memory_space<vmem_shared>>
        tpu.wait_indirect_dma semaphore(%run_scoped3A_231 : memref<!tpu.dma_semaphore, #tpu.memory_space<semaphore_mem>>) src(%arg10 : memref<112x128xf32, #tpu.memory_space<vmem>>) dst(%dma_wait3A_243 : memref<10240x128xf32, #tpu.memory_space<vmem_shared>>)
        tpu.yield
      }) : () -> ()
      %add3A_182 = arith.constant 3 : i32
      %add3A_183 = arith.addi %add3A_154, %add3A_182 : i32
      %dma_start3A_184 = arith.constant 0 : i32
      %dma_start3A_185 = arith.constant 0 : i32
      %dma_start3A_186 = tpu.memref_slice %arg3[%add3A, %add3A_183, %dma_start3A_184, %dma_start3A_185] : memref<32x90x2x112xi32, #tpu.memory_space<hbm>> -> memref<1x1x2x112xi32, #tpu.memory_space<hbm>>
      %dma_start3A_187 = tpu.memref_squeeze %dma_start3A_186 : memref<1x1x2x112xi32, #tpu.memory_space<hbm>> -> memref<2x112xi32, #tpu.memory_space<hbm>>
      %dma_start3A_188 = arith.constant 0 : i32
      %dma_start3A_189 = arith.constant 0 : i32
      %dma_start3A_190 = tpu.memref_slice %arg3[%add3A, %add3A_183, %dma_start3A_188, %dma_start3A_189] : memref<32x90x2x112xi32, #tpu.memory_space<hbm>> -> memref<1x1x2x112xi32, #tpu.memory_space<hbm>>
      %dma_start3A_191 = tpu.memref_squeeze %dma_start3A_190 : memref<1x1x2x112xi32, #tpu.memory_space<hbm>> -> memref<2x112xi32, #tpu.memory_space<hbm>>
      tpu.enqueue_dma source(%dma_start3A_191 : memref<2x112xi32, #tpu.memory_space<hbm>>) target(%arg7 : memref<2x112xi32, #tpu.memory_space<vmem>>) target_semaphore(%arg14 : memref<!tpu.dma_semaphore, #tpu.memory_space<semaphore_mem>>)
      %add3A_192 = arith.constant 2 : i32
      %add3A_193 = arith.addi %add3A_114, %add3A_192 : i32
      %add3A_194 = arith.constant 3 : i32
      %add3A_195 = arith.addi %add3A_193, %add3A_194 : i32
      %sub3A_196 = arith.constant 1 : i32
      %sub3A_197 = arith.subi %add3A_195, %sub3A_196 : i32
      %dma_wait3A_198 = arith.constant 0 : i32
      %dma_wait3A_199 = arith.constant 0 : i32
      %dma_wait3A_200 = tpu.memref_slice %arg3[%add3A, %sub3A_197, %dma_wait3A_198, %dma_wait3A_199] : memref<32x90x2x112xi32, #tpu.memory_space<hbm>> -> memref<1x1x2x112xi32, #tpu.memory_space<hbm>>
      %dma_wait3A_201 = tpu.memref_squeeze %dma_wait3A_200 : memref<1x1x2x112xi32, #tpu.memory_space<hbm>> -> memref<2x112xi32, #tpu.memory_space<hbm>>
      %dma_wait3A_202 = arith.constant 0 : i32
      %dma_wait3A_203 = arith.constant 0 : i32
      %dma_wait3A_204 = tpu.memref_slice %arg3[%add3A, %sub3A_197, %dma_wait3A_202, %dma_wait3A_203] : memref<32x90x2x112xi32, #tpu.memory_space<hbm>> -> memref<1x1x2x112xi32, #tpu.memory_space<hbm>>
      %dma_wait3A_205 = tpu.memref_squeeze %dma_wait3A_204 : memref<1x1x2x112xi32, #tpu.memory_space<hbm>> -> memref<2x112xi32, #tpu.memory_space<hbm>>
      tpu.wait_dma2 semaphore(%arg14 : memref<!tpu.dma_semaphore, #tpu.memory_space<semaphore_mem>>) src(%dma_wait3A_205 : memref<2x112xi32, #tpu.memory_space<hbm>>) dst(%arg7 : memref<2x112xi32, #tpu.memory_space<vmem>>)
      %dma_start3A_206 = arith.constant 0 : i32
      %dma_start3A_207 = arith.constant 0 : i32
      %dma_start3A_208 = tpu.memref_slice %arg7[%dma_start3A_206, %dma_start3A_207] : memref<2x112xi32, #tpu.memory_space<vmem>> -> memref<1x112xi32, #tpu.memory_space<vmem>>
      %dma_start3A_209 = tpu.memref_squeeze %dma_start3A_208 : memref<1x112xi32, #tpu.memory_space<vmem>> -> memref<112xi32, #tpu.memory_space<vmem>>
      %dma_start3A_210 = arith.constant 0 : i32
      %dma_start3A_211 = arith.constant 0 : i32
      %dma_start3A_212 = tpu.memref_slice %arg2[%dma_start3A_210, %dma_start3A_211] : memref<10240x128xf32, #tpu.memory_space<hbm>> -> memref<10240x128xf32, #tpu.memory_space<hbm>>
      tpu.enqueue_indirect_dma source(%dma_start3A_212 : memref<10240x128xf32, #tpu.memory_space<hbm>>) target(%arg10 : memref<112x128xf32, #tpu.memory_space<vmem>>) offsets(%dma_start3A_209 : memref<112xi32, #tpu.memory_space<vmem>>) semaphore(%arg17 : memref<!tpu.dma_semaphore, #tpu.memory_space<semaphore_mem>>)
      %dma_wait3A_213 = arith.constant 0 : i32
      %dma_wait3A_214 = arith.constant 0 : i32
      %dma_wait3A_215 = tpu.memref_slice %arg8[%dma_wait3A_213, %dma_wait3A_214] : memref<2x112xi32, #tpu.memory_space<vmem>> -> memref<1x112xi32, #tpu.memory_space<vmem>>
      %dma_wait3A_216 = tpu.memref_squeeze %dma_wait3A_215 : memref<1x112xi32, #tpu.memory_space<vmem>> -> memref<112xi32, #tpu.memory_space<vmem>>
      %dma_wait3A_217 = arith.constant 0 : i32
      %dma_wait3A_218 = arith.constant 0 : i32
      %dma_wait3A_219 = tpu.memref_slice %arg2[%dma_wait3A_217, %dma_wait3A_218] : memref<10240x128xf32, #tpu.memory_space<hbm>> -> memref<10240x128xf32, #tpu.memory_space<hbm>>
      tpu.wait_indirect_dma semaphore(%arg18 : memref<!tpu.dma_semaphore, #tpu.memory_space<semaphore_mem>>) src(%dma_wait3A_219 : memref<10240x128xf32, #tpu.memory_space<hbm>>) dst(%arg11 : memref<112x128xf32, #tpu.memory_space<vmem>>)
      %run_scoped3A_220 = arith.constant 1 : i32
      "tpu.region"() ({
        %run_scoped3A_231 = tpu.sem_alloc : memref<!tpu.dma_semaphore, #tpu.memory_space<semaphore_mem>>
        %dma_start3A_232 = arith.constant 0 : i32
        %dma_start3A_233 = tpu.memref_slice %arg8[%run_scoped3A_220, %dma_start3A_232] : memref<2x112xi32, #tpu.memory_space<vmem>> -> memref<1x112xi32, #tpu.memory_space<vmem>>
        %dma_start3A_234 = tpu.memref_squeeze %dma_start3A_233 : memref<1x112xi32, #tpu.memory_space<vmem>> -> memref<112xi32, #tpu.memory_space<vmem>>
        %dma_start3A_235 = arith.constant 0 : i32
        %dma_start3A_236 = arith.constant 0 : i32
        %dma_start3A_237 = tpu.memref_slice %arg12[%dma_start3A_235, %dma_start3A_236] : memref<10240x128xf32, #tpu.memory_space<vmem_shared>> -> memref<10240x128xf32, #tpu.memory_space<vmem_shared>>
        tpu.enqueue_indirect_dma source(%arg11 : memref<112x128xf32, #tpu.memory_space<vmem>>) target(%dma_start3A_237 : memref<10240x128xf32, #tpu.memory_space<vmem_shared>>) offsets(%dma_start3A_234 : memref<112xi32, #tpu.memory_space<vmem>>) semaphore(%run_scoped3A_231 : memref<!tpu.dma_semaphore, #tpu.memory_space<semaphore_mem>>) {add = true}
        %dma_wait3A_238 = arith.constant 0 : i32
        %dma_wait3A_239 = tpu.memref_slice %arg8[%run_scoped3A_220, %dma_wait3A_238] : memref<2x112xi32, #tpu.memory_space<vmem>> -> memref<1x112xi32, #tpu.memory_space<vmem>>
        %dma_wait3A_240 = tpu.memref_squeeze %dma_wait3A_239 : memref<1x112xi32, #tpu.memory_space<vmem>> -> memref<112xi32, #tpu.memory_space<vmem>>
        %dma_wait3A_241 = arith.constant 0 : i32
        %dma_wait3A_242 = arith.constant 0 : i32
        %dma_wait3A_243 = tpu.memref_slice %arg12[%dma_wait3A_241, %dma_wait3A_242] : memref<10240x128xf32, #tpu.memory_space<vmem_shared>> -> memref<10240x128xf32, #tpu.memory_space<vmem_shared>>
        tpu.wait_indirect_dma semaphore(%run_scoped3A_231 : memref<!tpu.dma_semaphore, #tpu.memory_space<semaphore_mem>>) src(%arg11 : memref<112x128xf32, #tpu.memory_space<vmem>>) dst(%dma_wait3A_243 : memref<10240x128xf32, #tpu.memory_space<vmem_shared>>)
        tpu.yield
      }) : () -> ()
      %add3A_221 = arith.constant 3 : i32
      %add3A_222 = arith.addi %add3A_193, %add3A_221 : i32
      %dma_start3A_223 = arith.constant 0 : i32
      %dma_start3A_224 = arith.constant 0 : i32
      %dma_start3A_225 = tpu.memref_slice %arg3[%add3A, %add3A_222, %dma_start3A_223, %dma_start3A_224] : memref<32x90x2x112xi32, #tpu.memory_space<hbm>> -> memref<1x1x2x112xi32, #tpu.memory_space<hbm>>
      %dma_start3A_226 = tpu.memref_squeeze %dma_start3A_225 : memref<1x1x2x112xi32, #tpu.memory_space<hbm>> -> memref<2x112xi32, #tpu.memory_space<hbm>>
      %dma_start3A_227 = arith.constant 0 : i32
      %dma_start3A_228 = arith.constant 0 : i32
      %dma_start3A_229 = tpu.memref_slice %arg3[%add3A, %add3A_222, %dma_start3A_227, %dma_start3A_228] : memref<32x90x2x112xi32, #tpu.memory_space<hbm>> -> memref<1x1x2x112xi32, #tpu.memory_space<hbm>>
      %dma_start3A_230 = tpu.memref_squeeze %dma_start3A_229 : memref<1x1x2x112xi32, #tpu.memory_space<hbm>> -> memref<2x112xi32, #tpu.memory_space<hbm>>
      tpu.enqueue_dma source(%dma_start3A_230 : memref<2x112xi32, #tpu.memory_space<hbm>>) target(%arg8 : memref<2x112xi32, #tpu.memory_space<vmem>>) target_semaphore(%arg15 : memref<!tpu.dma_semaphore, #tpu.memory_space<semaphore_mem>>)
    }
    %scan3A_65 = arith.constant 29 : i32
    %dma_wait3A_66 = arith.constant 89 : i32
    %dma_wait3A_67 = arith.constant 0 : i32
    %dma_wait3A_68 = arith.constant 0 : i32
    %dma_wait3A_69 = tpu.memref_slice %arg3[%add3A, %dma_wait3A_66, %dma_wait3A_67, %dma_wait3A_68] : memref<32x90x2x112xi32, #tpu.memory_space<hbm>> -> memref<1x1x2x112xi32, #tpu.memory_space<hbm>>
    %dma_wait3A_70 = tpu.memref_squeeze %dma_wait3A_69 : memref<1x1x2x112xi32, #tpu.memory_space<hbm>> -> memref<2x112xi32, #tpu.memory_space<hbm>>
    %dma_wait3A_71 = arith.constant 0 : i32
    %dma_wait3A_72 = arith.constant 0 : i32
    %dma_wait3A_73 = tpu.memref_slice %arg3[%add3A, %dma_wait3A_66, %dma_wait3A_71, %dma_wait3A_72] : memref<32x90x2x112xi32, #tpu.memory_space<hbm>> -> memref<1x1x2x112xi32, #tpu.memory_space<hbm>>
    %dma_wait3A_74 = tpu.memref_squeeze %dma_wait3A_73 : memref<1x1x2x112xi32, #tpu.memory_space<hbm>> -> memref<2x112xi32, #tpu.memory_space<hbm>>
    tpu.wait_dma2 semaphore(%arg15 : memref<!tpu.dma_semaphore, #tpu.memory_space<semaphore_mem>>) src(%dma_wait3A_74 : memref<2x112xi32, #tpu.memory_space<hbm>>) dst(%arg8 : memref<2x112xi32, #tpu.memory_space<vmem>>)
    %dma_start3A_75 = arith.constant 0 : i32
    %dma_start3A_76 = arith.constant 0 : i32
    %dma_start3A_77 = tpu.memref_slice %arg8[%dma_start3A_75, %dma_start3A_76] : memref<2x112xi32, #tpu.memory_space<vmem>> -> memref<1x112xi32, #tpu.memory_space<vmem>>
    %dma_start3A_78 = tpu.memref_squeeze %dma_start3A_77 : memref<1x112xi32, #tpu.memory_space<vmem>> -> memref<112xi32, #tpu.memory_space<vmem>>
    %dma_start3A_79 = arith.constant 0 : i32
    %dma_start3A_80 = arith.constant 0 : i32
    %dma_start3A_81 = tpu.memref_slice %arg2[%dma_start3A_79, %dma_start3A_80] : memref<10240x128xf32, #tpu.memory_space<hbm>> -> memref<10240x128xf32, #tpu.memory_space<hbm>>
    tpu.enqueue_indirect_dma source(%dma_start3A_81 : memref<10240x128xf32, #tpu.memory_space<hbm>>) target(%arg11 : memref<112x128xf32, #tpu.memory_space<vmem>>) offsets(%dma_start3A_78 : memref<112xi32, #tpu.memory_space<vmem>>) semaphore(%arg18 : memref<!tpu.dma_semaphore, #tpu.memory_space<semaphore_mem>>)
    %dma_wait3A_82 = arith.constant 0 : i32
    %dma_wait3A_83 = arith.constant 0 : i32
    %dma_wait3A_84 = tpu.memref_slice %arg6[%dma_wait3A_82, %dma_wait3A_83] : memref<2x112xi32, #tpu.memory_space<vmem>> -> memref<1x112xi32, #tpu.memory_space<vmem>>
    %dma_wait3A_85 = tpu.memref_squeeze %dma_wait3A_84 : memref<1x112xi32, #tpu.memory_space<vmem>> -> memref<112xi32, #tpu.memory_space<vmem>>
    %dma_wait3A_86 = arith.constant 0 : i32
    %dma_wait3A_87 = arith.constant 0 : i32
    %dma_wait3A_88 = tpu.memref_slice %arg2[%dma_wait3A_86, %dma_wait3A_87] : memref<10240x128xf32, #tpu.memory_space<hbm>> -> memref<10240x128xf32, #tpu.memory_space<hbm>>
    tpu.wait_indirect_dma semaphore(%arg16 : memref<!tpu.dma_semaphore, #tpu.memory_space<semaphore_mem>>) src(%dma_wait3A_88 : memref<10240x128xf32, #tpu.memory_space<hbm>>) dst(%arg9 : memref<112x128xf32, #tpu.memory_space<vmem>>)
    %run_scoped3A = arith.constant 1 : i32
    "tpu.region"() ({
      %run_scoped3A_110 = tpu.sem_alloc : memref<!tpu.dma_semaphore, #tpu.memory_space<semaphore_mem>>
      %dma_start3A_111 = arith.constant 0 : i32
      %dma_start3A_112 = tpu.memref_slice %arg6[%run_scoped3A, %dma_start3A_111] : memref<2x112xi32, #tpu.memory_space<vmem>> -> memref<1x112xi32, #tpu.memory_space<vmem>>
      %dma_start3A_113 = tpu.memref_squeeze %dma_start3A_112 : memref<1x112xi32, #tpu.memory_space<vmem>> -> memref<112xi32, #tpu.memory_space<vmem>>
      %dma_start3A_114 = arith.constant 0 : i32
      %dma_start3A_115 = arith.constant 0 : i32
      %dma_start3A_116 = tpu.memref_slice %arg12[%dma_start3A_114, %dma_start3A_115] : memref<10240x128xf32, #tpu.memory_space<vmem_shared>> -> memref<10240x128xf32, #tpu.memory_space<vmem_shared>>
      tpu.enqueue_indirect_dma source(%arg9 : memref<112x128xf32, #tpu.memory_space<vmem>>) target(%dma_start3A_116 : memref<10240x128xf32, #tpu.memory_space<vmem_shared>>) offsets(%dma_start3A_113 : memref<112xi32, #tpu.memory_space<vmem>>) semaphore(%run_scoped3A_110 : memref<!tpu.dma_semaphore, #tpu.memory_space<semaphore_mem>>) {add = true}
      %dma_wait3A_117 = arith.constant 0 : i32
      %dma_wait3A_118 = tpu.memref_slice %arg6[%run_scoped3A, %dma_wait3A_117] : memref<2x112xi32, #tpu.memory_space<vmem>> -> memref<1x112xi32, #tpu.memory_space<vmem>>
      %dma_wait3A_119 = tpu.memref_squeeze %dma_wait3A_118 : memref<1x112xi32, #tpu.memory_space<vmem>> -> memref<112xi32, #tpu.memory_space<vmem>>
      %dma_wait3A_120 = arith.constant 0 : i32
      %dma_wait3A_121 = arith.constant 0 : i32
      %dma_wait3A_122 = tpu.memref_slice %arg12[%dma_wait3A_120, %dma_wait3A_121] : memref<10240x128xf32, #tpu.memory_space<vmem_shared>> -> memref<10240x128xf32, #tpu.memory_space<vmem_shared>>
      tpu.wait_indirect_dma semaphore(%run_scoped3A_110 : memref<!tpu.dma_semaphore, #tpu.memory_space<semaphore_mem>>) src(%arg9 : memref<112x128xf32, #tpu.memory_space<vmem>>) dst(%dma_wait3A_122 : memref<10240x128xf32, #tpu.memory_space<vmem_shared>>)
      tpu.yield
    }) : () -> ()
    %dma_wait3A_89 = arith.constant 0 : i32
    %dma_wait3A_90 = arith.constant 0 : i32
    %dma_wait3A_91 = tpu.memref_slice %arg7[%dma_wait3A_89, %dma_wait3A_90] : memref<2x112xi32, #tpu.memory_space<vmem>> -> memref<1x112xi32, #tpu.memory_space<vmem>>
    %dma_wait3A_92 = tpu.memref_squeeze %dma_wait3A_91 : memref<1x112xi32, #tpu.memory_space<vmem>> -> memref<112xi32, #tpu.memory_space<vmem>>
    %dma_wait3A_93 = arith.constant 0 : i32
    %dma_wait3A_94 = arith.constant 0 : i32
    %dma_wait3A_95 = tpu.memref_slice %arg2[%dma_wait3A_93, %dma_wait3A_94] : memref<10240x128xf32, #tpu.memory_space<hbm>> -> memref<10240x128xf32, #tpu.memory_space<hbm>>
    tpu.wait_indirect_dma semaphore(%arg17 : memref<!tpu.dma_semaphore, #tpu.memory_space<semaphore_mem>>) src(%dma_wait3A_95 : memref<10240x128xf32, #tpu.memory_space<hbm>>) dst(%arg10 : memref<112x128xf32, #tpu.memory_space<vmem>>)
    %run_scoped3A_96 = arith.constant 1 : i32
    "tpu.region"() ({
      %run_scoped3A_110 = tpu.sem_alloc : memref<!tpu.dma_semaphore, #tpu.memory_space<semaphore_mem>>
      %dma_start3A_111 = arith.constant 0 : i32
      %dma_start3A_112 = tpu.memref_slice %arg7[%run_scoped3A_96, %dma_start3A_111] : memref<2x112xi32, #tpu.memory_space<vmem>> -> memref<1x112xi32, #tpu.memory_space<vmem>>
      %dma_start3A_113 = tpu.memref_squeeze %dma_start3A_112 : memref<1x112xi32, #tpu.memory_space<vmem>> -> memref<112xi32, #tpu.memory_space<vmem>>
      %dma_start3A_114 = arith.constant 0 : i32
      %dma_start3A_115 = arith.constant 0 : i32
      %dma_start3A_116 = tpu.memref_slice %arg12[%dma_start3A_114, %dma_start3A_115] : memref<10240x128xf32, #tpu.memory_space<vmem_shared>> -> memref<10240x128xf32, #tpu.memory_space<vmem_shared>>
      tpu.enqueue_indirect_dma source(%arg10 : memref<112x128xf32, #tpu.memory_space<vmem>>) target(%dma_start3A_116 : memref<10240x128xf32, #tpu.memory_space<vmem_shared>>) offsets(%dma_start3A_113 : memref<112xi32, #tpu.memory_space<vmem>>) semaphore(%run_scoped3A_110 : memref<!tpu.dma_semaphore, #tpu.memory_space<semaphore_mem>>) {add = true}
      %dma_wait3A_117 = arith.constant 0 : i32
      %dma_wait3A_118 = tpu.memref_slice %arg7[%run_scoped3A_96, %dma_wait3A_117] : memref<2x112xi32, #tpu.memory_space<vmem>> -> memref<1x112xi32, #tpu.memory_space<vmem>>
      %dma_wait3A_119 = tpu.memref_squeeze %dma_wait3A_118 : memref<1x112xi32, #tpu.memory_space<vmem>> -> memref<112xi32, #tpu.memory_space<vmem>>
      %dma_wait3A_120 = arith.constant 0 : i32
      %dma_wait3A_121 = arith.constant 0 : i32
      %dma_wait3A_122 = tpu.memref_slice %arg12[%dma_wait3A_120, %dma_wait3A_121] : memref<10240x128xf32, #tpu.memory_space<vmem_shared>> -> memref<10240x128xf32, #tpu.memory_space<vmem_shared>>
      tpu.wait_indirect_dma semaphore(%run_scoped3A_110 : memref<!tpu.dma_semaphore, #tpu.memory_space<semaphore_mem>>) src(%arg10 : memref<112x128xf32, #tpu.memory_space<vmem>>) dst(%dma_wait3A_122 : memref<10240x128xf32, #tpu.memory_space<vmem_shared>>)
      tpu.yield
    }) : () -> ()
    %dma_wait3A_97 = arith.constant 0 : i32
    %dma_wait3A_98 = arith.constant 0 : i32
    %dma_wait3A_99 = tpu.memref_slice %arg8[%dma_wait3A_97, %dma_wait3A_98] : memref<2x112xi32, #tpu.memory_space<vmem>> -> memref<1x112xi32, #tpu.memory_space<vmem>>
    %dma_wait3A_100 = tpu.memref_squeeze %dma_wait3A_99 : memref<1x112xi32, #tpu.memory_space<vmem>> -> memref<112xi32, #tpu.memory_space<vmem>>
    %dma_wait3A_101 = arith.constant 0 : i32
    %dma_wait3A_102 = arith.constant 0 : i32
    %dma_wait3A_103 = tpu.memref_slice %arg2[%dma_wait3A_101, %dma_wait3A_102] : memref<10240x128xf32, #tpu.memory_space<hbm>> -> memref<10240x128xf32, #tpu.memory_space<hbm>>
    tpu.wait_indirect_dma semaphore(%arg18 : memref<!tpu.dma_semaphore, #tpu.memory_space<semaphore_mem>>) src(%dma_wait3A_103 : memref<10240x128xf32, #tpu.memory_space<hbm>>) dst(%arg11 : memref<112x128xf32, #tpu.memory_space<vmem>>)
    %run_scoped3A_104 = arith.constant 1 : i32
    "tpu.region"() ({
      %run_scoped3A_110 = tpu.sem_alloc : memref<!tpu.dma_semaphore, #tpu.memory_space<semaphore_mem>>
      %dma_start3A_111 = arith.constant 0 : i32
      %dma_start3A_112 = tpu.memref_slice %arg8[%run_scoped3A_104, %dma_start3A_111] : memref<2x112xi32, #tpu.memory_space<vmem>> -> memref<1x112xi32, #tpu.memory_space<vmem>>
      %dma_start3A_113 = tpu.memref_squeeze %dma_start3A_112 : memref<1x112xi32, #tpu.memory_space<vmem>> -> memref<112xi32, #tpu.memory_space<vmem>>
      %dma_start3A_114 = arith.constant 0 : i32
      %dma_start3A_115 = arith.constant 0 : i32
      %dma_start3A_116 = tpu.memref_slice %arg12[%dma_start3A_114, %dma_start3A_115] : memref<10240x128xf32, #tpu.memory_space<vmem_shared>> -> memref<10240x128xf32, #tpu.memory_space<vmem_shared>>
      tpu.enqueue_indirect_dma source(%arg11 : memref<112x128xf32, #tpu.memory_space<vmem>>) target(%dma_start3A_116 : memref<10240x128xf32, #tpu.memory_space<vmem_shared>>) offsets(%dma_start3A_113 : memref<112xi32, #tpu.memory_space<vmem>>) semaphore(%run_scoped3A_110 : memref<!tpu.dma_semaphore, #tpu.memory_space<semaphore_mem>>) {add = true}
      %dma_wait3A_117 = arith.constant 0 : i32
      %dma_wait3A_118 = tpu.memref_slice %arg8[%run_scoped3A_104, %dma_wait3A_117] : memref<2x112xi32, #tpu.memory_space<vmem>> -> memref<1x112xi32, #tpu.memory_space<vmem>>
      %dma_wait3A_119 = tpu.memref_squeeze %dma_wait3A_118 : memref<1x112xi32, #tpu.memory_space<vmem>> -> memref<112xi32, #tpu.memory_space<vmem>>
      %dma_wait3A_120 = arith.constant 0 : i32
      %dma_wait3A_121 = arith.constant 0 : i32
      %dma_wait3A_122 = tpu.memref_slice %arg12[%dma_wait3A_120, %dma_wait3A_121] : memref<10240x128xf32, #tpu.memory_space<vmem_shared>> -> memref<10240x128xf32, #tpu.memory_space<vmem_shared>>
      tpu.wait_indirect_dma semaphore(%run_scoped3A_110 : memref<!tpu.dma_semaphore, #tpu.memory_space<semaphore_mem>>) src(%arg11 : memref<112x128xf32, #tpu.memory_space<vmem>>) dst(%dma_wait3A_122 : memref<10240x128xf32, #tpu.memory_space<vmem_shared>>)
      tpu.yield
    }) : () -> ()
    %barrier3A_105 = arith.constant 0 : index
    tpu.barrier barrier_id(%barrier3A_105)
    %mul3A_106 = arith.constant 640 : i32
    %mul3A_107 = arith.muli %arg1, %mul3A_106 : i32
    %mul3A_108 = arith.constant 640 : i32
    %mul3A_109 = arith.muli %arg1, %mul3A_108 : i32
    "tpu.region"() ({
      %run_scoped3A_110 = tpu.sem_alloc : memref<!tpu.dma_semaphore, #tpu.memory_space<semaphore_mem>>
      %dma_start3A_111 = arith.constant 0 : i32
      %dma_start3A_112 = tpu.memref_slice %arg5[%arg0, %mul3A_109, %dma_start3A_111] : memref<2x10240x128xf32, #tpu.memory_space<hbm>> -> memref<1x640x128xf32, #tpu.memory_space<hbm>>
      %dma_start3A_113 = tpu.memref_squeeze %dma_start3A_112 : memref<1x640x128xf32, #tpu.memory_space<hbm>> -> memref<640x128xf32, #tpu.memory_space<hbm>>
      %dma_start3A_114 = arith.constant 0 : i32
      %dma_start3A_115 = tpu.memref_slice %arg12[%mul3A_107, %dma_start3A_114] : memref<10240x128xf32, #tpu.memory_space<vmem_shared>> -> memref<640x128xf32, #tpu.memory_space<vmem_shared>>
      tpu.enqueue_dma source(%dma_start3A_115 : memref<640x128xf32, #tpu.memory_space<vmem_shared>>) target(%dma_start3A_113 : memref<640x128xf32, #tpu.memory_space<hbm>>) target_semaphore(%run_scoped3A_110 : memref<!tpu.dma_semaphore, #tpu.memory_space<semaphore_mem>>)
      %dma_wait3A_116 = arith.constant 0 : i32
      %dma_wait3A_117 = tpu.memref_slice %arg5[%arg0, %mul3A_109, %dma_wait3A_116] : memref<2x10240x128xf32, #tpu.memory_space<hbm>> -> memref<1x640x128xf32, #tpu.memory_space<hbm>>
      %dma_wait3A_118 = tpu.memref_squeeze %dma_wait3A_117 : memref<1x640x128xf32, #tpu.memory_space<hbm>> -> memref<640x128xf32, #tpu.memory_space<hbm>>
      %dma_wait3A_119 = arith.constant 0 : i32
      %dma_wait3A_120 = tpu.memref_slice %arg12[%mul3A_107, %dma_wait3A_119] : memref<10240x128xf32, #tpu.memory_space<vmem_shared>> -> memref<640x128xf32, #tpu.memory_space<vmem_shared>>
      tpu.wait_dma2 semaphore(%run_scoped3A_110 : memref<!tpu.dma_semaphore, #tpu.memory_space<semaphore_mem>>) src(%dma_wait3A_120 : memref<640x128xf32, #tpu.memory_space<vmem_shared>>) dst(%dma_wait3A_118 : memref<640x128xf32, #tpu.memory_space<hbm>>)
      tpu.yield
    }) : () -> ()
    return
  }
}

#map = affine_map<(d0, d1) -> (0, 0, 0)>
#map1 = affine_map<(d0, d1) -> (0, 0)>
module attributes {stable_mosaic.version = 14 : i64} {
  func.func @_sc_deg_body(%arg0: i32, %arg1: i32, %arg2: memref<32x90x112xi32, #tpu.memory_space<hbm>>, %arg3: memref<10240x128xf32, #tpu.memory_space<hbm>>, %arg4: memref<112x128xf32, #tpu.memory_space<hbm>>, %arg5: memref<2x10240x128xf32, #tpu.memory_space<hbm>>, %arg6: memref<90x112xi32, #tpu.memory_space<vmem>>, %arg7: memref<112x128xf32, #tpu.memory_space<vmem>>, %arg8: memref<10240x128xf32, #tpu.memory_space<vmem_shared>>, %arg9: memref<!tpu.dma_semaphore, #tpu.memory_space<semaphore_mem>>) attributes {dimension_semantics = [#tpu.dimension_semantics<core_parallel>, #tpu.dimension_semantics<subcore_parallel>], iteration_bounds = array<i64: 2, 16>, scalar_prefetch = 0 : i64, scratch_operands = 4 : i64, tpu.core_type = #tpu.core_type<sc_vector_subcore>, window_params = [{transform_indices = #map}, {transform_indices = #map1}, {transform_indices = #map1}, {transform_indices = #map}]} {
    %mul3A = arith.constant 2 : i32
    %mul3A_0 = arith.muli %arg1, %mul3A : i32
    %add3A = arith.addi %mul3A_0, %arg0 : i32
    "tpu.region"() ({
      %run_scoped3A = tpu.sem_alloc : memref<!tpu.dma_semaphore, #tpu.memory_space<semaphore_mem>>
      %dma_start3A = arith.constant 0 : i32
      %dma_start3A_19 = arith.constant 0 : i32
      %dma_start3A_20 = tpu.memref_slice %arg2[%add3A, %dma_start3A, %dma_start3A_19] : memref<32x90x112xi32, #tpu.memory_space<hbm>> -> memref<1x90x112xi32, #tpu.memory_space<hbm>>
      %dma_start3A_21 = tpu.memref_squeeze %dma_start3A_20 : memref<1x90x112xi32, #tpu.memory_space<hbm>> -> memref<90x112xi32, #tpu.memory_space<hbm>>
      %dma_start3A_22 = arith.constant 0 : i32
      %dma_start3A_23 = arith.constant 0 : i32
      %dma_start3A_24 = tpu.memref_slice %arg2[%add3A, %dma_start3A_22, %dma_start3A_23] : memref<32x90x112xi32, #tpu.memory_space<hbm>> -> memref<1x90x112xi32, #tpu.memory_space<hbm>>
      %dma_start3A_25 = tpu.memref_squeeze %dma_start3A_24 : memref<1x90x112xi32, #tpu.memory_space<hbm>> -> memref<90x112xi32, #tpu.memory_space<hbm>>
      tpu.enqueue_dma source(%dma_start3A_25 : memref<90x112xi32, #tpu.memory_space<hbm>>) target(%arg6 : memref<90x112xi32, #tpu.memory_space<vmem>>) target_semaphore(%run_scoped3A : memref<!tpu.dma_semaphore, #tpu.memory_space<semaphore_mem>>)
      %dma_wait3A = arith.constant 0 : i32
      %dma_wait3A_26 = arith.constant 0 : i32
      %dma_wait3A_27 = tpu.memref_slice %arg2[%add3A, %dma_wait3A, %dma_wait3A_26] : memref<32x90x112xi32, #tpu.memory_space<hbm>> -> memref<1x90x112xi32, #tpu.memory_space<hbm>>
      %dma_wait3A_28 = tpu.memref_squeeze %dma_wait3A_27 : memref<1x90x112xi32, #tpu.memory_space<hbm>> -> memref<90x112xi32, #tpu.memory_space<hbm>>
      %dma_wait3A_29 = arith.constant 0 : i32
      %dma_wait3A_30 = arith.constant 0 : i32
      %dma_wait3A_31 = tpu.memref_slice %arg2[%add3A, %dma_wait3A_29, %dma_wait3A_30] : memref<32x90x112xi32, #tpu.memory_space<hbm>> -> memref<1x90x112xi32, #tpu.memory_space<hbm>>
      %dma_wait3A_32 = tpu.memref_squeeze %dma_wait3A_31 : memref<1x90x112xi32, #tpu.memory_space<hbm>> -> memref<90x112xi32, #tpu.memory_space<hbm>>
      tpu.wait_dma2 semaphore(%run_scoped3A : memref<!tpu.dma_semaphore, #tpu.memory_space<semaphore_mem>>) src(%dma_wait3A_32 : memref<90x112xi32, #tpu.memory_space<hbm>>) dst(%arg6 : memref<90x112xi32, #tpu.memory_space<vmem>>)
      tpu.yield
    }) : () -> ()
    "tpu.region"() ({
      %run_scoped3A = tpu.sem_alloc : memref<!tpu.dma_semaphore, #tpu.memory_space<semaphore_mem>>
      tpu.enqueue_dma source(%arg4 : memref<112x128xf32, #tpu.memory_space<hbm>>) target(%arg7 : memref<112x128xf32, #tpu.memory_space<vmem>>) target_semaphore(%run_scoped3A : memref<!tpu.dma_semaphore, #tpu.memory_space<semaphore_mem>>)
      tpu.wait_dma2 semaphore(%run_scoped3A : memref<!tpu.dma_semaphore, #tpu.memory_space<semaphore_mem>>) src(%arg4 : memref<112x128xf32, #tpu.memory_space<hbm>>) dst(%arg7 : memref<112x128xf32, #tpu.memory_space<vmem>>)
      tpu.yield
    }) : () -> ()
    %mul3A_1 = arith.constant 640 : i32
    %mul3A_2 = arith.muli %arg1, %mul3A_1 : i32
    %mul3A_3 = arith.constant 640 : i32
    %mul3A_4 = arith.muli %arg1, %mul3A_3 : i32
    "tpu.region"() ({
      %run_scoped3A = tpu.sem_alloc : memref<!tpu.dma_semaphore, #tpu.memory_space<semaphore_mem>>
      %dma_start3A = arith.constant 0 : i32
      %dma_start3A_19 = tpu.memref_slice %arg8[%mul3A_4, %dma_start3A] : memref<10240x128xf32, #tpu.memory_space<vmem_shared>> -> memref<640x128xf32, #tpu.memory_space<vmem_shared>>
      %dma_start3A_20 = arith.constant 0 : i32
      %dma_start3A_21 = tpu.memref_slice %arg3[%mul3A_2, %dma_start3A_20] : memref<10240x128xf32, #tpu.memory_space<hbm>> -> memref<640x128xf32, #tpu.memory_space<hbm>>
      tpu.enqueue_dma source(%dma_start3A_21 : memref<640x128xf32, #tpu.memory_space<hbm>>) target(%dma_start3A_19 : memref<640x128xf32, #tpu.memory_space<vmem_shared>>) target_semaphore(%run_scoped3A : memref<!tpu.dma_semaphore, #tpu.memory_space<semaphore_mem>>)
      %dma_wait3A = arith.constant 0 : i32
      %dma_wait3A_22 = tpu.memref_slice %arg8[%mul3A_4, %dma_wait3A] : memref<10240x128xf32, #tpu.memory_space<vmem_shared>> -> memref<640x128xf32, #tpu.memory_space<vmem_shared>>
      %dma_wait3A_23 = arith.constant 0 : i32
      %dma_wait3A_24 = tpu.memref_slice %arg3[%mul3A_2, %dma_wait3A_23] : memref<10240x128xf32, #tpu.memory_space<hbm>> -> memref<640x128xf32, #tpu.memory_space<hbm>>
      tpu.wait_dma2 semaphore(%run_scoped3A : memref<!tpu.dma_semaphore, #tpu.memory_space<semaphore_mem>>) src(%dma_wait3A_24 : memref<640x128xf32, #tpu.memory_space<hbm>>) dst(%dma_wait3A_22 : memref<640x128xf32, #tpu.memory_space<vmem_shared>>)
      tpu.yield
    }) : () -> ()
    %barrier3A = arith.constant 0 : index
    tpu.barrier barrier_id(%barrier3A)
    %scan3A = arith.constant 0 : i32
    %scan3A_5 = arith.constant 90 : i32
    %scan3A_6 = arith.addi %scan3A, %scan3A_5 : i32
    %scan3A_7 = arith.constant 1 : i32
    scf.for %scan3A_19 = %scan3A to %scan3A_6 step %scan3A_7  : i32 {
      %mul3A_20 = arith.constant 1 : i32
      %mul3A_21 = arith.muli %scan3A_19, %mul3A_20 : i32
      %add3A_22 = arith.constant 0 : i32
      %add3A_23 = arith.addi %add3A_22, %mul3A_21 : i32
      %dma_start3A = arith.constant 0 : i32
      %dma_start3A_24 = tpu.memref_slice %arg6[%add3A_23, %dma_start3A] : memref<90x112xi32, #tpu.memory_space<vmem>> -> memref<1x112xi32, #tpu.memory_space<vmem>>
      %dma_start3A_25 = tpu.memref_squeeze %dma_start3A_24 : memref<1x112xi32, #tpu.memory_space<vmem>> -> memref<112xi32, #tpu.memory_space<vmem>>
      %dma_start3A_26 = arith.constant 0 : i32
      %dma_start3A_27 = arith.constant 0 : i32
      %dma_start3A_28 = tpu.memref_slice %arg8[%dma_start3A_26, %dma_start3A_27] : memref<10240x128xf32, #tpu.memory_space<vmem_shared>> -> memref<10240x128xf32, #tpu.memory_space<vmem_shared>>
      tpu.enqueue_indirect_dma source(%arg7 : memref<112x128xf32, #tpu.memory_space<vmem>>) target(%dma_start3A_28 : memref<10240x128xf32, #tpu.memory_space<vmem_shared>>) offsets(%dma_start3A_25 : memref<112xi32, #tpu.memory_space<vmem>>) semaphore(%arg9 : memref<!tpu.dma_semaphore, #tpu.memory_space<semaphore_mem>>) {add = true}
    }
    %scan3A_8 = arith.constant 90 : i32
    %scan3A_9 = arith.constant 0 : i32
    %scan3A_10 = arith.constant 90 : i32
    %scan3A_11 = arith.addi %scan3A_9, %scan3A_10 : i32
    %scan3A_12 = arith.constant 1 : i32
    scf.for %scan3A_19 = %scan3A_9 to %scan3A_11 step %scan3A_12  : i32 {
      %mul3A_20 = arith.constant 1 : i32
      %mul3A_21 = arith.muli %scan3A_19, %mul3A_20 : i32
      %add3A_22 = arith.constant 0 : i32
      %add3A_23 = arith.addi %add3A_22, %mul3A_21 : i32
      %dma_wait3A = arith.constant 0 : i32
      %dma_wait3A_24 = tpu.memref_slice %arg6[%add3A_23, %dma_wait3A] : memref<90x112xi32, #tpu.memory_space<vmem>> -> memref<1x112xi32, #tpu.memory_space<vmem>>
      %dma_wait3A_25 = tpu.memref_squeeze %dma_wait3A_24 : memref<1x112xi32, #tpu.memory_space<vmem>> -> memref<112xi32, #tpu.memory_space<vmem>>
      %dma_wait3A_26 = arith.constant 0 : i32
      %dma_wait3A_27 = arith.constant 0 : i32
      %dma_wait3A_28 = tpu.memref_slice %arg8[%dma_wait3A_26, %dma_wait3A_27] : memref<10240x128xf32, #tpu.memory_space<vmem_shared>> -> memref<10240x128xf32, #tpu.memory_space<vmem_shared>>
      tpu.wait_indirect_dma semaphore(%arg9 : memref<!tpu.dma_semaphore, #tpu.memory_space<semaphore_mem>>) src(%arg7 : memref<112x128xf32, #tpu.memory_space<vmem>>) dst(%dma_wait3A_28 : memref<10240x128xf32, #tpu.memory_space<vmem_shared>>)
    }
    %scan3A_13 = arith.constant 90 : i32
    %barrier3A_14 = arith.constant 0 : index
    tpu.barrier barrier_id(%barrier3A_14)
    %mul3A_15 = arith.constant 640 : i32
    %mul3A_16 = arith.muli %arg1, %mul3A_15 : i32
    %mul3A_17 = arith.constant 640 : i32
    %mul3A_18 = arith.muli %arg1, %mul3A_17 : i32
    "tpu.region"() ({
      %run_scoped3A = tpu.sem_alloc : memref<!tpu.dma_semaphore, #tpu.memory_space<semaphore_mem>>
      %dma_start3A = arith.constant 0 : i32
      %dma_start3A_19 = tpu.memref_slice %arg5[%arg0, %mul3A_18, %dma_start3A] : memref<2x10240x128xf32, #tpu.memory_space<hbm>> -> memref<1x640x128xf32, #tpu.memory_space<hbm>>
      %dma_start3A_20 = tpu.memref_squeeze %dma_start3A_19 : memref<1x640x128xf32, #tpu.memory_space<hbm>> -> memref<640x128xf32, #tpu.memory_space<hbm>>
      %dma_start3A_21 = arith.constant 0 : i32
      %dma_start3A_22 = tpu.memref_slice %arg8[%mul3A_16, %dma_start3A_21] : memref<10240x128xf32, #tpu.memory_space<vmem_shared>> -> memref<640x128xf32, #tpu.memory_space<vmem_shared>>
      tpu.enqueue_dma source(%dma_start3A_22 : memref<640x128xf32, #tpu.memory_space<vmem_shared>>) target(%dma_start3A_20 : memref<640x128xf32, #tpu.memory_space<hbm>>) target_semaphore(%run_scoped3A : memref<!tpu.dma_semaphore, #tpu.memory_space<semaphore_mem>>)
      %dma_wait3A = arith.constant 0 : i32
      %dma_wait3A_23 = tpu.memref_slice %arg5[%arg0, %mul3A_18, %dma_wait3A] : memref<2x10240x128xf32, #tpu.memory_space<hbm>> -> memref<1x640x128xf32, #tpu.memory_space<hbm>>
      %dma_wait3A_24 = tpu.memref_squeeze %dma_wait3A_23 : memref<1x640x128xf32, #tpu.memory_space<hbm>> -> memref<640x128xf32, #tpu.memory_space<hbm>>
      %dma_wait3A_25 = arith.constant 0 : i32
      %dma_wait3A_26 = tpu.memref_slice %arg8[%mul3A_16, %dma_wait3A_25] : memref<10240x128xf32, #tpu.memory_space<vmem_shared>> -> memref<640x128xf32, #tpu.memory_space<vmem_shared>>
      tpu.wait_dma2 semaphore(%run_scoped3A : memref<!tpu.dma_semaphore, #tpu.memory_space<semaphore_mem>>) src(%dma_wait3A_26 : memref<640x128xf32, #tpu.memory_space<vmem_shared>>) dst(%dma_wait3A_24 : memref<640x128xf32, #tpu.memory_space<hbm>>)
      tpu.yield
    }) : () -> ()
    return
  }
}

#map = affine_map<(d0, d1) -> (0, 0)>
#map1 = affine_map<(d0, d1) -> (0, 0, 0, 0)>
#map2 = affine_map<(d0, d1) -> (0, 0, 0)>
module attributes {stable_mosaic.version = 14 : i64} {
  func.func @_sc_scatter_body(%arg0: i32, %arg1: i32, %arg2: memref<10240x128xf32, #tpu.memory_space<hbm>>, %arg3: memref<32x90x2x112xi32, #tpu.memory_space<hbm>>, %arg4: memref<10240x128xf32, #tpu.memory_space<hbm>>, %arg5: memref<2x10240x128xf32, #tpu.memory_space<hbm>>, %arg6: memref<2x112xi32, #tpu.memory_space<vmem>>, %arg7: memref<2x112xi32, #tpu.memory_space<vmem>>, %arg8: memref<2x112xi32, #tpu.memory_space<vmem>>, %arg9: memref<112x128xf32, #tpu.memory_space<vmem>>, %arg10: memref<112x128xf32, #tpu.memory_space<vmem>>, %arg11: memref<112x128xf32, #tpu.memory_space<vmem>>, %arg12: memref<10240x128xf32, #tpu.memory_space<vmem_shared>>, %arg13: memref<!tpu.dma_semaphore, #tpu.memory_space<semaphore_mem>>, %arg14: memref<!tpu.dma_semaphore, #tpu.memory_space<semaphore_mem>>, %arg15: memref<!tpu.dma_semaphore, #tpu.memory_space<semaphore_mem>>, %arg16: memref<!tpu.dma_semaphore, #tpu.memory_space<semaphore_mem>>, %arg17: memref<!tpu.dma_semaphore, #tpu.memory_space<semaphore_mem>>, %arg18: memref<!tpu.dma_semaphore, #tpu.memory_space<semaphore_mem>>) attributes {dimension_semantics = [#tpu.dimension_semantics<core_parallel>, #tpu.dimension_semantics<subcore_parallel>], iteration_bounds = array<i64: 2, 16>, scalar_prefetch = 0 : i64, scratch_operands = 13 : i64, tpu.core_type = #tpu.core_type<sc_vector_subcore>, window_params = [{transform_indices = #map}, {transform_indices = #map1}, {transform_indices = #map}, {transform_indices = #map2}]} {
    %mul3A = arith.constant 2 : i32
    %mul3A_0 = arith.muli %arg1, %mul3A : i32
    %add3A = arith.addi %mul3A_0, %arg0 : i32
    %mul3A_1 = arith.constant 640 : i32
    %mul3A_2 = arith.muli %arg1, %mul3A_1 : i32
    %mul3A_3 = arith.constant 640 : i32
    %mul3A_4 = arith.muli %arg1, %mul3A_3 : i32
    "tpu.region"() ({
      %run_scoped3A_110 = tpu.sem_alloc : memref<!tpu.dma_semaphore, #tpu.memory_space<semaphore_mem>>
      %dma_start3A_111 = arith.constant 0 : i32
      %dma_start3A_112 = tpu.memref_slice %arg12[%mul3A_4, %dma_start3A_111] : memref<10240x128xf32, #tpu.memory_space<vmem_shared>> -> memref<640x128xf32, #tpu.memory_space<vmem_shared>>
      %dma_start3A_113 = arith.constant 0 : i32
      %dma_start3A_114 = tpu.memref_slice %arg4[%mul3A_2, %dma_start3A_113] : memref<10240x128xf32, #tpu.memory_space<hbm>> -> memref<640x128xf32, #tpu.memory_space<hbm>>
      tpu.enqueue_dma source(%dma_start3A_114 : memref<640x128xf32, #tpu.memory_space<hbm>>) target(%dma_start3A_112 : memref<640x128xf32, #tpu.memory_space<vmem_shared>>) target_semaphore(%run_scoped3A_110 : memref<!tpu.dma_semaphore, #tpu.memory_space<semaphore_mem>>)
      %dma_wait3A_115 = arith.constant 0 : i32
      %dma_wait3A_116 = tpu.memref_slice %arg12[%mul3A_4, %dma_wait3A_115] : memref<10240x128xf32, #tpu.memory_space<vmem_shared>> -> memref<640x128xf32, #tpu.memory_space<vmem_shared>>
      %dma_wait3A_117 = arith.constant 0 : i32
      %dma_wait3A_118 = tpu.memref_slice %arg4[%mul3A_2, %dma_wait3A_117] : memref<10240x128xf32, #tpu.memory_space<hbm>> -> memref<640x128xf32, #tpu.memory_space<hbm>>
      tpu.wait_dma2 semaphore(%run_scoped3A_110 : memref<!tpu.dma_semaphore, #tpu.memory_space<semaphore_mem>>) src(%dma_wait3A_118 : memref<640x128xf32, #tpu.memory_space<hbm>>) dst(%dma_wait3A_116 : memref<640x128xf32, #tpu.memory_space<vmem_shared>>)
      tpu.yield
    }) : () -> ()
    %barrier3A = arith.constant 0 : index
    tpu.barrier barrier_id(%barrier3A)
    %dma_start3A = arith.constant 0 : i32
    %dma_start3A_5 = arith.constant 0 : i32
    %dma_start3A_6 = arith.constant 0 : i32
    %dma_start3A_7 = tpu.memref_slice %arg3[%add3A, %dma_start3A, %dma_start3A_5, %dma_start3A_6] : memref<32x90x2x112xi32, #tpu.memory_space<hbm>> -> memref<1x1x2x112xi32, #tpu.memory_space<hbm>>
    %dma_start3A_8 = tpu.memref_squeeze %dma_start3A_7 : memref<1x1x2x112xi32, #tpu.memory_space<hbm>> -> memref<2x112xi32, #tpu.memory_space<hbm>>
    %dma_start3A_9 = arith.constant 0 : i32
    %dma_start3A_10 = arith.constant 0 : i32
    %dma_start3A_11 = tpu.memref_slice %arg3[%add3A, %dma_start3A, %dma_start3A_9, %dma_start3A_10] : memref<32x90x2x112xi32, #tpu.memory_space<hbm>> -> memref<1x1x2x112xi32, #tpu.memory_space<hbm>>
    %dma_start3A_12 = tpu.memref_squeeze %dma_start3A_11 : memref<1x1x2x112xi32, #tpu.memory_space<hbm>> -> memref<2x112xi32, #tpu.memory_space<hbm>>
    tpu.enqueue_dma source(%dma_start3A_12 : memref<2x112xi32, #tpu.memory_space<hbm>>) target(%arg6 : memref<2x112xi32, #tpu.memory_space<vmem>>) target_semaphore(%arg13 : memref<!tpu.dma_semaphore, #tpu.memory_space<semaphore_mem>>)
    %dma_start3A_13 = arith.constant 1 : i32
    %dma_start3A_14 = arith.constant 0 : i32
    %dma_start3A_15 = arith.constant 0 : i32
    %dma_start3A_16 = tpu.memref_slice %arg3[%add3A, %dma_start3A_13, %dma_start3A_14, %dma_start3A_15] : memref<32x90x2x112xi32, #tpu.memory_space<hbm>> -> memref<1x1x2x112xi32, #tpu.memory_space<hbm>>
    %dma_start3A_17 = tpu.memref_squeeze %dma_start3A_16 : memref<1x1x2x112xi32, #tpu.memory_space<hbm>> -> memref<2x112xi32, #tpu.memory_space<hbm>>
    %dma_start3A_18 = arith.constant 0 : i32
    %dma_start3A_19 = arith.constant 0 : i32
    %dma_start3A_20 = tpu.memref_slice %arg3[%add3A, %dma_start3A_13, %dma_start3A_18, %dma_start3A_19] : memref<32x90x2x112xi32, #tpu.memory_space<hbm>> -> memref<1x1x2x112xi32, #tpu.memory_space<hbm>>
    %dma_start3A_21 = tpu.memref_squeeze %dma_start3A_20 : memref<1x1x2x112xi32, #tpu.memory_space<hbm>> -> memref<2x112xi32, #tpu.memory_space<hbm>>
    tpu.enqueue_dma source(%dma_start3A_21 : memref<2x112xi32, #tpu.memory_space<hbm>>) target(%arg7 : memref<2x112xi32, #tpu.memory_space<vmem>>) target_semaphore(%arg14 : memref<!tpu.dma_semaphore, #tpu.memory_space<semaphore_mem>>)
    %dma_start3A_22 = arith.constant 2 : i32
    %dma_start3A_23 = arith.constant 0 : i32
    %dma_start3A_24 = arith.constant 0 : i32
    %dma_start3A_25 = tpu.memref_slice %arg3[%add3A, %dma_start3A_22, %dma_start3A_23, %dma_start3A_24] : memref<32x90x2x112xi32, #tpu.memory_space<hbm>> -> memref<1x1x2x112xi32, #tpu.memory_space<hbm>>
    %dma_start3A_26 = tpu.memref_squeeze %dma_start3A_25 : memref<1x1x2x112xi32, #tpu.memory_space<hbm>> -> memref<2x112xi32, #tpu.memory_space<hbm>>
    %dma_start3A_27 = arith.constant 0 : i32
    %dma_start3A_28 = arith.constant 0 : i32
    %dma_start3A_29 = tpu.memref_slice %arg3[%add3A, %dma_start3A_22, %dma_start3A_27, %dma_start3A_28] : memref<32x90x2x112xi32, #tpu.memory_space<hbm>> -> memref<1x1x2x112xi32, #tpu.memory_space<hbm>>
    %dma_start3A_30 = tpu.memref_squeeze %dma_start3A_29 : memref<1x1x2x112xi32, #tpu.memory_space<hbm>> -> memref<2x112xi32, #tpu.memory_space<hbm>>
    tpu.enqueue_dma source(%dma_start3A_30 : memref<2x112xi32, #tpu.memory_space<hbm>>) target(%arg8 : memref<2x112xi32, #tpu.memory_space<vmem>>) target_semaphore(%arg15 : memref<!tpu.dma_semaphore, #tpu.memory_space<semaphore_mem>>)
    %dma_wait3A = arith.constant 0 : i32
    %dma_wait3A_31 = arith.constant 0 : i32
    %dma_wait3A_32 = arith.constant 0 : i32
    %dma_wait3A_33 = tpu.memref_slice %arg3[%add3A, %dma_wait3A, %dma_wait3A_31, %dma_wait3A_32] : memref<32x90x2x112xi32, #tpu.memory_space<hbm>> -> memref<1x1x2x112xi32, #tpu.memory_space<hbm>>
    %dma_wait3A_34 = tpu.memref_squeeze %dma_wait3A_33 : memref<1x1x2x112xi32, #tpu.memory_space<hbm>> -> memref<2x112xi32, #tpu.memory_space<hbm>>
    %dma_wait3A_35 = arith.constant 0 : i32
    %dma_wait3A_36 = arith.constant 0 : i32
    %dma_wait3A_37 = tpu.memref_slice %arg3[%add3A, %dma_wait3A, %dma_wait3A_35, %dma_wait3A_36] : memref<32x90x2x112xi32, #tpu.memory_space<hbm>> -> memref<1x1x2x112xi32, #tpu.memory_space<hbm>>
    %dma_wait3A_38 = tpu.memref_squeeze %dma_wait3A_37 : memref<1x1x2x112xi32, #tpu.memory_space<hbm>> -> memref<2x112xi32, #tpu.memory_space<hbm>>
    tpu.wait_dma2 semaphore(%arg13 : memref<!tpu.dma_semaphore, #tpu.memory_space<semaphore_mem>>) src(%dma_wait3A_38 : memref<2x112xi32, #tpu.memory_space<hbm>>) dst(%arg6 : memref<2x112xi32, #tpu.memory_space<vmem>>)
    %dma_start3A_39 = arith.constant 0 : i32
    %dma_start3A_40 = arith.constant 0 : i32
    %dma_start3A_41 = tpu.memref_slice %arg6[%dma_start3A_39, %dma_start3A_40] : memref<2x112xi32, #tpu.memory_space<vmem>> -> memref<1x112xi32, #tpu.memory_space<vmem>>
    %dma_start3A_42 = tpu.memref_squeeze %dma_start3A_41 : memref<1x112xi32, #tpu.memory_space<vmem>> -> memref<112xi32, #tpu.memory_space<vmem>>
    %dma_start3A_43 = arith.constant 0 : i32
    %dma_start3A_44 = arith.constant 0 : i32
    %dma_start3A_45 = tpu.memref_slice %arg2[%dma_start3A_43, %dma_start3A_44] : memref<10240x128xf32, #tpu.memory_space<hbm>> -> memref<10240x128xf32, #tpu.memory_space<hbm>>
    tpu.enqueue_indirect_dma source(%dma_start3A_45 : memref<10240x128xf32, #tpu.memory_space<hbm>>) target(%arg9 : memref<112x128xf32, #tpu.memory_space<vmem>>) offsets(%dma_start3A_42 : memref<112xi32, #tpu.memory_space<vmem>>) semaphore(%arg16 : memref<!tpu.dma_semaphore, #tpu.memory_space<semaphore_mem>>)
    %dma_wait3A_46 = arith.constant 1 : i32
    %dma_wait3A_47 = arith.constant 0 : i32
    %dma_wait3A_48 = arith.constant 0 : i32
    %dma_wait3A_49 = tpu.memref_slice %arg3[%add3A, %dma_wait3A_46, %dma_wait3A_47, %dma_wait3A_48] : memref<32x90x2x112xi32, #tpu.memory_space<hbm>> -> memref<1x1x2x112xi32, #tpu.memory_space<hbm>>
    %dma_wait3A_50 = tpu.memref_squeeze %dma_wait3A_49 : memref<1x1x2x112xi32, #tpu.memory_space<hbm>> -> memref<2x112xi32, #tpu.memory_space<hbm>>
    %dma_wait3A_51 = arith.constant 0 : i32
    %dma_wait3A_52 = arith.constant 0 : i32
    %dma_wait3A_53 = tpu.memref_slice %arg3[%add3A, %dma_wait3A_46, %dma_wait3A_51, %dma_wait3A_52] : memref<32x90x2x112xi32, #tpu.memory_space<hbm>> -> memref<1x1x2x112xi32, #tpu.memory_space<hbm>>
    %dma_wait3A_54 = tpu.memref_squeeze %dma_wait3A_53 : memref<1x1x2x112xi32, #tpu.memory_space<hbm>> -> memref<2x112xi32, #tpu.memory_space<hbm>>
    tpu.wait_dma2 semaphore(%arg14 : memref<!tpu.dma_semaphore, #tpu.memory_space<semaphore_mem>>) src(%dma_wait3A_54 : memref<2x112xi32, #tpu.memory_space<hbm>>) dst(%arg7 : memref<2x112xi32, #tpu.memory_space<vmem>>)
    %dma_start3A_55 = arith.constant 0 : i32
    %dma_start3A_56 = arith.constant 0 : i32
    %dma_start3A_57 = tpu.memref_slice %arg7[%dma_start3A_55, %dma_start3A_56] : memref<2x112xi32, #tpu.memory_space<vmem>> -> memref<1x112xi32, #tpu.memory_space<vmem>>
    %dma_start3A_58 = tpu.memref_squeeze %dma_start3A_57 : memref<1x112xi32, #tpu.memory_space<vmem>> -> memref<112xi32, #tpu.memory_space<vmem>>
    %dma_start3A_59 = arith.constant 0 : i32
    %dma_start3A_60 = arith.constant 0 : i32
    %dma_start3A_61 = tpu.memref_slice %arg2[%dma_start3A_59, %dma_start3A_60] : memref<10240x128xf32, #tpu.memory_space<hbm>> -> memref<10240x128xf32, #tpu.memory_space<hbm>>
    tpu.enqueue_indirect_dma source(%dma_start3A_61 : memref<10240x128xf32, #tpu.memory_space<hbm>>) target(%arg10 : memref<112x128xf32, #tpu.memory_space<vmem>>) offsets(%dma_start3A_58 : memref<112xi32, #tpu.memory_space<vmem>>) semaphore(%arg17 : memref<!tpu.dma_semaphore, #tpu.memory_space<semaphore_mem>>)
    %scan3A = arith.constant 0 : i32
    %scan3A_62 = arith.constant 29 : i32
    %scan3A_63 = arith.addi %scan3A, %scan3A_62 : i32
    %scan3A_64 = arith.constant 1 : i32
    scf.for %scan3A_110 = %scan3A to %scan3A_63 step %scan3A_64  : i32 {
      %mul3A_111 = arith.constant 3 : i32
      %mul3A_112 = arith.muli %scan3A_110, %mul3A_111 : i32
      %add3A_113 = arith.constant 0 : i32
      %add3A_114 = arith.addi %add3A_113, %mul3A_112 : i32
      %add3A_115 = arith.constant 0 : i32
      %add3A_116 = arith.addi %add3A_114, %add3A_115 : i32
      %add3A_117 = arith.constant 3 : i32
      %add3A_118 = arith.addi %add3A_116, %add3A_117 : i32
      %sub3A = arith.constant 1 : i32
      %sub3A_119 = arith.subi %add3A_118, %sub3A : i32
      %dma_wait3A_120 = arith.constant 0 : i32
      %dma_wait3A_121 = arith.constant 0 : i32
      %dma_wait3A_122 = tpu.memref_slice %arg3[%add3A, %sub3A_119, %dma_wait3A_120, %dma_wait3A_121] : memref<32x90x2x112xi32, #tpu.memory_space<hbm>> -> memref<1x1x2x112xi32, #tpu.memory_space<hbm>>
      %dma_wait3A_123 = tpu.memref_squeeze %dma_wait3A_122 : memref<1x1x2x112xi32, #tpu.memory_space<hbm>> -> memref<2x112xi32, #tpu.memory_space<hbm>>
      %dma_wait3A_124 = arith.constant 0 : i32
      %dma_wait3A_125 = arith.constant 0 : i32
      %dma_wait3A_126 = tpu.memref_slice %arg3[%add3A, %sub3A_119, %dma_wait3A_124, %dma_wait3A_125] : memref<32x90x2x112xi32, #tpu.memory_space<hbm>> -> memref<1x1x2x112xi32, #tpu.memory_space<hbm>>
      %dma_wait3A_127 = tpu.memref_squeeze %dma_wait3A_126 : memref<1x1x2x112xi32, #tpu.memory_space<hbm>> -> memref<2x112xi32, #tpu.memory_space<hbm>>
      tpu.wait_dma2 semaphore(%arg15 : memref<!tpu.dma_semaphore, #tpu.memory_space<semaphore_mem>>) src(%dma_wait3A_127 : memref<2x112xi32, #tpu.memory_space<hbm>>) dst(%arg8 : memref<2x112xi32, #tpu.memory_space<vmem>>)
      %dma_start3A_128 = arith.constant 0 : i32
      %dma_start3A_129 = arith.constant 0 : i32
      %dma_start3A_130 = tpu.memref_slice %arg8[%dma_start3A_128, %dma_start3A_129] : memref<2x112xi32, #tpu.memory_space<vmem>> -> memref<1x112xi32, #tpu.memory_space<vmem>>
      %dma_start3A_131 = tpu.memref_squeeze %dma_start3A_130 : memref<1x112xi32, #tpu.memory_space<vmem>> -> memref<112xi32, #tpu.memory_space<vmem>>
      %dma_start3A_132 = arith.constant 0 : i32
      %dma_start3A_133 = arith.constant 0 : i32
      %dma_start3A_134 = tpu.memref_slice %arg2[%dma_start3A_132, %dma_start3A_133] : memref<10240x128xf32, #tpu.memory_space<hbm>> -> memref<10240x128xf32, #tpu.memory_space<hbm>>
      tpu.enqueue_indirect_dma source(%dma_start3A_134 : memref<10240x128xf32, #tpu.memory_space<hbm>>) target(%arg11 : memref<112x128xf32, #tpu.memory_space<vmem>>) offsets(%dma_start3A_131 : memref<112xi32, #tpu.memory_space<vmem>>) semaphore(%arg18 : memref<!tpu.dma_semaphore, #tpu.memory_space<semaphore_mem>>)
      %dma_wait3A_135 = arith.constant 0 : i32
      %dma_wait3A_136 = arith.constant 0 : i32
      %dma_wait3A_137 = tpu.memref_slice %arg6[%dma_wait3A_135, %dma_wait3A_136] : memref<2x112xi32, #tpu.memory_space<vmem>> -> memref<1x112xi32, #tpu.memory_space<vmem>>
      %dma_wait3A_138 = tpu.memref_squeeze %dma_wait3A_137 : memref<1x112xi32, #tpu.memory_space<vmem>> -> memref<112xi32, #tpu.memory_space<vmem>>
      %dma_wait3A_139 = arith.constant 0 : i32
      %dma_wait3A_140 = arith.constant 0 : i32
      %dma_wait3A_141 = tpu.memref_slice %arg2[%dma_wait3A_139, %dma_wait3A_140] : memref<10240x128xf32, #tpu.memory_space<hbm>> -> memref<10240x128xf32, #tpu.memory_space<hbm>>
      tpu.wait_indirect_dma semaphore(%arg16 : memref<!tpu.dma_semaphore, #tpu.memory_space<semaphore_mem>>) src(%dma_wait3A_141 : memref<10240x128xf32, #tpu.memory_space<hbm>>) dst(%arg9 : memref<112x128xf32, #tpu.memory_space<vmem>>)
      %run_scoped3A_142 = arith.constant 1 : i32
      "tpu.region"() ({
        %run_scoped3A_231 = tpu.sem_alloc : memref<!tpu.dma_semaphore, #tpu.memory_space<semaphore_mem>>
        %dma_start3A_232 = arith.constant 0 : i32
        %dma_start3A_233 = tpu.memref_slice %arg6[%run_scoped3A_142, %dma_start3A_232] : memref<2x112xi32, #tpu.memory_space<vmem>> -> memref<1x112xi32, #tpu.memory_space<vmem>>
        %dma_start3A_234 = tpu.memref_squeeze %dma_start3A_233 : memref<1x112xi32, #tpu.memory_space<vmem>> -> memref<112xi32, #tpu.memory_space<vmem>>
        %dma_start3A_235 = arith.constant 0 : i32
        %dma_start3A_236 = arith.constant 0 : i32
        %dma_start3A_237 = tpu.memref_slice %arg12[%dma_start3A_235, %dma_start3A_236] : memref<10240x128xf32, #tpu.memory_space<vmem_shared>> -> memref<10240x128xf32, #tpu.memory_space<vmem_shared>>
        tpu.enqueue_indirect_dma source(%arg9 : memref<112x128xf32, #tpu.memory_space<vmem>>) target(%dma_start3A_237 : memref<10240x128xf32, #tpu.memory_space<vmem_shared>>) offsets(%dma_start3A_234 : memref<112xi32, #tpu.memory_space<vmem>>) semaphore(%run_scoped3A_231 : memref<!tpu.dma_semaphore, #tpu.memory_space<semaphore_mem>>) {add = true}
        %dma_wait3A_238 = arith.constant 0 : i32
        %dma_wait3A_239 = tpu.memref_slice %arg6[%run_scoped3A_142, %dma_wait3A_238] : memref<2x112xi32, #tpu.memory_space<vmem>> -> memref<1x112xi32, #tpu.memory_space<vmem>>
        %dma_wait3A_240 = tpu.memref_squeeze %dma_wait3A_239 : memref<1x112xi32, #tpu.memory_space<vmem>> -> memref<112xi32, #tpu.memory_space<vmem>>
        %dma_wait3A_241 = arith.constant 0 : i32
        %dma_wait3A_242 = arith.constant 0 : i32
        %dma_wait3A_243 = tpu.memref_slice %arg12[%dma_wait3A_241, %dma_wait3A_242] : memref<10240x128xf32, #tpu.memory_space<vmem_shared>> -> memref<10240x128xf32, #tpu.memory_space<vmem_shared>>
        tpu.wait_indirect_dma semaphore(%run_scoped3A_231 : memref<!tpu.dma_semaphore, #tpu.memory_space<semaphore_mem>>) src(%arg9 : memref<112x128xf32, #tpu.memory_space<vmem>>) dst(%dma_wait3A_243 : memref<10240x128xf32, #tpu.memory_space<vmem_shared>>)
        tpu.yield
      }) : () -> ()
      %add3A_143 = arith.constant 3 : i32
      %add3A_144 = arith.addi %add3A_116, %add3A_143 : i32
      %dma_start3A_145 = arith.constant 0 : i32
      %dma_start3A_146 = arith.constant 0 : i32
      %dma_start3A_147 = tpu.memref_slice %arg3[%add3A, %add3A_144, %dma_start3A_145, %dma_start3A_146] : memref<32x90x2x112xi32, #tpu.memory_space<hbm>> -> memref<1x1x2x112xi32, #tpu.memory_space<hbm>>
      %dma_start3A_148 = tpu.memref_squeeze %dma_start3A_147 : memref<1x1x2x112xi32, #tpu.memory_space<hbm>> -> memref<2x112xi32, #tpu.memory_space<hbm>>
      %dma_start3A_149 = arith.constant 0 : i32
      %dma_start3A_150 = arith.constant 0 : i32
      %dma_start3A_151 = tpu.memref_slice %arg3[%add3A, %add3A_144, %dma_start3A_149, %dma_start3A_150] : memref<32x90x2x112xi32, #tpu.memory_space<hbm>> -> memref<1x1x2x112xi32, #tpu.memory_space<hbm>>
      %dma_start3A_152 = tpu.memref_squeeze %dma_start3A_151 : memref<1x1x2x112xi32, #tpu.memory_space<hbm>> -> memref<2x112xi32, #tpu.memory_space<hbm>>
      tpu.enqueue_dma source(%dma_start3A_152 : memref<2x112xi32, #tpu.memory_space<hbm>>) target(%arg6 : memref<2x112xi32, #tpu.memory_space<vmem>>) target_semaphore(%arg13 : memref<!tpu.dma_semaphore, #tpu.memory_space<semaphore_mem>>)
      %add3A_153 = arith.constant 1 : i32
      %add3A_154 = arith.addi %add3A_114, %add3A_153 : i32
      %add3A_155 = arith.constant 3 : i32
      %add3A_156 = arith.addi %add3A_154, %add3A_155 : i32
      %sub3A_157 = arith.constant 1 : i32
      %sub3A_158 = arith.subi %add3A_156, %sub3A_157 : i32
      %dma_wait3A_159 = arith.constant 0 : i32
      %dma_wait3A_160 = arith.constant 0 : i32
      %dma_wait3A_161 = tpu.memref_slice %arg3[%add3A, %sub3A_158, %dma_wait3A_159, %dma_wait3A_160] : memref<32x90x2x112xi32, #tpu.memory_space<hbm>> -> memref<1x1x2x112xi32, #tpu.memory_space<hbm>>
      %dma_wait3A_162 = tpu.memref_squeeze %dma_wait3A_161 : memref<1x1x2x112xi32, #tpu.memory_space<hbm>> -> memref<2x112xi32, #tpu.memory_space<hbm>>
      %dma_wait3A_163 = arith.constant 0 : i32
      %dma_wait3A_164 = arith.constant 0 : i32
      %dma_wait3A_165 = tpu.memref_slice %arg3[%add3A, %sub3A_158, %dma_wait3A_163, %dma_wait3A_164] : memref<32x90x2x112xi32, #tpu.memory_space<hbm>> -> memref<1x1x2x112xi32, #tpu.memory_space<hbm>>
      %dma_wait3A_166 = tpu.memref_squeeze %dma_wait3A_165 : memref<1x1x2x112xi32, #tpu.memory_space<hbm>> -> memref<2x112xi32, #tpu.memory_space<hbm>>
      tpu.wait_dma2 semaphore(%arg13 : memref<!tpu.dma_semaphore, #tpu.memory_space<semaphore_mem>>) src(%dma_wait3A_166 : memref<2x112xi32, #tpu.memory_space<hbm>>) dst(%arg6 : memref<2x112xi32, #tpu.memory_space<vmem>>)
      %dma_start3A_167 = arith.constant 0 : i32
      %dma_start3A_168 = arith.constant 0 : i32
      %dma_start3A_169 = tpu.memref_slice %arg6[%dma_start3A_167, %dma_start3A_168] : memref<2x112xi32, #tpu.memory_space<vmem>> -> memref<1x112xi32, #tpu.memory_space<vmem>>
      %dma_start3A_170 = tpu.memref_squeeze %dma_start3A_169 : memref<1x112xi32, #tpu.memory_space<vmem>> -> memref<112xi32, #tpu.memory_space<vmem>>
      %dma_start3A_171 = arith.constant 0 : i32
      %dma_start3A_172 = arith.constant 0 : i32
      %dma_start3A_173 = tpu.memref_slice %arg2[%dma_start3A_171, %dma_start3A_172] : memref<10240x128xf32, #tpu.memory_space<hbm>> -> memref<10240x128xf32, #tpu.memory_space<hbm>>
      tpu.enqueue_indirect_dma source(%dma_start3A_173 : memref<10240x128xf32, #tpu.memory_space<hbm>>) target(%arg9 : memref<112x128xf32, #tpu.memory_space<vmem>>) offsets(%dma_start3A_170 : memref<112xi32, #tpu.memory_space<vmem>>) semaphore(%arg16 : memref<!tpu.dma_semaphore, #tpu.memory_space<semaphore_mem>>)
      %dma_wait3A_174 = arith.constant 0 : i32
      %dma_wait3A_175 = arith.constant 0 : i32
      %dma_wait3A_176 = tpu.memref_slice %arg7[%dma_wait3A_174, %dma_wait3A_175] : memref<2x112xi32, #tpu.memory_space<vmem>> -> memref<1x112xi32, #tpu.memory_space<vmem>>
      %dma_wait3A_177 = tpu.memref_squeeze %dma_wait3A_176 : memref<1x112xi32, #tpu.memory_space<vmem>> -> memref<112xi32, #tpu.memory_space<vmem>>
      %dma_wait3A_178 = arith.constant 0 : i32
      %dma_wait3A_179 = arith.constant 0 : i32
      %dma_wait3A_180 = tpu.memref_slice %arg2[%dma_wait3A_178, %dma_wait3A_179] : memref<10240x128xf32, #tpu.memory_space<hbm>> -> memref<10240x128xf32, #tpu.memory_space<hbm>>
      tpu.wait_indirect_dma semaphore(%arg17 : memref<!tpu.dma_semaphore, #tpu.memory_space<semaphore_mem>>) src(%dma_wait3A_180 : memref<10240x128xf32, #tpu.memory_space<hbm>>) dst(%arg10 : memref<112x128xf32, #tpu.memory_space<vmem>>)
      %run_scoped3A_181 = arith.constant 1 : i32
      "tpu.region"() ({
        %run_scoped3A_231 = tpu.sem_alloc : memref<!tpu.dma_semaphore, #tpu.memory_space<semaphore_mem>>
        %dma_start3A_232 = arith.constant 0 : i32
        %dma_start3A_233 = tpu.memref_slice %arg7[%run_scoped3A_181, %dma_start3A_232] : memref<2x112xi32, #tpu.memory_space<vmem>> -> memref<1x112xi32, #tpu.memory_space<vmem>>
        %dma_start3A_234 = tpu.memref_squeeze %dma_start3A_233 : memref<1x112xi32, #tpu.memory_space<vmem>> -> memref<112xi32, #tpu.memory_space<vmem>>
        %dma_start3A_235 = arith.constant 0 : i32
        %dma_start3A_236 = arith.constant 0 : i32
        %dma_start3A_237 = tpu.memref_slice %arg12[%dma_start3A_235, %dma_start3A_236] : memref<10240x128xf32, #tpu.memory_space<vmem_shared>> -> memref<10240x128xf32, #tpu.memory_space<vmem_shared>>
        tpu.enqueue_indirect_dma source(%arg10 : memref<112x128xf32, #tpu.memory_space<vmem>>) target(%dma_start3A_237 : memref<10240x128xf32, #tpu.memory_space<vmem_shared>>) offsets(%dma_start3A_234 : memref<112xi32, #tpu.memory_space<vmem>>) semaphore(%run_scoped3A_231 : memref<!tpu.dma_semaphore, #tpu.memory_space<semaphore_mem>>) {add = true}
        %dma_wait3A_238 = arith.constant 0 : i32
        %dma_wait3A_239 = tpu.memref_slice %arg7[%run_scoped3A_181, %dma_wait3A_238] : memref<2x112xi32, #tpu.memory_space<vmem>> -> memref<1x112xi32, #tpu.memory_space<vmem>>
        %dma_wait3A_240 = tpu.memref_squeeze %dma_wait3A_239 : memref<1x112xi32, #tpu.memory_space<vmem>> -> memref<112xi32, #tpu.memory_space<vmem>>
        %dma_wait3A_241 = arith.constant 0 : i32
        %dma_wait3A_242 = arith.constant 0 : i32
        %dma_wait3A_243 = tpu.memref_slice %arg12[%dma_wait3A_241, %dma_wait3A_242] : memref<10240x128xf32, #tpu.memory_space<vmem_shared>> -> memref<10240x128xf32, #tpu.memory_space<vmem_shared>>
        tpu.wait_indirect_dma semaphore(%run_scoped3A_231 : memref<!tpu.dma_semaphore, #tpu.memory_space<semaphore_mem>>) src(%arg10 : memref<112x128xf32, #tpu.memory_space<vmem>>) dst(%dma_wait3A_243 : memref<10240x128xf32, #tpu.memory_space<vmem_shared>>)
        tpu.yield
      }) : () -> ()
      %add3A_182 = arith.constant 3 : i32
      %add3A_183 = arith.addi %add3A_154, %add3A_182 : i32
      %dma_start3A_184 = arith.constant 0 : i32
      %dma_start3A_185 = arith.constant 0 : i32
      %dma_start3A_186 = tpu.memref_slice %arg3[%add3A, %add3A_183, %dma_start3A_184, %dma_start3A_185] : memref<32x90x2x112xi32, #tpu.memory_space<hbm>> -> memref<1x1x2x112xi32, #tpu.memory_space<hbm>>
      %dma_start3A_187 = tpu.memref_squeeze %dma_start3A_186 : memref<1x1x2x112xi32, #tpu.memory_space<hbm>> -> memref<2x112xi32, #tpu.memory_space<hbm>>
      %dma_start3A_188 = arith.constant 0 : i32
      %dma_start3A_189 = arith.constant 0 : i32
      %dma_start3A_190 = tpu.memref_slice %arg3[%add3A, %add3A_183, %dma_start3A_188, %dma_start3A_189] : memref<32x90x2x112xi32, #tpu.memory_space<hbm>> -> memref<1x1x2x112xi32, #tpu.memory_space<hbm>>
      %dma_start3A_191 = tpu.memref_squeeze %dma_start3A_190 : memref<1x1x2x112xi32, #tpu.memory_space<hbm>> -> memref<2x112xi32, #tpu.memory_space<hbm>>
      tpu.enqueue_dma source(%dma_start3A_191 : memref<2x112xi32, #tpu.memory_space<hbm>>) target(%arg7 : memref<2x112xi32, #tpu.memory_space<vmem>>) target_semaphore(%arg14 : memref<!tpu.dma_semaphore, #tpu.memory_space<semaphore_mem>>)
      %add3A_192 = arith.constant 2 : i32
      %add3A_193 = arith.addi %add3A_114, %add3A_192 : i32
      %add3A_194 = arith.constant 3 : i32
      %add3A_195 = arith.addi %add3A_193, %add3A_194 : i32
      %sub3A_196 = arith.constant 1 : i32
      %sub3A_197 = arith.subi %add3A_195, %sub3A_196 : i32
      %dma_wait3A_198 = arith.constant 0 : i32
      %dma_wait3A_199 = arith.constant 0 : i32
      %dma_wait3A_200 = tpu.memref_slice %arg3[%add3A, %sub3A_197, %dma_wait3A_198, %dma_wait3A_199] : memref<32x90x2x112xi32, #tpu.memory_space<hbm>> -> memref<1x1x2x112xi32, #tpu.memory_space<hbm>>
      %dma_wait3A_201 = tpu.memref_squeeze %dma_wait3A_200 : memref<1x1x2x112xi32, #tpu.memory_space<hbm>> -> memref<2x112xi32, #tpu.memory_space<hbm>>
      %dma_wait3A_202 = arith.constant 0 : i32
      %dma_wait3A_203 = arith.constant 0 : i32
      %dma_wait3A_204 = tpu.memref_slice %arg3[%add3A, %sub3A_197, %dma_wait3A_202, %dma_wait3A_203] : memref<32x90x2x112xi32, #tpu.memory_space<hbm>> -> memref<1x1x2x112xi32, #tpu.memory_space<hbm>>
      %dma_wait3A_205 = tpu.memref_squeeze %dma_wait3A_204 : memref<1x1x2x112xi32, #tpu.memory_space<hbm>> -> memref<2x112xi32, #tpu.memory_space<hbm>>
      tpu.wait_dma2 semaphore(%arg14 : memref<!tpu.dma_semaphore, #tpu.memory_space<semaphore_mem>>) src(%dma_wait3A_205 : memref<2x112xi32, #tpu.memory_space<hbm>>) dst(%arg7 : memref<2x112xi32, #tpu.memory_space<vmem>>)
      %dma_start3A_206 = arith.constant 0 : i32
      %dma_start3A_207 = arith.constant 0 : i32
      %dma_start3A_208 = tpu.memref_slice %arg7[%dma_start3A_206, %dma_start3A_207] : memref<2x112xi32, #tpu.memory_space<vmem>> -> memref<1x112xi32, #tpu.memory_space<vmem>>
      %dma_start3A_209 = tpu.memref_squeeze %dma_start3A_208 : memref<1x112xi32, #tpu.memory_space<vmem>> -> memref<112xi32, #tpu.memory_space<vmem>>
      %dma_start3A_210 = arith.constant 0 : i32
      %dma_start3A_211 = arith.constant 0 : i32
      %dma_start3A_212 = tpu.memref_slice %arg2[%dma_start3A_210, %dma_start3A_211] : memref<10240x128xf32, #tpu.memory_space<hbm>> -> memref<10240x128xf32, #tpu.memory_space<hbm>>
      tpu.enqueue_indirect_dma source(%dma_start3A_212 : memref<10240x128xf32, #tpu.memory_space<hbm>>) target(%arg10 : memref<112x128xf32, #tpu.memory_space<vmem>>) offsets(%dma_start3A_209 : memref<112xi32, #tpu.memory_space<vmem>>) semaphore(%arg17 : memref<!tpu.dma_semaphore, #tpu.memory_space<semaphore_mem>>)
      %dma_wait3A_213 = arith.constant 0 : i32
      %dma_wait3A_214 = arith.constant 0 : i32
      %dma_wait3A_215 = tpu.memref_slice %arg8[%dma_wait3A_213, %dma_wait3A_214] : memref<2x112xi32, #tpu.memory_space<vmem>> -> memref<1x112xi32, #tpu.memory_space<vmem>>
      %dma_wait3A_216 = tpu.memref_squeeze %dma_wait3A_215 : memref<1x112xi32, #tpu.memory_space<vmem>> -> memref<112xi32, #tpu.memory_space<vmem>>
      %dma_wait3A_217 = arith.constant 0 : i32
      %dma_wait3A_218 = arith.constant 0 : i32
      %dma_wait3A_219 = tpu.memref_slice %arg2[%dma_wait3A_217, %dma_wait3A_218] : memref<10240x128xf32, #tpu.memory_space<hbm>> -> memref<10240x128xf32, #tpu.memory_space<hbm>>
      tpu.wait_indirect_dma semaphore(%arg18 : memref<!tpu.dma_semaphore, #tpu.memory_space<semaphore_mem>>) src(%dma_wait3A_219 : memref<10240x128xf32, #tpu.memory_space<hbm>>) dst(%arg11 : memref<112x128xf32, #tpu.memory_space<vmem>>)
      %run_scoped3A_220 = arith.constant 1 : i32
      "tpu.region"() ({
        %run_scoped3A_231 = tpu.sem_alloc : memref<!tpu.dma_semaphore, #tpu.memory_space<semaphore_mem>>
        %dma_start3A_232 = arith.constant 0 : i32
        %dma_start3A_233 = tpu.memref_slice %arg8[%run_scoped3A_220, %dma_start3A_232] : memref<2x112xi32, #tpu.memory_space<vmem>> -> memref<1x112xi32, #tpu.memory_space<vmem>>
        %dma_start3A_234 = tpu.memref_squeeze %dma_start3A_233 : memref<1x112xi32, #tpu.memory_space<vmem>> -> memref<112xi32, #tpu.memory_space<vmem>>
        %dma_start3A_235 = arith.constant 0 : i32
        %dma_start3A_236 = arith.constant 0 : i32
        %dma_start3A_237 = tpu.memref_slice %arg12[%dma_start3A_235, %dma_start3A_236] : memref<10240x128xf32, #tpu.memory_space<vmem_shared>> -> memref<10240x128xf32, #tpu.memory_space<vmem_shared>>
        tpu.enqueue_indirect_dma source(%arg11 : memref<112x128xf32, #tpu.memory_space<vmem>>) target(%dma_start3A_237 : memref<10240x128xf32, #tpu.memory_space<vmem_shared>>) offsets(%dma_start3A_234 : memref<112xi32, #tpu.memory_space<vmem>>) semaphore(%run_scoped3A_231 : memref<!tpu.dma_semaphore, #tpu.memory_space<semaphore_mem>>) {add = true}
        %dma_wait3A_238 = arith.constant 0 : i32
        %dma_wait3A_239 = tpu.memref_slice %arg8[%run_scoped3A_220, %dma_wait3A_238] : memref<2x112xi32, #tpu.memory_space<vmem>> -> memref<1x112xi32, #tpu.memory_space<vmem>>
        %dma_wait3A_240 = tpu.memref_squeeze %dma_wait3A_239 : memref<1x112xi32, #tpu.memory_space<vmem>> -> memref<112xi32, #tpu.memory_space<vmem>>
        %dma_wait3A_241 = arith.constant 0 : i32
        %dma_wait3A_242 = arith.constant 0 : i32
        %dma_wait3A_243 = tpu.memref_slice %arg12[%dma_wait3A_241, %dma_wait3A_242] : memref<10240x128xf32, #tpu.memory_space<vmem_shared>> -> memref<10240x128xf32, #tpu.memory_space<vmem_shared>>
        tpu.wait_indirect_dma semaphore(%run_scoped3A_231 : memref<!tpu.dma_semaphore, #tpu.memory_space<semaphore_mem>>) src(%arg11 : memref<112x128xf32, #tpu.memory_space<vmem>>) dst(%dma_wait3A_243 : memref<10240x128xf32, #tpu.memory_space<vmem_shared>>)
        tpu.yield
      }) : () -> ()
      %add3A_221 = arith.constant 3 : i32
      %add3A_222 = arith.addi %add3A_193, %add3A_221 : i32
      %dma_start3A_223 = arith.constant 0 : i32
      %dma_start3A_224 = arith.constant 0 : i32
      %dma_start3A_225 = tpu.memref_slice %arg3[%add3A, %add3A_222, %dma_start3A_223, %dma_start3A_224] : memref<32x90x2x112xi32, #tpu.memory_space<hbm>> -> memref<1x1x2x112xi32, #tpu.memory_space<hbm>>
      %dma_start3A_226 = tpu.memref_squeeze %dma_start3A_225 : memref<1x1x2x112xi32, #tpu.memory_space<hbm>> -> memref<2x112xi32, #tpu.memory_space<hbm>>
      %dma_start3A_227 = arith.constant 0 : i32
      %dma_start3A_228 = arith.constant 0 : i32
      %dma_start3A_229 = tpu.memref_slice %arg3[%add3A, %add3A_222, %dma_start3A_227, %dma_start3A_228] : memref<32x90x2x112xi32, #tpu.memory_space<hbm>> -> memref<1x1x2x112xi32, #tpu.memory_space<hbm>>
      %dma_start3A_230 = tpu.memref_squeeze %dma_start3A_229 : memref<1x1x2x112xi32, #tpu.memory_space<hbm>> -> memref<2x112xi32, #tpu.memory_space<hbm>>
      tpu.enqueue_dma source(%dma_start3A_230 : memref<2x112xi32, #tpu.memory_space<hbm>>) target(%arg8 : memref<2x112xi32, #tpu.memory_space<vmem>>) target_semaphore(%arg15 : memref<!tpu.dma_semaphore, #tpu.memory_space<semaphore_mem>>)
    }
    %scan3A_65 = arith.constant 29 : i32
    %dma_wait3A_66 = arith.constant 89 : i32
    %dma_wait3A_67 = arith.constant 0 : i32
    %dma_wait3A_68 = arith.constant 0 : i32
    %dma_wait3A_69 = tpu.memref_slice %arg3[%add3A, %dma_wait3A_66, %dma_wait3A_67, %dma_wait3A_68] : memref<32x90x2x112xi32, #tpu.memory_space<hbm>> -> memref<1x1x2x112xi32, #tpu.memory_space<hbm>>
    %dma_wait3A_70 = tpu.memref_squeeze %dma_wait3A_69 : memref<1x1x2x112xi32, #tpu.memory_space<hbm>> -> memref<2x112xi32, #tpu.memory_space<hbm>>
    %dma_wait3A_71 = arith.constant 0 : i32
    %dma_wait3A_72 = arith.constant 0 : i32
    %dma_wait3A_73 = tpu.memref_slice %arg3[%add3A, %dma_wait3A_66, %dma_wait3A_71, %dma_wait3A_72] : memref<32x90x2x112xi32, #tpu.memory_space<hbm>> -> memref<1x1x2x112xi32, #tpu.memory_space<hbm>>
    %dma_wait3A_74 = tpu.memref_squeeze %dma_wait3A_73 : memref<1x1x2x112xi32, #tpu.memory_space<hbm>> -> memref<2x112xi32, #tpu.memory_space<hbm>>
    tpu.wait_dma2 semaphore(%arg15 : memref<!tpu.dma_semaphore, #tpu.memory_space<semaphore_mem>>) src(%dma_wait3A_74 : memref<2x112xi32, #tpu.memory_space<hbm>>) dst(%arg8 : memref<2x112xi32, #tpu.memory_space<vmem>>)
    %dma_start3A_75 = arith.constant 0 : i32
    %dma_start3A_76 = arith.constant 0 : i32
    %dma_start3A_77 = tpu.memref_slice %arg8[%dma_start3A_75, %dma_start3A_76] : memref<2x112xi32, #tpu.memory_space<vmem>> -> memref<1x112xi32, #tpu.memory_space<vmem>>
    %dma_start3A_78 = tpu.memref_squeeze %dma_start3A_77 : memref<1x112xi32, #tpu.memory_space<vmem>> -> memref<112xi32, #tpu.memory_space<vmem>>
    %dma_start3A_79 = arith.constant 0 : i32
    %dma_start3A_80 = arith.constant 0 : i32
    %dma_start3A_81 = tpu.memref_slice %arg2[%dma_start3A_79, %dma_start3A_80] : memref<10240x128xf32, #tpu.memory_space<hbm>> -> memref<10240x128xf32, #tpu.memory_space<hbm>>
    tpu.enqueue_indirect_dma source(%dma_start3A_81 : memref<10240x128xf32, #tpu.memory_space<hbm>>) target(%arg11 : memref<112x128xf32, #tpu.memory_space<vmem>>) offsets(%dma_start3A_78 : memref<112xi32, #tpu.memory_space<vmem>>) semaphore(%arg18 : memref<!tpu.dma_semaphore, #tpu.memory_space<semaphore_mem>>)
    %dma_wait3A_82 = arith.constant 0 : i32
    %dma_wait3A_83 = arith.constant 0 : i32
    %dma_wait3A_84 = tpu.memref_slice %arg6[%dma_wait3A_82, %dma_wait3A_83] : memref<2x112xi32, #tpu.memory_space<vmem>> -> memref<1x112xi32, #tpu.memory_space<vmem>>
    %dma_wait3A_85 = tpu.memref_squeeze %dma_wait3A_84 : memref<1x112xi32, #tpu.memory_space<vmem>> -> memref<112xi32, #tpu.memory_space<vmem>>
    %dma_wait3A_86 = arith.constant 0 : i32
    %dma_wait3A_87 = arith.constant 0 : i32
    %dma_wait3A_88 = tpu.memref_slice %arg2[%dma_wait3A_86, %dma_wait3A_87] : memref<10240x128xf32, #tpu.memory_space<hbm>> -> memref<10240x128xf32, #tpu.memory_space<hbm>>
    tpu.wait_indirect_dma semaphore(%arg16 : memref<!tpu.dma_semaphore, #tpu.memory_space<semaphore_mem>>) src(%dma_wait3A_88 : memref<10240x128xf32, #tpu.memory_space<hbm>>) dst(%arg9 : memref<112x128xf32, #tpu.memory_space<vmem>>)
    %run_scoped3A = arith.constant 1 : i32
    "tpu.region"() ({
      %run_scoped3A_110 = tpu.sem_alloc : memref<!tpu.dma_semaphore, #tpu.memory_space<semaphore_mem>>
      %dma_start3A_111 = arith.constant 0 : i32
      %dma_start3A_112 = tpu.memref_slice %arg6[%run_scoped3A, %dma_start3A_111] : memref<2x112xi32, #tpu.memory_space<vmem>> -> memref<1x112xi32, #tpu.memory_space<vmem>>
      %dma_start3A_113 = tpu.memref_squeeze %dma_start3A_112 : memref<1x112xi32, #tpu.memory_space<vmem>> -> memref<112xi32, #tpu.memory_space<vmem>>
      %dma_start3A_114 = arith.constant 0 : i32
      %dma_start3A_115 = arith.constant 0 : i32
      %dma_start3A_116 = tpu.memref_slice %arg12[%dma_start3A_114, %dma_start3A_115] : memref<10240x128xf32, #tpu.memory_space<vmem_shared>> -> memref<10240x128xf32, #tpu.memory_space<vmem_shared>>
      tpu.enqueue_indirect_dma source(%arg9 : memref<112x128xf32, #tpu.memory_space<vmem>>) target(%dma_start3A_116 : memref<10240x128xf32, #tpu.memory_space<vmem_shared>>) offsets(%dma_start3A_113 : memref<112xi32, #tpu.memory_space<vmem>>) semaphore(%run_scoped3A_110 : memref<!tpu.dma_semaphore, #tpu.memory_space<semaphore_mem>>) {add = true}
      %dma_wait3A_117 = arith.constant 0 : i32
      %dma_wait3A_118 = tpu.memref_slice %arg6[%run_scoped3A, %dma_wait3A_117] : memref<2x112xi32, #tpu.memory_space<vmem>> -> memref<1x112xi32, #tpu.memory_space<vmem>>
      %dma_wait3A_119 = tpu.memref_squeeze %dma_wait3A_118 : memref<1x112xi32, #tpu.memory_space<vmem>> -> memref<112xi32, #tpu.memory_space<vmem>>
      %dma_wait3A_120 = arith.constant 0 : i32
      %dma_wait3A_121 = arith.constant 0 : i32
      %dma_wait3A_122 = tpu.memref_slice %arg12[%dma_wait3A_120, %dma_wait3A_121] : memref<10240x128xf32, #tpu.memory_space<vmem_shared>> -> memref<10240x128xf32, #tpu.memory_space<vmem_shared>>
      tpu.wait_indirect_dma semaphore(%run_scoped3A_110 : memref<!tpu.dma_semaphore, #tpu.memory_space<semaphore_mem>>) src(%arg9 : memref<112x128xf32, #tpu.memory_space<vmem>>) dst(%dma_wait3A_122 : memref<10240x128xf32, #tpu.memory_space<vmem_shared>>)
      tpu.yield
    }) : () -> ()
    %dma_wait3A_89 = arith.constant 0 : i32
    %dma_wait3A_90 = arith.constant 0 : i32
    %dma_wait3A_91 = tpu.memref_slice %arg7[%dma_wait3A_89, %dma_wait3A_90] : memref<2x112xi32, #tpu.memory_space<vmem>> -> memref<1x112xi32, #tpu.memory_space<vmem>>
    %dma_wait3A_92 = tpu.memref_squeeze %dma_wait3A_91 : memref<1x112xi32, #tpu.memory_space<vmem>> -> memref<112xi32, #tpu.memory_space<vmem>>
    %dma_wait3A_93 = arith.constant 0 : i32
    %dma_wait3A_94 = arith.constant 0 : i32
    %dma_wait3A_95 = tpu.memref_slice %arg2[%dma_wait3A_93, %dma_wait3A_94] : memref<10240x128xf32, #tpu.memory_space<hbm>> -> memref<10240x128xf32, #tpu.memory_space<hbm>>
    tpu.wait_indirect_dma semaphore(%arg17 : memref<!tpu.dma_semaphore, #tpu.memory_space<semaphore_mem>>) src(%dma_wait3A_95 : memref<10240x128xf32, #tpu.memory_space<hbm>>) dst(%arg10 : memref<112x128xf32, #tpu.memory_space<vmem>>)
    %run_scoped3A_96 = arith.constant 1 : i32
    "tpu.region"() ({
      %run_scoped3A_110 = tpu.sem_alloc : memref<!tpu.dma_semaphore, #tpu.memory_space<semaphore_mem>>
      %dma_start3A_111 = arith.constant 0 : i32
      %dma_start3A_112 = tpu.memref_slice %arg7[%run_scoped3A_96, %dma_start3A_111] : memref<2x112xi32, #tpu.memory_space<vmem>> -> memref<1x112xi32, #tpu.memory_space<vmem>>
      %dma_start3A_113 = tpu.memref_squeeze %dma_start3A_112 : memref<1x112xi32, #tpu.memory_space<vmem>> -> memref<112xi32, #tpu.memory_space<vmem>>
      %dma_start3A_114 = arith.constant 0 : i32
      %dma_start3A_115 = arith.constant 0 : i32
      %dma_start3A_116 = tpu.memref_slice %arg12[%dma_start3A_114, %dma_start3A_115] : memref<10240x128xf32, #tpu.memory_space<vmem_shared>> -> memref<10240x128xf32, #tpu.memory_space<vmem_shared>>
      tpu.enqueue_indirect_dma source(%arg10 : memref<112x128xf32, #tpu.memory_space<vmem>>) target(%dma_start3A_116 : memref<10240x128xf32, #tpu.memory_space<vmem_shared>>) offsets(%dma_start3A_113 : memref<112xi32, #tpu.memory_space<vmem>>) semaphore(%run_scoped3A_110 : memref<!tpu.dma_semaphore, #tpu.memory_space<semaphore_mem>>) {add = true}
      %dma_wait3A_117 = arith.constant 0 : i32
      %dma_wait3A_118 = tpu.memref_slice %arg7[%run_scoped3A_96, %dma_wait3A_117] : memref<2x112xi32, #tpu.memory_space<vmem>> -> memref<1x112xi32, #tpu.memory_space<vmem>>
      %dma_wait3A_119 = tpu.memref_squeeze %dma_wait3A_118 : memref<1x112xi32, #tpu.memory_space<vmem>> -> memref<112xi32, #tpu.memory_space<vmem>>
      %dma_wait3A_120 = arith.constant 0 : i32
      %dma_wait3A_121 = arith.constant 0 : i32
      %dma_wait3A_122 = tpu.memref_slice %arg12[%dma_wait3A_120, %dma_wait3A_121] : memref<10240x128xf32, #tpu.memory_space<vmem_shared>> -> memref<10240x128xf32, #tpu.memory_space<vmem_shared>>
      tpu.wait_indirect_dma semaphore(%run_scoped3A_110 : memref<!tpu.dma_semaphore, #tpu.memory_space<semaphore_mem>>) src(%arg10 : memref<112x128xf32, #tpu.memory_space<vmem>>) dst(%dma_wait3A_122 : memref<10240x128xf32, #tpu.memory_space<vmem_shared>>)
      tpu.yield
    }) : () -> ()
    %dma_wait3A_97 = arith.constant 0 : i32
    %dma_wait3A_98 = arith.constant 0 : i32
    %dma_wait3A_99 = tpu.memref_slice %arg8[%dma_wait3A_97, %dma_wait3A_98] : memref<2x112xi32, #tpu.memory_space<vmem>> -> memref<1x112xi32, #tpu.memory_space<vmem>>
    %dma_wait3A_100 = tpu.memref_squeeze %dma_wait3A_99 : memref<1x112xi32, #tpu.memory_space<vmem>> -> memref<112xi32, #tpu.memory_space<vmem>>
    %dma_wait3A_101 = arith.constant 0 : i32
    %dma_wait3A_102 = arith.constant 0 : i32
    %dma_wait3A_103 = tpu.memref_slice %arg2[%dma_wait3A_101, %dma_wait3A_102] : memref<10240x128xf32, #tpu.memory_space<hbm>> -> memref<10240x128xf32, #tpu.memory_space<hbm>>
    tpu.wait_indirect_dma semaphore(%arg18 : memref<!tpu.dma_semaphore, #tpu.memory_space<semaphore_mem>>) src(%dma_wait3A_103 : memref<10240x128xf32, #tpu.memory_space<hbm>>) dst(%arg11 : memref<112x128xf32, #tpu.memory_space<vmem>>)
    %run_scoped3A_104 = arith.constant 1 : i32
    "tpu.region"() ({
      %run_scoped3A_110 = tpu.sem_alloc : memref<!tpu.dma_semaphore, #tpu.memory_space<semaphore_mem>>
      %dma_start3A_111 = arith.constant 0 : i32
      %dma_start3A_112 = tpu.memref_slice %arg8[%run_scoped3A_104, %dma_start3A_111] : memref<2x112xi32, #tpu.memory_space<vmem>> -> memref<1x112xi32, #tpu.memory_space<vmem>>
      %dma_start3A_113 = tpu.memref_squeeze %dma_start3A_112 : memref<1x112xi32, #tpu.memory_space<vmem>> -> memref<112xi32, #tpu.memory_space<vmem>>
      %dma_start3A_114 = arith.constant 0 : i32
      %dma_start3A_115 = arith.constant 0 : i32
      %dma_start3A_116 = tpu.memref_slice %arg12[%dma_start3A_114, %dma_start3A_115] : memref<10240x128xf32, #tpu.memory_space<vmem_shared>> -> memref<10240x128xf32, #tpu.memory_space<vmem_shared>>
      tpu.enqueue_indirect_dma source(%arg11 : memref<112x128xf32, #tpu.memory_space<vmem>>) target(%dma_start3A_116 : memref<10240x128xf32, #tpu.memory_space<vmem_shared>>) offsets(%dma_start3A_113 : memref<112xi32, #tpu.memory_space<vmem>>) semaphore(%run_scoped3A_110 : memref<!tpu.dma_semaphore, #tpu.memory_space<semaphore_mem>>) {add = true}
      %dma_wait3A_117 = arith.constant 0 : i32
      %dma_wait3A_118 = tpu.memref_slice %arg8[%run_scoped3A_104, %dma_wait3A_117] : memref<2x112xi32, #tpu.memory_space<vmem>> -> memref<1x112xi32, #tpu.memory_space<vmem>>
      %dma_wait3A_119 = tpu.memref_squeeze %dma_wait3A_118 : memref<1x112xi32, #tpu.memory_space<vmem>> -> memref<112xi32, #tpu.memory_space<vmem>>
      %dma_wait3A_120 = arith.constant 0 : i32
      %dma_wait3A_121 = arith.constant 0 : i32
      %dma_wait3A_122 = tpu.memref_slice %arg12[%dma_wait3A_120, %dma_wait3A_121] : memref<10240x128xf32, #tpu.memory_space<vmem_shared>> -> memref<10240x128xf32, #tpu.memory_space<vmem_shared>>
      tpu.wait_indirect_dma semaphore(%run_scoped3A_110 : memref<!tpu.dma_semaphore, #tpu.memory_space<semaphore_mem>>) src(%arg11 : memref<112x128xf32, #tpu.memory_space<vmem>>) dst(%dma_wait3A_122 : memref<10240x128xf32, #tpu.memory_space<vmem_shared>>)
      tpu.yield
    }) : () -> ()
    %barrier3A_105 = arith.constant 0 : index
    tpu.barrier barrier_id(%barrier3A_105)
    %mul3A_106 = arith.constant 640 : i32
    %mul3A_107 = arith.muli %arg1, %mul3A_106 : i32
    %mul3A_108 = arith.constant 640 : i32
    %mul3A_109 = arith.muli %arg1, %mul3A_108 : i32
    "tpu.region"() ({
      %run_scoped3A_110 = tpu.sem_alloc : memref<!tpu.dma_semaphore, #tpu.memory_space<semaphore_mem>>
      %dma_start3A_111 = arith.constant 0 : i32
      %dma_start3A_112 = tpu.memref_slice %arg5[%arg0, %mul3A_109, %dma_start3A_111] : memref<2x10240x128xf32, #tpu.memory_space<hbm>> -> memref<1x640x128xf32, #tpu.memory_space<hbm>>
      %dma_start3A_113 = tpu.memref_squeeze %dma_start3A_112 : memref<1x640x128xf32, #tpu.memory_space<hbm>> -> memref<640x128xf32, #tpu.memory_space<hbm>>
      %dma_start3A_114 = arith.constant 0 : i32
      %dma_start3A_115 = tpu.memref_slice %arg12[%mul3A_107, %dma_start3A_114] : memref<10240x128xf32, #tpu.memory_space<vmem_shared>> -> memref<640x128xf32, #tpu.memory_space<vmem_shared>>
      tpu.enqueue_dma source(%dma_start3A_115 : memref<640x128xf32, #tpu.memory_space<vmem_shared>>) target(%dma_start3A_113 : memref<640x128xf32, #tpu.memory_space<hbm>>) target_semaphore(%run_scoped3A_110 : memref<!tpu.dma_semaphore, #tpu.memory_space<semaphore_mem>>)
      %dma_wait3A_116 = arith.constant 0 : i32
      %dma_wait3A_117 = tpu.memref_slice %arg5[%arg0, %mul3A_109, %dma_wait3A_116] : memref<2x10240x128xf32, #tpu.memory_space<hbm>> -> memref<1x640x128xf32, #tpu.memory_space<hbm>>
      %dma_wait3A_118 = tpu.memref_squeeze %dma_wait3A_117 : memref<1x640x128xf32, #tpu.memory_space<hbm>> -> memref<640x128xf32, #tpu.memory_space<hbm>>
      %dma_wait3A_119 = arith.constant 0 : i32
      %dma_wait3A_120 = tpu.memref_slice %arg12[%mul3A_107, %dma_wait3A_119] : memref<10240x128xf32, #tpu.memory_space<vmem_shared>> -> memref<640x128xf32, #tpu.memory_space<vmem_shared>>
      tpu.wait_dma2 semaphore(%run_scoped3A_110 : memref<!tpu.dma_semaphore, #tpu.memory_space<semaphore_mem>>) src(%dma_wait3A_120 : memref<640x128xf32, #tpu.memory_space<vmem_shared>>) dst(%dma_wait3A_118 : memref<640x128xf32, #tpu.memory_space<hbm>>)
      tpu.yield
    }) : () -> ()
    return
  }
}

#map = affine_map<(d0, d1) -> (0, 0)>
#map1 = affine_map<(d0, d1) -> (0, 0, 0, 0)>
#map2 = affine_map<(d0, d1) -> (0, 0, 0)>
module attributes {stable_mosaic.version = 14 : i64} {
  func.func @_sc_scatter_body(%arg0: i32, %arg1: i32, %arg2: memref<10240x128xf32, #tpu.memory_space<hbm>>, %arg3: memref<32x90x2x112xi32, #tpu.memory_space<hbm>>, %arg4: memref<10240x128xf32, #tpu.memory_space<hbm>>, %arg5: memref<2x10240x128xf32, #tpu.memory_space<hbm>>, %arg6: memref<2x112xi32, #tpu.memory_space<vmem>>, %arg7: memref<2x112xi32, #tpu.memory_space<vmem>>, %arg8: memref<2x112xi32, #tpu.memory_space<vmem>>, %arg9: memref<112x128xf32, #tpu.memory_space<vmem>>, %arg10: memref<112x128xf32, #tpu.memory_space<vmem>>, %arg11: memref<112x128xf32, #tpu.memory_space<vmem>>, %arg12: memref<10240x128xf32, #tpu.memory_space<vmem_shared>>, %arg13: memref<!tpu.dma_semaphore, #tpu.memory_space<semaphore_mem>>, %arg14: memref<!tpu.dma_semaphore, #tpu.memory_space<semaphore_mem>>, %arg15: memref<!tpu.dma_semaphore, #tpu.memory_space<semaphore_mem>>, %arg16: memref<!tpu.dma_semaphore, #tpu.memory_space<semaphore_mem>>, %arg17: memref<!tpu.dma_semaphore, #tpu.memory_space<semaphore_mem>>, %arg18: memref<!tpu.dma_semaphore, #tpu.memory_space<semaphore_mem>>) attributes {dimension_semantics = [#tpu.dimension_semantics<core_parallel>, #tpu.dimension_semantics<subcore_parallel>], iteration_bounds = array<i64: 2, 16>, scalar_prefetch = 0 : i64, scratch_operands = 13 : i64, tpu.core_type = #tpu.core_type<sc_vector_subcore>, window_params = [{transform_indices = #map}, {transform_indices = #map1}, {transform_indices = #map}, {transform_indices = #map2}]} {
    %mul3A = arith.constant 2 : i32
    %mul3A_0 = arith.muli %arg1, %mul3A : i32
    %add3A = arith.addi %mul3A_0, %arg0 : i32
    %mul3A_1 = arith.constant 640 : i32
    %mul3A_2 = arith.muli %arg1, %mul3A_1 : i32
    %mul3A_3 = arith.constant 640 : i32
    %mul3A_4 = arith.muli %arg1, %mul3A_3 : i32
    "tpu.region"() ({
      %run_scoped3A_110 = tpu.sem_alloc : memref<!tpu.dma_semaphore, #tpu.memory_space<semaphore_mem>>
      %dma_start3A_111 = arith.constant 0 : i32
      %dma_start3A_112 = tpu.memref_slice %arg12[%mul3A_4, %dma_start3A_111] : memref<10240x128xf32, #tpu.memory_space<vmem_shared>> -> memref<640x128xf32, #tpu.memory_space<vmem_shared>>
      %dma_start3A_113 = arith.constant 0 : i32
      %dma_start3A_114 = tpu.memref_slice %arg4[%mul3A_2, %dma_start3A_113] : memref<10240x128xf32, #tpu.memory_space<hbm>> -> memref<640x128xf32, #tpu.memory_space<hbm>>
      tpu.enqueue_dma source(%dma_start3A_114 : memref<640x128xf32, #tpu.memory_space<hbm>>) target(%dma_start3A_112 : memref<640x128xf32, #tpu.memory_space<vmem_shared>>) target_semaphore(%run_scoped3A_110 : memref<!tpu.dma_semaphore, #tpu.memory_space<semaphore_mem>>)
      %dma_wait3A_115 = arith.constant 0 : i32
      %dma_wait3A_116 = tpu.memref_slice %arg12[%mul3A_4, %dma_wait3A_115] : memref<10240x128xf32, #tpu.memory_space<vmem_shared>> -> memref<640x128xf32, #tpu.memory_space<vmem_shared>>
      %dma_wait3A_117 = arith.constant 0 : i32
      %dma_wait3A_118 = tpu.memref_slice %arg4[%mul3A_2, %dma_wait3A_117] : memref<10240x128xf32, #tpu.memory_space<hbm>> -> memref<640x128xf32, #tpu.memory_space<hbm>>
      tpu.wait_dma2 semaphore(%run_scoped3A_110 : memref<!tpu.dma_semaphore, #tpu.memory_space<semaphore_mem>>) src(%dma_wait3A_118 : memref<640x128xf32, #tpu.memory_space<hbm>>) dst(%dma_wait3A_116 : memref<640x128xf32, #tpu.memory_space<vmem_shared>>)
      tpu.yield
    }) : () -> ()
    %barrier3A = arith.constant 0 : index
    tpu.barrier barrier_id(%barrier3A)
    %dma_start3A = arith.constant 0 : i32
    %dma_start3A_5 = arith.constant 0 : i32
    %dma_start3A_6 = arith.constant 0 : i32
    %dma_start3A_7 = tpu.memref_slice %arg3[%add3A, %dma_start3A, %dma_start3A_5, %dma_start3A_6] : memref<32x90x2x112xi32, #tpu.memory_space<hbm>> -> memref<1x1x2x112xi32, #tpu.memory_space<hbm>>
    %dma_start3A_8 = tpu.memref_squeeze %dma_start3A_7 : memref<1x1x2x112xi32, #tpu.memory_space<hbm>> -> memref<2x112xi32, #tpu.memory_space<hbm>>
    %dma_start3A_9 = arith.constant 0 : i32
    %dma_start3A_10 = arith.constant 0 : i32
    %dma_start3A_11 = tpu.memref_slice %arg3[%add3A, %dma_start3A, %dma_start3A_9, %dma_start3A_10] : memref<32x90x2x112xi32, #tpu.memory_space<hbm>> -> memref<1x1x2x112xi32, #tpu.memory_space<hbm>>
    %dma_start3A_12 = tpu.memref_squeeze %dma_start3A_11 : memref<1x1x2x112xi32, #tpu.memory_space<hbm>> -> memref<2x112xi32, #tpu.memory_space<hbm>>
    tpu.enqueue_dma source(%dma_start3A_12 : memref<2x112xi32, #tpu.memory_space<hbm>>) target(%arg6 : memref<2x112xi32, #tpu.memory_space<vmem>>) target_semaphore(%arg13 : memref<!tpu.dma_semaphore, #tpu.memory_space<semaphore_mem>>)
    %dma_start3A_13 = arith.constant 1 : i32
    %dma_start3A_14 = arith.constant 0 : i32
    %dma_start3A_15 = arith.constant 0 : i32
    %dma_start3A_16 = tpu.memref_slice %arg3[%add3A, %dma_start3A_13, %dma_start3A_14, %dma_start3A_15] : memref<32x90x2x112xi32, #tpu.memory_space<hbm>> -> memref<1x1x2x112xi32, #tpu.memory_space<hbm>>
    %dma_start3A_17 = tpu.memref_squeeze %dma_start3A_16 : memref<1x1x2x112xi32, #tpu.memory_space<hbm>> -> memref<2x112xi32, #tpu.memory_space<hbm>>
    %dma_start3A_18 = arith.constant 0 : i32
    %dma_start3A_19 = arith.constant 0 : i32
    %dma_start3A_20 = tpu.memref_slice %arg3[%add3A, %dma_start3A_13, %dma_start3A_18, %dma_start3A_19] : memref<32x90x2x112xi32, #tpu.memory_space<hbm>> -> memref<1x1x2x112xi32, #tpu.memory_space<hbm>>
    %dma_start3A_21 = tpu.memref_squeeze %dma_start3A_20 : memref<1x1x2x112xi32, #tpu.memory_space<hbm>> -> memref<2x112xi32, #tpu.memory_space<hbm>>
    tpu.enqueue_dma source(%dma_start3A_21 : memref<2x112xi32, #tpu.memory_space<hbm>>) target(%arg7 : memref<2x112xi32, #tpu.memory_space<vmem>>) target_semaphore(%arg14 : memref<!tpu.dma_semaphore, #tpu.memory_space<semaphore_mem>>)
    %dma_start3A_22 = arith.constant 2 : i32
    %dma_start3A_23 = arith.constant 0 : i32
    %dma_start3A_24 = arith.constant 0 : i32
    %dma_start3A_25 = tpu.memref_slice %arg3[%add3A, %dma_start3A_22, %dma_start3A_23, %dma_start3A_24] : memref<32x90x2x112xi32, #tpu.memory_space<hbm>> -> memref<1x1x2x112xi32, #tpu.memory_space<hbm>>
    %dma_start3A_26 = tpu.memref_squeeze %dma_start3A_25 : memref<1x1x2x112xi32, #tpu.memory_space<hbm>> -> memref<2x112xi32, #tpu.memory_space<hbm>>
    %dma_start3A_27 = arith.constant 0 : i32
    %dma_start3A_28 = arith.constant 0 : i32
    %dma_start3A_29 = tpu.memref_slice %arg3[%add3A, %dma_start3A_22, %dma_start3A_27, %dma_start3A_28] : memref<32x90x2x112xi32, #tpu.memory_space<hbm>> -> memref<1x1x2x112xi32, #tpu.memory_space<hbm>>
    %dma_start3A_30 = tpu.memref_squeeze %dma_start3A_29 : memref<1x1x2x112xi32, #tpu.memory_space<hbm>> -> memref<2x112xi32, #tpu.memory_space<hbm>>
    tpu.enqueue_dma source(%dma_start3A_30 : memref<2x112xi32, #tpu.memory_space<hbm>>) target(%arg8 : memref<2x112xi32, #tpu.memory_space<vmem>>) target_semaphore(%arg15 : memref<!tpu.dma_semaphore, #tpu.memory_space<semaphore_mem>>)
    %dma_wait3A = arith.constant 0 : i32
    %dma_wait3A_31 = arith.constant 0 : i32
    %dma_wait3A_32 = arith.constant 0 : i32
    %dma_wait3A_33 = tpu.memref_slice %arg3[%add3A, %dma_wait3A, %dma_wait3A_31, %dma_wait3A_32] : memref<32x90x2x112xi32, #tpu.memory_space<hbm>> -> memref<1x1x2x112xi32, #tpu.memory_space<hbm>>
    %dma_wait3A_34 = tpu.memref_squeeze %dma_wait3A_33 : memref<1x1x2x112xi32, #tpu.memory_space<hbm>> -> memref<2x112xi32, #tpu.memory_space<hbm>>
    %dma_wait3A_35 = arith.constant 0 : i32
    %dma_wait3A_36 = arith.constant 0 : i32
    %dma_wait3A_37 = tpu.memref_slice %arg3[%add3A, %dma_wait3A, %dma_wait3A_35, %dma_wait3A_36] : memref<32x90x2x112xi32, #tpu.memory_space<hbm>> -> memref<1x1x2x112xi32, #tpu.memory_space<hbm>>
    %dma_wait3A_38 = tpu.memref_squeeze %dma_wait3A_37 : memref<1x1x2x112xi32, #tpu.memory_space<hbm>> -> memref<2x112xi32, #tpu.memory_space<hbm>>
    tpu.wait_dma2 semaphore(%arg13 : memref<!tpu.dma_semaphore, #tpu.memory_space<semaphore_mem>>) src(%dma_wait3A_38 : memref<2x112xi32, #tpu.memory_space<hbm>>) dst(%arg6 : memref<2x112xi32, #tpu.memory_space<vmem>>)
    %dma_start3A_39 = arith.constant 0 : i32
    %dma_start3A_40 = arith.constant 0 : i32
    %dma_start3A_41 = tpu.memref_slice %arg6[%dma_start3A_39, %dma_start3A_40] : memref<2x112xi32, #tpu.memory_space<vmem>> -> memref<1x112xi32, #tpu.memory_space<vmem>>
    %dma_start3A_42 = tpu.memref_squeeze %dma_start3A_41 : memref<1x112xi32, #tpu.memory_space<vmem>> -> memref<112xi32, #tpu.memory_space<vmem>>
    %dma_start3A_43 = arith.constant 0 : i32
    %dma_start3A_44 = arith.constant 0 : i32
    %dma_start3A_45 = tpu.memref_slice %arg2[%dma_start3A_43, %dma_start3A_44] : memref<10240x128xf32, #tpu.memory_space<hbm>> -> memref<10240x128xf32, #tpu.memory_space<hbm>>
    tpu.enqueue_indirect_dma source(%dma_start3A_45 : memref<10240x128xf32, #tpu.memory_space<hbm>>) target(%arg9 : memref<112x128xf32, #tpu.memory_space<vmem>>) offsets(%dma_start3A_42 : memref<112xi32, #tpu.memory_space<vmem>>) semaphore(%arg16 : memref<!tpu.dma_semaphore, #tpu.memory_space<semaphore_mem>>)
    %dma_wait3A_46 = arith.constant 1 : i32
    %dma_wait3A_47 = arith.constant 0 : i32
    %dma_wait3A_48 = arith.constant 0 : i32
    %dma_wait3A_49 = tpu.memref_slice %arg3[%add3A, %dma_wait3A_46, %dma_wait3A_47, %dma_wait3A_48] : memref<32x90x2x112xi32, #tpu.memory_space<hbm>> -> memref<1x1x2x112xi32, #tpu.memory_space<hbm>>
    %dma_wait3A_50 = tpu.memref_squeeze %dma_wait3A_49 : memref<1x1x2x112xi32, #tpu.memory_space<hbm>> -> memref<2x112xi32, #tpu.memory_space<hbm>>
    %dma_wait3A_51 = arith.constant 0 : i32
    %dma_wait3A_52 = arith.constant 0 : i32
    %dma_wait3A_53 = tpu.memref_slice %arg3[%add3A, %dma_wait3A_46, %dma_wait3A_51, %dma_wait3A_52] : memref<32x90x2x112xi32, #tpu.memory_space<hbm>> -> memref<1x1x2x112xi32, #tpu.memory_space<hbm>>
    %dma_wait3A_54 = tpu.memref_squeeze %dma_wait3A_53 : memref<1x1x2x112xi32, #tpu.memory_space<hbm>> -> memref<2x112xi32, #tpu.memory_space<hbm>>
    tpu.wait_dma2 semaphore(%arg14 : memref<!tpu.dma_semaphore, #tpu.memory_space<semaphore_mem>>) src(%dma_wait3A_54 : memref<2x112xi32, #tpu.memory_space<hbm>>) dst(%arg7 : memref<2x112xi32, #tpu.memory_space<vmem>>)
    %dma_start3A_55 = arith.constant 0 : i32
    %dma_start3A_56 = arith.constant 0 : i32
    %dma_start3A_57 = tpu.memref_slice %arg7[%dma_start3A_55, %dma_start3A_56] : memref<2x112xi32, #tpu.memory_space<vmem>> -> memref<1x112xi32, #tpu.memory_space<vmem>>
    %dma_start3A_58 = tpu.memref_squeeze %dma_start3A_57 : memref<1x112xi32, #tpu.memory_space<vmem>> -> memref<112xi32, #tpu.memory_space<vmem>>
    %dma_start3A_59 = arith.constant 0 : i32
    %dma_start3A_60 = arith.constant 0 : i32
    %dma_start3A_61 = tpu.memref_slice %arg2[%dma_start3A_59, %dma_start3A_60] : memref<10240x128xf32, #tpu.memory_space<hbm>> -> memref<10240x128xf32, #tpu.memory_space<hbm>>
    tpu.enqueue_indirect_dma source(%dma_start3A_61 : memref<10240x128xf32, #tpu.memory_space<hbm>>) target(%arg10 : memref<112x128xf32, #tpu.memory_space<vmem>>) offsets(%dma_start3A_58 : memref<112xi32, #tpu.memory_space<vmem>>) semaphore(%arg17 : memref<!tpu.dma_semaphore, #tpu.memory_space<semaphore_mem>>)
    %scan3A = arith.constant 0 : i32
    %scan3A_62 = arith.constant 29 : i32
    %scan3A_63 = arith.addi %scan3A, %scan3A_62 : i32
    %scan3A_64 = arith.constant 1 : i32
    scf.for %scan3A_110 = %scan3A to %scan3A_63 step %scan3A_64  : i32 {
      %mul3A_111 = arith.constant 3 : i32
      %mul3A_112 = arith.muli %scan3A_110, %mul3A_111 : i32
      %add3A_113 = arith.constant 0 : i32
      %add3A_114 = arith.addi %add3A_113, %mul3A_112 : i32
      %add3A_115 = arith.constant 0 : i32
      %add3A_116 = arith.addi %add3A_114, %add3A_115 : i32
      %add3A_117 = arith.constant 3 : i32
      %add3A_118 = arith.addi %add3A_116, %add3A_117 : i32
      %sub3A = arith.constant 1 : i32
      %sub3A_119 = arith.subi %add3A_118, %sub3A : i32
      %dma_wait3A_120 = arith.constant 0 : i32
      %dma_wait3A_121 = arith.constant 0 : i32
      %dma_wait3A_122 = tpu.memref_slice %arg3[%add3A, %sub3A_119, %dma_wait3A_120, %dma_wait3A_121] : memref<32x90x2x112xi32, #tpu.memory_space<hbm>> -> memref<1x1x2x112xi32, #tpu.memory_space<hbm>>
      %dma_wait3A_123 = tpu.memref_squeeze %dma_wait3A_122 : memref<1x1x2x112xi32, #tpu.memory_space<hbm>> -> memref<2x112xi32, #tpu.memory_space<hbm>>
      %dma_wait3A_124 = arith.constant 0 : i32
      %dma_wait3A_125 = arith.constant 0 : i32
      %dma_wait3A_126 = tpu.memref_slice %arg3[%add3A, %sub3A_119, %dma_wait3A_124, %dma_wait3A_125] : memref<32x90x2x112xi32, #tpu.memory_space<hbm>> -> memref<1x1x2x112xi32, #tpu.memory_space<hbm>>
      %dma_wait3A_127 = tpu.memref_squeeze %dma_wait3A_126 : memref<1x1x2x112xi32, #tpu.memory_space<hbm>> -> memref<2x112xi32, #tpu.memory_space<hbm>>
      tpu.wait_dma2 semaphore(%arg15 : memref<!tpu.dma_semaphore, #tpu.memory_space<semaphore_mem>>) src(%dma_wait3A_127 : memref<2x112xi32, #tpu.memory_space<hbm>>) dst(%arg8 : memref<2x112xi32, #tpu.memory_space<vmem>>)
      %dma_start3A_128 = arith.constant 0 : i32
      %dma_start3A_129 = arith.constant 0 : i32
      %dma_start3A_130 = tpu.memref_slice %arg8[%dma_start3A_128, %dma_start3A_129] : memref<2x112xi32, #tpu.memory_space<vmem>> -> memref<1x112xi32, #tpu.memory_space<vmem>>
      %dma_start3A_131 = tpu.memref_squeeze %dma_start3A_130 : memref<1x112xi32, #tpu.memory_space<vmem>> -> memref<112xi32, #tpu.memory_space<vmem>>
      %dma_start3A_132 = arith.constant 0 : i32
      %dma_start3A_133 = arith.constant 0 : i32
      %dma_start3A_134 = tpu.memref_slice %arg2[%dma_start3A_132, %dma_start3A_133] : memref<10240x128xf32, #tpu.memory_space<hbm>> -> memref<10240x128xf32, #tpu.memory_space<hbm>>
      tpu.enqueue_indirect_dma source(%dma_start3A_134 : memref<10240x128xf32, #tpu.memory_space<hbm>>) target(%arg11 : memref<112x128xf32, #tpu.memory_space<vmem>>) offsets(%dma_start3A_131 : memref<112xi32, #tpu.memory_space<vmem>>) semaphore(%arg18 : memref<!tpu.dma_semaphore, #tpu.memory_space<semaphore_mem>>)
      %dma_wait3A_135 = arith.constant 0 : i32
      %dma_wait3A_136 = arith.constant 0 : i32
      %dma_wait3A_137 = tpu.memref_slice %arg6[%dma_wait3A_135, %dma_wait3A_136] : memref<2x112xi32, #tpu.memory_space<vmem>> -> memref<1x112xi32, #tpu.memory_space<vmem>>
      %dma_wait3A_138 = tpu.memref_squeeze %dma_wait3A_137 : memref<1x112xi32, #tpu.memory_space<vmem>> -> memref<112xi32, #tpu.memory_space<vmem>>
      %dma_wait3A_139 = arith.constant 0 : i32
      %dma_wait3A_140 = arith.constant 0 : i32
      %dma_wait3A_141 = tpu.memref_slice %arg2[%dma_wait3A_139, %dma_wait3A_140] : memref<10240x128xf32, #tpu.memory_space<hbm>> -> memref<10240x128xf32, #tpu.memory_space<hbm>>
      tpu.wait_indirect_dma semaphore(%arg16 : memref<!tpu.dma_semaphore, #tpu.memory_space<semaphore_mem>>) src(%dma_wait3A_141 : memref<10240x128xf32, #tpu.memory_space<hbm>>) dst(%arg9 : memref<112x128xf32, #tpu.memory_space<vmem>>)
      %run_scoped3A_142 = arith.constant 1 : i32
      "tpu.region"() ({
        %run_scoped3A_231 = tpu.sem_alloc : memref<!tpu.dma_semaphore, #tpu.memory_space<semaphore_mem>>
        %dma_start3A_232 = arith.constant 0 : i32
        %dma_start3A_233 = tpu.memref_slice %arg6[%run_scoped3A_142, %dma_start3A_232] : memref<2x112xi32, #tpu.memory_space<vmem>> -> memref<1x112xi32, #tpu.memory_space<vmem>>
        %dma_start3A_234 = tpu.memref_squeeze %dma_start3A_233 : memref<1x112xi32, #tpu.memory_space<vmem>> -> memref<112xi32, #tpu.memory_space<vmem>>
        %dma_start3A_235 = arith.constant 0 : i32
        %dma_start3A_236 = arith.constant 0 : i32
        %dma_start3A_237 = tpu.memref_slice %arg12[%dma_start3A_235, %dma_start3A_236] : memref<10240x128xf32, #tpu.memory_space<vmem_shared>> -> memref<10240x128xf32, #tpu.memory_space<vmem_shared>>
        tpu.enqueue_indirect_dma source(%arg9 : memref<112x128xf32, #tpu.memory_space<vmem>>) target(%dma_start3A_237 : memref<10240x128xf32, #tpu.memory_space<vmem_shared>>) offsets(%dma_start3A_234 : memref<112xi32, #tpu.memory_space<vmem>>) semaphore(%run_scoped3A_231 : memref<!tpu.dma_semaphore, #tpu.memory_space<semaphore_mem>>) {add = true}
        %dma_wait3A_238 = arith.constant 0 : i32
        %dma_wait3A_239 = tpu.memref_slice %arg6[%run_scoped3A_142, %dma_wait3A_238] : memref<2x112xi32, #tpu.memory_space<vmem>> -> memref<1x112xi32, #tpu.memory_space<vmem>>
        %dma_wait3A_240 = tpu.memref_squeeze %dma_wait3A_239 : memref<1x112xi32, #tpu.memory_space<vmem>> -> memref<112xi32, #tpu.memory_space<vmem>>
        %dma_wait3A_241 = arith.constant 0 : i32
        %dma_wait3A_242 = arith.constant 0 : i32
        %dma_wait3A_243 = tpu.memref_slice %arg12[%dma_wait3A_241, %dma_wait3A_242] : memref<10240x128xf32, #tpu.memory_space<vmem_shared>> -> memref<10240x128xf32, #tpu.memory_space<vmem_shared>>
        tpu.wait_indirect_dma semaphore(%run_scoped3A_231 : memref<!tpu.dma_semaphore, #tpu.memory_space<semaphore_mem>>) src(%arg9 : memref<112x128xf32, #tpu.memory_space<vmem>>) dst(%dma_wait3A_243 : memref<10240x128xf32, #tpu.memory_space<vmem_shared>>)
        tpu.yield
      }) : () -> ()
      %add3A_143 = arith.constant 3 : i32
      %add3A_144 = arith.addi %add3A_116, %add3A_143 : i32
      %dma_start3A_145 = arith.constant 0 : i32
      %dma_start3A_146 = arith.constant 0 : i32
      %dma_start3A_147 = tpu.memref_slice %arg3[%add3A, %add3A_144, %dma_start3A_145, %dma_start3A_146] : memref<32x90x2x112xi32, #tpu.memory_space<hbm>> -> memref<1x1x2x112xi32, #tpu.memory_space<hbm>>
      %dma_start3A_148 = tpu.memref_squeeze %dma_start3A_147 : memref<1x1x2x112xi32, #tpu.memory_space<hbm>> -> memref<2x112xi32, #tpu.memory_space<hbm>>
      %dma_start3A_149 = arith.constant 0 : i32
      %dma_start3A_150 = arith.constant 0 : i32
      %dma_start3A_151 = tpu.memref_slice %arg3[%add3A, %add3A_144, %dma_start3A_149, %dma_start3A_150] : memref<32x90x2x112xi32, #tpu.memory_space<hbm>> -> memref<1x1x2x112xi32, #tpu.memory_space<hbm>>
      %dma_start3A_152 = tpu.memref_squeeze %dma_start3A_151 : memref<1x1x2x112xi32, #tpu.memory_space<hbm>> -> memref<2x112xi32, #tpu.memory_space<hbm>>
      tpu.enqueue_dma source(%dma_start3A_152 : memref<2x112xi32, #tpu.memory_space<hbm>>) target(%arg6 : memref<2x112xi32, #tpu.memory_space<vmem>>) target_semaphore(%arg13 : memref<!tpu.dma_semaphore, #tpu.memory_space<semaphore_mem>>)
      %add3A_153 = arith.constant 1 : i32
      %add3A_154 = arith.addi %add3A_114, %add3A_153 : i32
      %add3A_155 = arith.constant 3 : i32
      %add3A_156 = arith.addi %add3A_154, %add3A_155 : i32
      %sub3A_157 = arith.constant 1 : i32
      %sub3A_158 = arith.subi %add3A_156, %sub3A_157 : i32
      %dma_wait3A_159 = arith.constant 0 : i32
      %dma_wait3A_160 = arith.constant 0 : i32
      %dma_wait3A_161 = tpu.memref_slice %arg3[%add3A, %sub3A_158, %dma_wait3A_159, %dma_wait3A_160] : memref<32x90x2x112xi32, #tpu.memory_space<hbm>> -> memref<1x1x2x112xi32, #tpu.memory_space<hbm>>
      %dma_wait3A_162 = tpu.memref_squeeze %dma_wait3A_161 : memref<1x1x2x112xi32, #tpu.memory_space<hbm>> -> memref<2x112xi32, #tpu.memory_space<hbm>>
      %dma_wait3A_163 = arith.constant 0 : i32
      %dma_wait3A_164 = arith.constant 0 : i32
      %dma_wait3A_165 = tpu.memref_slice %arg3[%add3A, %sub3A_158, %dma_wait3A_163, %dma_wait3A_164] : memref<32x90x2x112xi32, #tpu.memory_space<hbm>> -> memref<1x1x2x112xi32, #tpu.memory_space<hbm>>
      %dma_wait3A_166 = tpu.memref_squeeze %dma_wait3A_165 : memref<1x1x2x112xi32, #tpu.memory_space<hbm>> -> memref<2x112xi32, #tpu.memory_space<hbm>>
      tpu.wait_dma2 semaphore(%arg13 : memref<!tpu.dma_semaphore, #tpu.memory_space<semaphore_mem>>) src(%dma_wait3A_166 : memref<2x112xi32, #tpu.memory_space<hbm>>) dst(%arg6 : memref<2x112xi32, #tpu.memory_space<vmem>>)
      %dma_start3A_167 = arith.constant 0 : i32
      %dma_start3A_168 = arith.constant 0 : i32
      %dma_start3A_169 = tpu.memref_slice %arg6[%dma_start3A_167, %dma_start3A_168] : memref<2x112xi32, #tpu.memory_space<vmem>> -> memref<1x112xi32, #tpu.memory_space<vmem>>
      %dma_start3A_170 = tpu.memref_squeeze %dma_start3A_169 : memref<1x112xi32, #tpu.memory_space<vmem>> -> memref<112xi32, #tpu.memory_space<vmem>>
      %dma_start3A_171 = arith.constant 0 : i32
      %dma_start3A_172 = arith.constant 0 : i32
      %dma_start3A_173 = tpu.memref_slice %arg2[%dma_start3A_171, %dma_start3A_172] : memref<10240x128xf32, #tpu.memory_space<hbm>> -> memref<10240x128xf32, #tpu.memory_space<hbm>>
      tpu.enqueue_indirect_dma source(%dma_start3A_173 : memref<10240x128xf32, #tpu.memory_space<hbm>>) target(%arg9 : memref<112x128xf32, #tpu.memory_space<vmem>>) offsets(%dma_start3A_170 : memref<112xi32, #tpu.memory_space<vmem>>) semaphore(%arg16 : memref<!tpu.dma_semaphore, #tpu.memory_space<semaphore_mem>>)
      %dma_wait3A_174 = arith.constant 0 : i32
      %dma_wait3A_175 = arith.constant 0 : i32
      %dma_wait3A_176 = tpu.memref_slice %arg7[%dma_wait3A_174, %dma_wait3A_175] : memref<2x112xi32, #tpu.memory_space<vmem>> -> memref<1x112xi32, #tpu.memory_space<vmem>>
      %dma_wait3A_177 = tpu.memref_squeeze %dma_wait3A_176 : memref<1x112xi32, #tpu.memory_space<vmem>> -> memref<112xi32, #tpu.memory_space<vmem>>
      %dma_wait3A_178 = arith.constant 0 : i32
      %dma_wait3A_179 = arith.constant 0 : i32
      %dma_wait3A_180 = tpu.memref_slice %arg2[%dma_wait3A_178, %dma_wait3A_179] : memref<10240x128xf32, #tpu.memory_space<hbm>> -> memref<10240x128xf32, #tpu.memory_space<hbm>>
      tpu.wait_indirect_dma semaphore(%arg17 : memref<!tpu.dma_semaphore, #tpu.memory_space<semaphore_mem>>) src(%dma_wait3A_180 : memref<10240x128xf32, #tpu.memory_space<hbm>>) dst(%arg10 : memref<112x128xf32, #tpu.memory_space<vmem>>)
      %run_scoped3A_181 = arith.constant 1 : i32
      "tpu.region"() ({
        %run_scoped3A_231 = tpu.sem_alloc : memref<!tpu.dma_semaphore, #tpu.memory_space<semaphore_mem>>
        %dma_start3A_232 = arith.constant 0 : i32
        %dma_start3A_233 = tpu.memref_slice %arg7[%run_scoped3A_181, %dma_start3A_232] : memref<2x112xi32, #tpu.memory_space<vmem>> -> memref<1x112xi32, #tpu.memory_space<vmem>>
        %dma_start3A_234 = tpu.memref_squeeze %dma_start3A_233 : memref<1x112xi32, #tpu.memory_space<vmem>> -> memref<112xi32, #tpu.memory_space<vmem>>
        %dma_start3A_235 = arith.constant 0 : i32
        %dma_start3A_236 = arith.constant 0 : i32
        %dma_start3A_237 = tpu.memref_slice %arg12[%dma_start3A_235, %dma_start3A_236] : memref<10240x128xf32, #tpu.memory_space<vmem_shared>> -> memref<10240x128xf32, #tpu.memory_space<vmem_shared>>
        tpu.enqueue_indirect_dma source(%arg10 : memref<112x128xf32, #tpu.memory_space<vmem>>) target(%dma_start3A_237 : memref<10240x128xf32, #tpu.memory_space<vmem_shared>>) offsets(%dma_start3A_234 : memref<112xi32, #tpu.memory_space<vmem>>) semaphore(%run_scoped3A_231 : memref<!tpu.dma_semaphore, #tpu.memory_space<semaphore_mem>>) {add = true}
        %dma_wait3A_238 = arith.constant 0 : i32
        %dma_wait3A_239 = tpu.memref_slice %arg7[%run_scoped3A_181, %dma_wait3A_238] : memref<2x112xi32, #tpu.memory_space<vmem>> -> memref<1x112xi32, #tpu.memory_space<vmem>>
        %dma_wait3A_240 = tpu.memref_squeeze %dma_wait3A_239 : memref<1x112xi32, #tpu.memory_space<vmem>> -> memref<112xi32, #tpu.memory_space<vmem>>
        %dma_wait3A_241 = arith.constant 0 : i32
        %dma_wait3A_242 = arith.constant 0 : i32
        %dma_wait3A_243 = tpu.memref_slice %arg12[%dma_wait3A_241, %dma_wait3A_242] : memref<10240x128xf32, #tpu.memory_space<vmem_shared>> -> memref<10240x128xf32, #tpu.memory_space<vmem_shared>>
        tpu.wait_indirect_dma semaphore(%run_scoped3A_231 : memref<!tpu.dma_semaphore, #tpu.memory_space<semaphore_mem>>) src(%arg10 : memref<112x128xf32, #tpu.memory_space<vmem>>) dst(%dma_wait3A_243 : memref<10240x128xf32, #tpu.memory_space<vmem_shared>>)
        tpu.yield
      }) : () -> ()
      %add3A_182 = arith.constant 3 : i32
      %add3A_183 = arith.addi %add3A_154, %add3A_182 : i32
      %dma_start3A_184 = arith.constant 0 : i32
      %dma_start3A_185 = arith.constant 0 : i32
      %dma_start3A_186 = tpu.memref_slice %arg3[%add3A, %add3A_183, %dma_start3A_184, %dma_start3A_185] : memref<32x90x2x112xi32, #tpu.memory_space<hbm>> -> memref<1x1x2x112xi32, #tpu.memory_space<hbm>>
      %dma_start3A_187 = tpu.memref_squeeze %dma_start3A_186 : memref<1x1x2x112xi32, #tpu.memory_space<hbm>> -> memref<2x112xi32, #tpu.memory_space<hbm>>
      %dma_start3A_188 = arith.constant 0 : i32
      %dma_start3A_189 = arith.constant 0 : i32
      %dma_start3A_190 = tpu.memref_slice %arg3[%add3A, %add3A_183, %dma_start3A_188, %dma_start3A_189] : memref<32x90x2x112xi32, #tpu.memory_space<hbm>> -> memref<1x1x2x112xi32, #tpu.memory_space<hbm>>
      %dma_start3A_191 = tpu.memref_squeeze %dma_start3A_190 : memref<1x1x2x112xi32, #tpu.memory_space<hbm>> -> memref<2x112xi32, #tpu.memory_space<hbm>>
      tpu.enqueue_dma source(%dma_start3A_191 : memref<2x112xi32, #tpu.memory_space<hbm>>) target(%arg7 : memref<2x112xi32, #tpu.memory_space<vmem>>) target_semaphore(%arg14 : memref<!tpu.dma_semaphore, #tpu.memory_space<semaphore_mem>>)
      %add3A_192 = arith.constant 2 : i32
      %add3A_193 = arith.addi %add3A_114, %add3A_192 : i32
      %add3A_194 = arith.constant 3 : i32
      %add3A_195 = arith.addi %add3A_193, %add3A_194 : i32
      %sub3A_196 = arith.constant 1 : i32
      %sub3A_197 = arith.subi %add3A_195, %sub3A_196 : i32
      %dma_wait3A_198 = arith.constant 0 : i32
      %dma_wait3A_199 = arith.constant 0 : i32
      %dma_wait3A_200 = tpu.memref_slice %arg3[%add3A, %sub3A_197, %dma_wait3A_198, %dma_wait3A_199] : memref<32x90x2x112xi32, #tpu.memory_space<hbm>> -> memref<1x1x2x112xi32, #tpu.memory_space<hbm>>
      %dma_wait3A_201 = tpu.memref_squeeze %dma_wait3A_200 : memref<1x1x2x112xi32, #tpu.memory_space<hbm>> -> memref<2x112xi32, #tpu.memory_space<hbm>>
      %dma_wait3A_202 = arith.constant 0 : i32
      %dma_wait3A_203 = arith.constant 0 : i32
      %dma_wait3A_204 = tpu.memref_slice %arg3[%add3A, %sub3A_197, %dma_wait3A_202, %dma_wait3A_203] : memref<32x90x2x112xi32, #tpu.memory_space<hbm>> -> memref<1x1x2x112xi32, #tpu.memory_space<hbm>>
      %dma_wait3A_205 = tpu.memref_squeeze %dma_wait3A_204 : memref<1x1x2x112xi32, #tpu.memory_space<hbm>> -> memref<2x112xi32, #tpu.memory_space<hbm>>
      tpu.wait_dma2 semaphore(%arg14 : memref<!tpu.dma_semaphore, #tpu.memory_space<semaphore_mem>>) src(%dma_wait3A_205 : memref<2x112xi32, #tpu.memory_space<hbm>>) dst(%arg7 : memref<2x112xi32, #tpu.memory_space<vmem>>)
      %dma_start3A_206 = arith.constant 0 : i32
      %dma_start3A_207 = arith.constant 0 : i32
      %dma_start3A_208 = tpu.memref_slice %arg7[%dma_start3A_206, %dma_start3A_207] : memref<2x112xi32, #tpu.memory_space<vmem>> -> memref<1x112xi32, #tpu.memory_space<vmem>>
      %dma_start3A_209 = tpu.memref_squeeze %dma_start3A_208 : memref<1x112xi32, #tpu.memory_space<vmem>> -> memref<112xi32, #tpu.memory_space<vmem>>
      %dma_start3A_210 = arith.constant 0 : i32
      %dma_start3A_211 = arith.constant 0 : i32
      %dma_start3A_212 = tpu.memref_slice %arg2[%dma_start3A_210, %dma_start3A_211] : memref<10240x128xf32, #tpu.memory_space<hbm>> -> memref<10240x128xf32, #tpu.memory_space<hbm>>
      tpu.enqueue_indirect_dma source(%dma_start3A_212 : memref<10240x128xf32, #tpu.memory_space<hbm>>) target(%arg10 : memref<112x128xf32, #tpu.memory_space<vmem>>) offsets(%dma_start3A_209 : memref<112xi32, #tpu.memory_space<vmem>>) semaphore(%arg17 : memref<!tpu.dma_semaphore, #tpu.memory_space<semaphore_mem>>)
      %dma_wait3A_213 = arith.constant 0 : i32
      %dma_wait3A_214 = arith.constant 0 : i32
      %dma_wait3A_215 = tpu.memref_slice %arg8[%dma_wait3A_213, %dma_wait3A_214] : memref<2x112xi32, #tpu.memory_space<vmem>> -> memref<1x112xi32, #tpu.memory_space<vmem>>
      %dma_wait3A_216 = tpu.memref_squeeze %dma_wait3A_215 : memref<1x112xi32, #tpu.memory_space<vmem>> -> memref<112xi32, #tpu.memory_space<vmem>>
      %dma_wait3A_217 = arith.constant 0 : i32
      %dma_wait3A_218 = arith.constant 0 : i32
      %dma_wait3A_219 = tpu.memref_slice %arg2[%dma_wait3A_217, %dma_wait3A_218] : memref<10240x128xf32, #tpu.memory_space<hbm>> -> memref<10240x128xf32, #tpu.memory_space<hbm>>
      tpu.wait_indirect_dma semaphore(%arg18 : memref<!tpu.dma_semaphore, #tpu.memory_space<semaphore_mem>>) src(%dma_wait3A_219 : memref<10240x128xf32, #tpu.memory_space<hbm>>) dst(%arg11 : memref<112x128xf32, #tpu.memory_space<vmem>>)
      %run_scoped3A_220 = arith.constant 1 : i32
      "tpu.region"() ({
        %run_scoped3A_231 = tpu.sem_alloc : memref<!tpu.dma_semaphore, #tpu.memory_space<semaphore_mem>>
        %dma_start3A_232 = arith.constant 0 : i32
        %dma_start3A_233 = tpu.memref_slice %arg8[%run_scoped3A_220, %dma_start3A_232] : memref<2x112xi32, #tpu.memory_space<vmem>> -> memref<1x112xi32, #tpu.memory_space<vmem>>
        %dma_start3A_234 = tpu.memref_squeeze %dma_start3A_233 : memref<1x112xi32, #tpu.memory_space<vmem>> -> memref<112xi32, #tpu.memory_space<vmem>>
        %dma_start3A_235 = arith.constant 0 : i32
        %dma_start3A_236 = arith.constant 0 : i32
        %dma_start3A_237 = tpu.memref_slice %arg12[%dma_start3A_235, %dma_start3A_236] : memref<10240x128xf32, #tpu.memory_space<vmem_shared>> -> memref<10240x128xf32, #tpu.memory_space<vmem_shared>>
        tpu.enqueue_indirect_dma source(%arg11 : memref<112x128xf32, #tpu.memory_space<vmem>>) target(%dma_start3A_237 : memref<10240x128xf32, #tpu.memory_space<vmem_shared>>) offsets(%dma_start3A_234 : memref<112xi32, #tpu.memory_space<vmem>>) semaphore(%run_scoped3A_231 : memref<!tpu.dma_semaphore, #tpu.memory_space<semaphore_mem>>) {add = true}
        %dma_wait3A_238 = arith.constant 0 : i32
        %dma_wait3A_239 = tpu.memref_slice %arg8[%run_scoped3A_220, %dma_wait3A_238] : memref<2x112xi32, #tpu.memory_space<vmem>> -> memref<1x112xi32, #tpu.memory_space<vmem>>
        %dma_wait3A_240 = tpu.memref_squeeze %dma_wait3A_239 : memref<1x112xi32, #tpu.memory_space<vmem>> -> memref<112xi32, #tpu.memory_space<vmem>>
        %dma_wait3A_241 = arith.constant 0 : i32
        %dma_wait3A_242 = arith.constant 0 : i32
        %dma_wait3A_243 = tpu.memref_slice %arg12[%dma_wait3A_241, %dma_wait3A_242] : memref<10240x128xf32, #tpu.memory_space<vmem_shared>> -> memref<10240x128xf32, #tpu.memory_space<vmem_shared>>
        tpu.wait_indirect_dma semaphore(%run_scoped3A_231 : memref<!tpu.dma_semaphore, #tpu.memory_space<semaphore_mem>>) src(%arg11 : memref<112x128xf32, #tpu.memory_space<vmem>>) dst(%dma_wait3A_243 : memref<10240x128xf32, #tpu.memory_space<vmem_shared>>)
        tpu.yield
      }) : () -> ()
      %add3A_221 = arith.constant 3 : i32
      %add3A_222 = arith.addi %add3A_193, %add3A_221 : i32
      %dma_start3A_223 = arith.constant 0 : i32
      %dma_start3A_224 = arith.constant 0 : i32
      %dma_start3A_225 = tpu.memref_slice %arg3[%add3A, %add3A_222, %dma_start3A_223, %dma_start3A_224] : memref<32x90x2x112xi32, #tpu.memory_space<hbm>> -> memref<1x1x2x112xi32, #tpu.memory_space<hbm>>
      %dma_start3A_226 = tpu.memref_squeeze %dma_start3A_225 : memref<1x1x2x112xi32, #tpu.memory_space<hbm>> -> memref<2x112xi32, #tpu.memory_space<hbm>>
      %dma_start3A_227 = arith.constant 0 : i32
      %dma_start3A_228 = arith.constant 0 : i32
      %dma_start3A_229 = tpu.memref_slice %arg3[%add3A, %add3A_222, %dma_start3A_227, %dma_start3A_228] : memref<32x90x2x112xi32, #tpu.memory_space<hbm>> -> memref<1x1x2x112xi32, #tpu.memory_space<hbm>>
      %dma_start3A_230 = tpu.memref_squeeze %dma_start3A_229 : memref<1x1x2x112xi32, #tpu.memory_space<hbm>> -> memref<2x112xi32, #tpu.memory_space<hbm>>
      tpu.enqueue_dma source(%dma_start3A_230 : memref<2x112xi32, #tpu.memory_space<hbm>>) target(%arg8 : memref<2x112xi32, #tpu.memory_space<vmem>>) target_semaphore(%arg15 : memref<!tpu.dma_semaphore, #tpu.memory_space<semaphore_mem>>)
    }
    %scan3A_65 = arith.constant 29 : i32
    %dma_wait3A_66 = arith.constant 89 : i32
    %dma_wait3A_67 = arith.constant 0 : i32
    %dma_wait3A_68 = arith.constant 0 : i32
    %dma_wait3A_69 = tpu.memref_slice %arg3[%add3A, %dma_wait3A_66, %dma_wait3A_67, %dma_wait3A_68] : memref<32x90x2x112xi32, #tpu.memory_space<hbm>> -> memref<1x1x2x112xi32, #tpu.memory_space<hbm>>
    %dma_wait3A_70 = tpu.memref_squeeze %dma_wait3A_69 : memref<1x1x2x112xi32, #tpu.memory_space<hbm>> -> memref<2x112xi32, #tpu.memory_space<hbm>>
    %dma_wait3A_71 = arith.constant 0 : i32
    %dma_wait3A_72 = arith.constant 0 : i32
    %dma_wait3A_73 = tpu.memref_slice %arg3[%add3A, %dma_wait3A_66, %dma_wait3A_71, %dma_wait3A_72] : memref<32x90x2x112xi32, #tpu.memory_space<hbm>> -> memref<1x1x2x112xi32, #tpu.memory_space<hbm>>
    %dma_wait3A_74 = tpu.memref_squeeze %dma_wait3A_73 : memref<1x1x2x112xi32, #tpu.memory_space<hbm>> -> memref<2x112xi32, #tpu.memory_space<hbm>>
    tpu.wait_dma2 semaphore(%arg15 : memref<!tpu.dma_semaphore, #tpu.memory_space<semaphore_mem>>) src(%dma_wait3A_74 : memref<2x112xi32, #tpu.memory_space<hbm>>) dst(%arg8 : memref<2x112xi32, #tpu.memory_space<vmem>>)
    %dma_start3A_75 = arith.constant 0 : i32
    %dma_start3A_76 = arith.constant 0 : i32
    %dma_start3A_77 = tpu.memref_slice %arg8[%dma_start3A_75, %dma_start3A_76] : memref<2x112xi32, #tpu.memory_space<vmem>> -> memref<1x112xi32, #tpu.memory_space<vmem>>
    %dma_start3A_78 = tpu.memref_squeeze %dma_start3A_77 : memref<1x112xi32, #tpu.memory_space<vmem>> -> memref<112xi32, #tpu.memory_space<vmem>>
    %dma_start3A_79 = arith.constant 0 : i32
    %dma_start3A_80 = arith.constant 0 : i32
    %dma_start3A_81 = tpu.memref_slice %arg2[%dma_start3A_79, %dma_start3A_80] : memref<10240x128xf32, #tpu.memory_space<hbm>> -> memref<10240x128xf32, #tpu.memory_space<hbm>>
    tpu.enqueue_indirect_dma source(%dma_start3A_81 : memref<10240x128xf32, #tpu.memory_space<hbm>>) target(%arg11 : memref<112x128xf32, #tpu.memory_space<vmem>>) offsets(%dma_start3A_78 : memref<112xi32, #tpu.memory_space<vmem>>) semaphore(%arg18 : memref<!tpu.dma_semaphore, #tpu.memory_space<semaphore_mem>>)
    %dma_wait3A_82 = arith.constant 0 : i32
    %dma_wait3A_83 = arith.constant 0 : i32
    %dma_wait3A_84 = tpu.memref_slice %arg6[%dma_wait3A_82, %dma_wait3A_83] : memref<2x112xi32, #tpu.memory_space<vmem>> -> memref<1x112xi32, #tpu.memory_space<vmem>>
    %dma_wait3A_85 = tpu.memref_squeeze %dma_wait3A_84 : memref<1x112xi32, #tpu.memory_space<vmem>> -> memref<112xi32, #tpu.memory_space<vmem>>
    %dma_wait3A_86 = arith.constant 0 : i32
    %dma_wait3A_87 = arith.constant 0 : i32
    %dma_wait3A_88 = tpu.memref_slice %arg2[%dma_wait3A_86, %dma_wait3A_87] : memref<10240x128xf32, #tpu.memory_space<hbm>> -> memref<10240x128xf32, #tpu.memory_space<hbm>>
    tpu.wait_indirect_dma semaphore(%arg16 : memref<!tpu.dma_semaphore, #tpu.memory_space<semaphore_mem>>) src(%dma_wait3A_88 : memref<10240x128xf32, #tpu.memory_space<hbm>>) dst(%arg9 : memref<112x128xf32, #tpu.memory_space<vmem>>)
    %run_scoped3A = arith.constant 1 : i32
    "tpu.region"() ({
      %run_scoped3A_110 = tpu.sem_alloc : memref<!tpu.dma_semaphore, #tpu.memory_space<semaphore_mem>>
      %dma_start3A_111 = arith.constant 0 : i32
      %dma_start3A_112 = tpu.memref_slice %arg6[%run_scoped3A, %dma_start3A_111] : memref<2x112xi32, #tpu.memory_space<vmem>> -> memref<1x112xi32, #tpu.memory_space<vmem>>
      %dma_start3A_113 = tpu.memref_squeeze %dma_start3A_112 : memref<1x112xi32, #tpu.memory_space<vmem>> -> memref<112xi32, #tpu.memory_space<vmem>>
      %dma_start3A_114 = arith.constant 0 : i32
      %dma_start3A_115 = arith.constant 0 : i32
      %dma_start3A_116 = tpu.memref_slice %arg12[%dma_start3A_114, %dma_start3A_115] : memref<10240x128xf32, #tpu.memory_space<vmem_shared>> -> memref<10240x128xf32, #tpu.memory_space<vmem_shared>>
      tpu.enqueue_indirect_dma source(%arg9 : memref<112x128xf32, #tpu.memory_space<vmem>>) target(%dma_start3A_116 : memref<10240x128xf32, #tpu.memory_space<vmem_shared>>) offsets(%dma_start3A_113 : memref<112xi32, #tpu.memory_space<vmem>>) semaphore(%run_scoped3A_110 : memref<!tpu.dma_semaphore, #tpu.memory_space<semaphore_mem>>) {add = true}
      %dma_wait3A_117 = arith.constant 0 : i32
      %dma_wait3A_118 = tpu.memref_slice %arg6[%run_scoped3A, %dma_wait3A_117] : memref<2x112xi32, #tpu.memory_space<vmem>> -> memref<1x112xi32, #tpu.memory_space<vmem>>
      %dma_wait3A_119 = tpu.memref_squeeze %dma_wait3A_118 : memref<1x112xi32, #tpu.memory_space<vmem>> -> memref<112xi32, #tpu.memory_space<vmem>>
      %dma_wait3A_120 = arith.constant 0 : i32
      %dma_wait3A_121 = arith.constant 0 : i32
      %dma_wait3A_122 = tpu.memref_slice %arg12[%dma_wait3A_120, %dma_wait3A_121] : memref<10240x128xf32, #tpu.memory_space<vmem_shared>> -> memref<10240x128xf32, #tpu.memory_space<vmem_shared>>
      tpu.wait_indirect_dma semaphore(%run_scoped3A_110 : memref<!tpu.dma_semaphore, #tpu.memory_space<semaphore_mem>>) src(%arg9 : memref<112x128xf32, #tpu.memory_space<vmem>>) dst(%dma_wait3A_122 : memref<10240x128xf32, #tpu.memory_space<vmem_shared>>)
      tpu.yield
    }) : () -> ()
    %dma_wait3A_89 = arith.constant 0 : i32
    %dma_wait3A_90 = arith.constant 0 : i32
    %dma_wait3A_91 = tpu.memref_slice %arg7[%dma_wait3A_89, %dma_wait3A_90] : memref<2x112xi32, #tpu.memory_space<vmem>> -> memref<1x112xi32, #tpu.memory_space<vmem>>
    %dma_wait3A_92 = tpu.memref_squeeze %dma_wait3A_91 : memref<1x112xi32, #tpu.memory_space<vmem>> -> memref<112xi32, #tpu.memory_space<vmem>>
    %dma_wait3A_93 = arith.constant 0 : i32
    %dma_wait3A_94 = arith.constant 0 : i32
    %dma_wait3A_95 = tpu.memref_slice %arg2[%dma_wait3A_93, %dma_wait3A_94] : memref<10240x128xf32, #tpu.memory_space<hbm>> -> memref<10240x128xf32, #tpu.memory_space<hbm>>
    tpu.wait_indirect_dma semaphore(%arg17 : memref<!tpu.dma_semaphore, #tpu.memory_space<semaphore_mem>>) src(%dma_wait3A_95 : memref<10240x128xf32, #tpu.memory_space<hbm>>) dst(%arg10 : memref<112x128xf32, #tpu.memory_space<vmem>>)
    %run_scoped3A_96 = arith.constant 1 : i32
    "tpu.region"() ({
      %run_scoped3A_110 = tpu.sem_alloc : memref<!tpu.dma_semaphore, #tpu.memory_space<semaphore_mem>>
      %dma_start3A_111 = arith.constant 0 : i32
      %dma_start3A_112 = tpu.memref_slice %arg7[%run_scoped3A_96, %dma_start3A_111] : memref<2x112xi32, #tpu.memory_space<vmem>> -> memref<1x112xi32, #tpu.memory_space<vmem>>
      %dma_start3A_113 = tpu.memref_squeeze %dma_start3A_112 : memref<1x112xi32, #tpu.memory_space<vmem>> -> memref<112xi32, #tpu.memory_space<vmem>>
      %dma_start3A_114 = arith.constant 0 : i32
      %dma_start3A_115 = arith.constant 0 : i32
      %dma_start3A_116 = tpu.memref_slice %arg12[%dma_start3A_114, %dma_start3A_115] : memref<10240x128xf32, #tpu.memory_space<vmem_shared>> -> memref<10240x128xf32, #tpu.memory_space<vmem_shared>>
      tpu.enqueue_indirect_dma source(%arg10 : memref<112x128xf32, #tpu.memory_space<vmem>>) target(%dma_start3A_116 : memref<10240x128xf32, #tpu.memory_space<vmem_shared>>) offsets(%dma_start3A_113 : memref<112xi32, #tpu.memory_space<vmem>>) semaphore(%run_scoped3A_110 : memref<!tpu.dma_semaphore, #tpu.memory_space<semaphore_mem>>) {add = true}
      %dma_wait3A_117 = arith.constant 0 : i32
      %dma_wait3A_118 = tpu.memref_slice %arg7[%run_scoped3A_96, %dma_wait3A_117] : memref<2x112xi32, #tpu.memory_space<vmem>> -> memref<1x112xi32, #tpu.memory_space<vmem>>
      %dma_wait3A_119 = tpu.memref_squeeze %dma_wait3A_118 : memref<1x112xi32, #tpu.memory_space<vmem>> -> memref<112xi32, #tpu.memory_space<vmem>>
      %dma_wait3A_120 = arith.constant 0 : i32
      %dma_wait3A_121 = arith.constant 0 : i32
      %dma_wait3A_122 = tpu.memref_slice %arg12[%dma_wait3A_120, %dma_wait3A_121] : memref<10240x128xf32, #tpu.memory_space<vmem_shared>> -> memref<10240x128xf32, #tpu.memory_space<vmem_shared>>
      tpu.wait_indirect_dma semaphore(%run_scoped3A_110 : memref<!tpu.dma_semaphore, #tpu.memory_space<semaphore_mem>>) src(%arg10 : memref<112x128xf32, #tpu.memory_space<vmem>>) dst(%dma_wait3A_122 : memref<10240x128xf32, #tpu.memory_space<vmem_shared>>)
      tpu.yield
    }) : () -> ()
    %dma_wait3A_97 = arith.constant 0 : i32
    %dma_wait3A_98 = arith.constant 0 : i32
    %dma_wait3A_99 = tpu.memref_slice %arg8[%dma_wait3A_97, %dma_wait3A_98] : memref<2x112xi32, #tpu.memory_space<vmem>> -> memref<1x112xi32, #tpu.memory_space<vmem>>
    %dma_wait3A_100 = tpu.memref_squeeze %dma_wait3A_99 : memref<1x112xi32, #tpu.memory_space<vmem>> -> memref<112xi32, #tpu.memory_space<vmem>>
    %dma_wait3A_101 = arith.constant 0 : i32
    %dma_wait3A_102 = arith.constant 0 : i32
    %dma_wait3A_103 = tpu.memref_slice %arg2[%dma_wait3A_101, %dma_wait3A_102] : memref<10240x128xf32, #tpu.memory_space<hbm>> -> memref<10240x128xf32, #tpu.memory_space<hbm>>
    tpu.wait_indirect_dma semaphore(%arg18 : memref<!tpu.dma_semaphore, #tpu.memory_space<semaphore_mem>>) src(%dma_wait3A_103 : memref<10240x128xf32, #tpu.memory_space<hbm>>) dst(%arg11 : memref<112x128xf32, #tpu.memory_space<vmem>>)
    %run_scoped3A_104 = arith.constant 1 : i32
    "tpu.region"() ({
      %run_scoped3A_110 = tpu.sem_alloc : memref<!tpu.dma_semaphore, #tpu.memory_space<semaphore_mem>>
      %dma_start3A_111 = arith.constant 0 : i32
      %dma_start3A_112 = tpu.memref_slice %arg8[%run_scoped3A_104, %dma_start3A_111] : memref<2x112xi32, #tpu.memory_space<vmem>> -> memref<1x112xi32, #tpu.memory_space<vmem>>
      %dma_start3A_113 = tpu.memref_squeeze %dma_start3A_112 : memref<1x112xi32, #tpu.memory_space<vmem>> -> memref<112xi32, #tpu.memory_space<vmem>>
      %dma_start3A_114 = arith.constant 0 : i32
      %dma_start3A_115 = arith.constant 0 : i32
      %dma_start3A_116 = tpu.memref_slice %arg12[%dma_start3A_114, %dma_start3A_115] : memref<10240x128xf32, #tpu.memory_space<vmem_shared>> -> memref<10240x128xf32, #tpu.memory_space<vmem_shared>>
      tpu.enqueue_indirect_dma source(%arg11 : memref<112x128xf32, #tpu.memory_space<vmem>>) target(%dma_start3A_116 : memref<10240x128xf32, #tpu.memory_space<vmem_shared>>) offsets(%dma_start3A_113 : memref<112xi32, #tpu.memory_space<vmem>>) semaphore(%run_scoped3A_110 : memref<!tpu.dma_semaphore, #tpu.memory_space<semaphore_mem>>) {add = true}
      %dma_wait3A_117 = arith.constant 0 : i32
      %dma_wait3A_118 = tpu.memref_slice %arg8[%run_scoped3A_104, %dma_wait3A_117] : memref<2x112xi32, #tpu.memory_space<vmem>> -> memref<1x112xi32, #tpu.memory_space<vmem>>
      %dma_wait3A_119 = tpu.memref_squeeze %dma_wait3A_118 : memref<1x112xi32, #tpu.memory_space<vmem>> -> memref<112xi32, #tpu.memory_space<vmem>>
      %dma_wait3A_120 = arith.constant 0 : i32
      %dma_wait3A_121 = arith.constant 0 : i32
      %dma_wait3A_122 = tpu.memref_slice %arg12[%dma_wait3A_120, %dma_wait3A_121] : memref<10240x128xf32, #tpu.memory_space<vmem_shared>> -> memref<10240x128xf32, #tpu.memory_space<vmem_shared>>
      tpu.wait_indirect_dma semaphore(%run_scoped3A_110 : memref<!tpu.dma_semaphore, #tpu.memory_space<semaphore_mem>>) src(%arg11 : memref<112x128xf32, #tpu.memory_space<vmem>>) dst(%dma_wait3A_122 : memref<10240x128xf32, #tpu.memory_space<vmem_shared>>)
      tpu.yield
    }) : () -> ()
    %barrier3A_105 = arith.constant 0 : index
    tpu.barrier barrier_id(%barrier3A_105)
    %mul3A_106 = arith.constant 640 : i32
    %mul3A_107 = arith.muli %arg1, %mul3A_106 : i32
    %mul3A_108 = arith.constant 640 : i32
    %mul3A_109 = arith.muli %arg1, %mul3A_108 : i32
    "tpu.region"() ({
      %run_scoped3A_110 = tpu.sem_alloc : memref<!tpu.dma_semaphore, #tpu.memory_space<semaphore_mem>>
      %dma_start3A_111 = arith.constant 0 : i32
      %dma_start3A_112 = tpu.memref_slice %arg5[%arg0, %mul3A_109, %dma_start3A_111] : memref<2x10240x128xf32, #tpu.memory_space<hbm>> -> memref<1x640x128xf32, #tpu.memory_space<hbm>>
      %dma_start3A_113 = tpu.memref_squeeze %dma_start3A_112 : memref<1x640x128xf32, #tpu.memory_space<hbm>> -> memref<640x128xf32, #tpu.memory_space<hbm>>
      %dma_start3A_114 = arith.constant 0 : i32
      %dma_start3A_115 = tpu.memref_slice %arg12[%mul3A_107, %dma_start3A_114] : memref<10240x128xf32, #tpu.memory_space<vmem_shared>> -> memref<640x128xf32, #tpu.memory_space<vmem_shared>>
      tpu.enqueue_dma source(%dma_start3A_115 : memref<640x128xf32, #tpu.memory_space<vmem_shared>>) target(%dma_start3A_113 : memref<640x128xf32, #tpu.memory_space<hbm>>) target_semaphore(%run_scoped3A_110 : memref<!tpu.dma_semaphore, #tpu.memory_space<semaphore_mem>>)
      %dma_wait3A_116 = arith.constant 0 : i32
      %dma_wait3A_117 = tpu.memref_slice %arg5[%arg0, %mul3A_109, %dma_wait3A_116] : memref<2x10240x128xf32, #tpu.memory_space<hbm>> -> memref<1x640x128xf32, #tpu.memory_space<hbm>>
      %dma_wait3A_118 = tpu.memref_squeeze %dma_wait3A_117 : memref<1x640x128xf32, #tpu.memory_space<hbm>> -> memref<640x128xf32, #tpu.memory_space<hbm>>
      %dma_wait3A_119 = arith.constant 0 : i32
      %dma_wait3A_120 = tpu.memref_slice %arg12[%mul3A_107, %dma_wait3A_119] : memref<10240x128xf32, #tpu.memory_space<vmem_shared>> -> memref<640x128xf32, #tpu.memory_space<vmem_shared>>
      tpu.wait_dma2 semaphore(%run_scoped3A_110 : memref<!tpu.dma_semaphore, #tpu.memory_space<semaphore_mem>>) src(%dma_wait3A_120 : memref<640x128xf32, #tpu.memory_space<vmem_shared>>) dst(%dma_wait3A_118 : memref<640x128xf32, #tpu.memory_space<hbm>>)
      tpu.yield
    }) : () -> ()
    return
  }
}

module attributes {stable_mosaic.version = 14 : i64} {
  func.func @_tc_xw_body(%arg0: i32, %arg1: memref<1024x128xf32, #tpu.memory_space<vmem>>, %arg2: memref<128x128xf32, #tpu.memory_space<vmem>>, %arg3: memref<1024x128xf32, #tpu.memory_space<vmem>>) attributes {dimension_semantics = [#tpu.dimension_semantics<arbitrary>], iteration_bounds = array<i64: 10>, scalar_prefetch = 0 : i64, scratch_operands = 0 : i64, tpu.core_type = #tpu.core_type<tc>, window_params = [{transform_indices = @transform_0, window_bounds = array<i64: 1024, 128>}, {pipeline_mode = #tpu.pipeline_mode<synchronous>, transform_indices = @transform_1, window_bounds = array<i64: 128, 128>}, {transform_indices = @transform_2, window_bounds = array<i64: 1024, 128>}]} {
    %get3A = arith.constant 0 : index
    %get3A_0 = arith.constant 0 : index
    %get3A_1 = vector.load %arg1[%get3A, %get3A_0] : memref<1024x128xf32, #tpu.memory_space<vmem>>, vector<1024x128xf32>
    %get3A_2 = arith.constant 0 : index
    %get3A_3 = arith.constant 0 : index
    %get3A_4 = vector.load %arg2[%get3A_2, %get3A_3] : memref<128x128xf32, #tpu.memory_space<vmem>>, vector<128x128xf32>
    %dot_general3A = arith.constant dense<0.000000e+00> : vector<1024x128xf32>
    %dot_general3A_5 = tpu.matmul %get3A_1, %get3A_4, %dot_general3A {dimension_numbers = #tpu.dot_dimension_numbers<[1], [0], [0], [1], [0, 0, 1, 1], [], []>, transpose_lhs_hint = false} : vector<1024x128xf32>, vector<128x128xf32>, vector<1024x128xf32> -> vector<1024x128xf32>
    %swap3A = arith.constant 0 : index
    %swap3A_6 = arith.constant 0 : index
    %swap3A_7 = vector.load %arg3[%swap3A, %swap3A_6] : memref<1024x128xf32, #tpu.memory_space<vmem>>, vector<1024x128xf32>
    tpu.vector_store %arg3[%swap3A, %swap3A_6], %dot_general3A_5 {strides = array<i32>} : memref<1024x128xf32, #tpu.memory_space<vmem>>, vector<1024x128xf32>,
    return
  }
  func.func @transform_0(%arg0: i32) -> (i32, i32) {
    %c0_i32 = arith.constant 0 : i32
    %c0_i32_0 = arith.constant 0 : i32
    return %arg0, %c0_i32 : i32, i32
  }
  func.func @transform_1(%arg0: i32) -> (i32, i32) {
    %c0_i32 = arith.constant 0 : i32
    %c0_i32_0 = arith.constant 0 : i32
    %c0_i32_1 = arith.constant 0 : i32
    return %c0_i32, %c0_i32_0 : i32, i32
  }
  func.func @transform_2(%arg0: i32) -> (i32, i32) {
    %c0_i32 = arith.constant 0 : i32
    %c0_i32_0 = arith.constant 0 : i32
    return %arg0, %c0_i32 : i32, i32
  }
}

module attributes {stable_mosaic.version = 14 : i64} {
  func.func @_tc_y_body(%arg0: i32, %arg1: memref<1024x128xf32, #tpu.memory_space<vmem>>, %arg2: memref<2x1024x128xf32, #tpu.memory_space<vmem>>, %arg3: memref<1024x128xf32, #tpu.memory_space<vmem>>) attributes {dimension_semantics = [#tpu.dimension_semantics<arbitrary>], iteration_bounds = array<i64: 10>, scalar_prefetch = 0 : i64, scratch_operands = 0 : i64, tpu.core_type = #tpu.core_type<tc>, window_params = [{transform_indices = @transform_0, window_bounds = array<i64: 1024, 128>}, {transform_indices = @transform_1, window_bounds = array<i64: 2, 1024, 128>}, {transform_indices = @transform_2, window_bounds = array<i64: 1024, 128>}]} {
    %get3A = arith.constant 0 : index
    %get3A_0 = arith.constant 0 : index
    %get3A_1 = vector.load %arg1[%get3A, %get3A_0] : memref<1024x128xf32, #tpu.memory_space<vmem>>, vector<1024x128xf32>
    %get3A_2 = arith.constant 0 : index
    %get3A_3 = arith.constant 0 : index
    %get3A_4 = arith.constant 0 : index
    %get3A_5 = vector.load %arg2[%get3A_2, %get3A_3, %get3A_4] : memref<2x1024x128xf32, #tpu.memory_space<vmem>>, vector<1x1024x1xf32>
    %get3A_6 = vector.shape_cast %get3A_5 : vector<1x1024x1xf32> to vector<1024xf32>
    %get3A_7 = arith.constant 1 : index
    %get3A_8 = arith.constant 0 : index
    %get3A_9 = arith.constant 0 : index
    %get3A_10 = vector.load %arg2[%get3A_7, %get3A_8, %get3A_9] : memref<2x1024x128xf32, #tpu.memory_space<vmem>>, vector<1x1024x1xf32>
    %get3A_11 = vector.shape_cast %get3A_10 : vector<1x1024x1xf32> to vector<1024xf32>
    %add3A = arith.addf %get3A_6, %get3A_11 : vector<1024xf32>
    %add3A_12 = arith.constant 1.000000e+00 : f32
    %add3A_13 = vector.broadcast %add3A_12 : f32 to vector<1024xf32>
    %add3A_14 = arith.addf %add3A, %add3A_13 : vector<1024xf32>
    %rsqrt3A = math.rsqrt %add3A_14 : vector<1024xf32>
    %broadcast_in_dim3A = vector.shape_cast %rsqrt3A : vector<1024xf32> to vector<1024x1xf32>
    %mul3A = vector.broadcast %broadcast_in_dim3A : vector<1024x1xf32> to vector<1024x128xf32>
    %mul3A_15 = arith.mulf %get3A_1, %mul3A : vector<1024x128xf32>
    %swap3A = arith.constant 0 : index
    %swap3A_16 = arith.constant 0 : index
    %swap3A_17 = vector.load %arg3[%swap3A, %swap3A_16] : memref<1024x128xf32, #tpu.memory_space<vmem>>, vector<1024x128xf32>
    tpu.vector_store %arg3[%swap3A, %swap3A_16], %mul3A_15 {strides = array<i32>} : memref<1024x128xf32, #tpu.memory_space<vmem>>, vector<1024x128xf32>,
    return
  }
  func.func @transform_0(%arg0: i32) -> (i32, i32) {
    %c0_i32 = arith.constant 0 : i32
    %c0_i32_0 = arith.constant 0 : i32
    return %arg0, %c0_i32 : i32, i32
  }
  func.func @transform_1(%arg0: i32) -> (i32, i32, i32) {
    %c0_i32 = arith.constant 0 : i32
    %c0_i32_0 = arith.constant 0 : i32
    %c0_i32_1 = arith.constant 0 : i32
    return %c0_i32, %arg0, %c0_i32_0 : i32, i32, i32
  }
  func.func @transform_2(%arg0: i32) -> (i32, i32) {
    %c0_i32 = arith.constant 0 : i32
    %c0_i32_0 = arith.constant 0 : i32
    return %arg0, %c0_i32 : i32, i32
  }
}

module attributes {stable_mosaic.version = 14 : i64} {
  func.func @_tc_t_body(%arg0: i32, %arg1: memref<2x1024x128xf32, #tpu.memory_space<vmem>>, %arg2: memref<1024x128xf32, #tpu.memory_space<vmem>>, %arg3: memref<2x1024x128xf32, #tpu.memory_space<vmem>>, %arg4: memref<1x128xf32, #tpu.memory_space<vmem>>, %arg5: memref<1x1024xi32, #tpu.memory_space<vmem>>, %arg6: memref<1024x128xf32, #tpu.memory_space<vmem>>, %arg7: memref<3x16x128xf32, #tpu.memory_space<vmem>>) attributes {dimension_semantics = [#tpu.dimension_semantics<arbitrary>], iteration_bounds = array<i64: 10>, scalar_prefetch = 0 : i64, scratch_operands = 0 : i64, tpu.core_type = #tpu.core_type<tc>, window_params = [{transform_indices = @transform_0, window_bounds = array<i64: 2, 1024, 128>}, {transform_indices = @transform_1, window_bounds = array<i64: 1024, 128>}, {transform_indices = @transform_2, window_bounds = array<i64: 2, 1024, 128>}, {pipeline_mode = #tpu.pipeline_mode<synchronous>, transform_indices = @transform_3, window_bounds = array<i64: 1, 128>}, {transform_indices = @transform_4, window_bounds = array<i64: 1, 1024>}, {transform_indices = @transform_5, window_bounds = array<i64: 1024, 128>}, {pipeline_mode = #tpu.pipeline_mode<synchronous>, transform_indices = @transform_6, window_bounds = array<i64: 3, 16, 128>}]} {
    %get3A = arith.constant 0 : index
    %get3A_0 = arith.constant 0 : index
    %get3A_1 = arith.constant 0 : index
    %get3A_2 = vector.load %arg3[%get3A, %get3A_0, %get3A_1] : memref<2x1024x128xf32, #tpu.memory_space<vmem>>, vector<1x1024x1xf32>
    %get3A_3 = vector.shape_cast %get3A_2 : vector<1x1024x1xf32> to vector<1024xf32>
    %get3A_4 = arith.constant 1 : index
    %get3A_5 = arith.constant 0 : index
    %get3A_6 = arith.constant 0 : index
    %get3A_7 = vector.load %arg3[%get3A_4, %get3A_5, %get3A_6] : memref<2x1024x128xf32, #tpu.memory_space<vmem>>, vector<1x1024x1xf32>
    %get3A_8 = vector.shape_cast %get3A_7 : vector<1x1024x1xf32> to vector<1024xf32>
    %add3A = arith.addf %get3A_3, %get3A_8 : vector<1024xf32>
    %add3A_9 = arith.constant 1.000000e+00 : f32
    %add3A_10 = vector.broadcast %add3A_9 : f32 to vector<1024xf32>
    %add3A_11 = arith.addf %add3A, %add3A_10 : vector<1024xf32>
    %rsqrt3A = math.rsqrt %add3A_11 : vector<1024xf32>
    %broadcast_in_dim3A = vector.shape_cast %rsqrt3A : vector<1024xf32> to vector<1024x1xf32>
    %get3A_12 = arith.constant 0 : index
    %get3A_13 = arith.constant 0 : index
    %get3A_14 = arith.constant 0 : index
    %get3A_15 = vector.load %arg1[%get3A_12, %get3A_13, %get3A_14] : memref<2x1024x128xf32, #tpu.memory_space<vmem>>, vector<1x1024x128xf32>
    %get3A_16 = vector.shape_cast %get3A_15 : vector<1x1024x128xf32> to vector<1024x128xf32>
    %get3A_17 = arith.constant 1 : index
    %get3A_18 = arith.constant 0 : index
    %get3A_19 = arith.constant 0 : index
    %get3A_20 = vector.load %arg1[%get3A_17, %get3A_18, %get3A_19] : memref<2x1024x128xf32, #tpu.memory_space<vmem>>, vector<1x1024x128xf32>
    %get3A_21 = vector.shape_cast %get3A_20 : vector<1x1024x128xf32> to vector<1024x128xf32>
    %add3A_22 = arith.addf %get3A_16, %get3A_21 : vector<1024x128xf32>
    %get3A_23 = arith.constant 0 : index
    %get3A_24 = arith.constant 0 : index
    %get3A_25 = vector.load %arg2[%get3A_23, %get3A_24] : memref<1024x128xf32, #tpu.memory_space<vmem>>, vector<1024x128xf32>
    %add3A_26 = arith.addf %add3A_22, %get3A_25 : vector<1024x128xf32>
    %mul3A = vector.broadcast %broadcast_in_dim3A : vector<1024x1xf32> to vector<1024x128xf32>
    %mul3A_27 = arith.mulf %mul3A, %add3A_26 : vector<1024x128xf32>
    %get3A_28 = arith.constant 0 : index
    %get3A_29 = arith.constant 0 : index
    %get3A_30 = vector.load %arg4[%get3A_28, %get3A_29] : memref<1x128xf32, #tpu.memory_space<vmem>>, vector<1x128xf32>
    %add3A_31 = vector.broadcast %get3A_30 : vector<1x128xf32> to vector<1024x128xf32>
    %add3A_32 = arith.addf %mul3A_27, %add3A_31 : vector<1024x128xf32>
    %swap3A = arith.constant 0 : index
    %swap3A_33 = arith.constant 0 : index
    %swap3A_34 = vector.load %arg6[%swap3A, %swap3A_33] : memref<1024x128xf32, #tpu.memory_space<vmem>>, vector<1024x128xf32>
    tpu.vector_store %arg6[%swap3A, %swap3A_33], %add3A_32 {strides = array<i32>} : memref<1024x128xf32, #tpu.memory_space<vmem>>, vector<1024x128xf32>,
    %get3A_35 = arith.constant 0 : index
    %get3A_36 = arith.constant 0 : index
    %get3A_37 = vector.load %arg5[%get3A_35, %get3A_36] : memref<1x1024xi32, #tpu.memory_space<vmem>>, vector<1x1024xi32>
    %get3A_38 = vector.shape_cast %get3A_37 : vector<1x1024xi32> to vector<1024xi32>
    %broadcast_in_dim3A_39 = vector.shape_cast %get3A_38 : vector<1024xi32> to vector<1x1024xi32>
    %iota3A = tpu.iota {dimensions = array<i32: 0>} : vector<16x1024xi32>
    %eq3A = vector.broadcast %broadcast_in_dim3A_39 : vector<1x1024xi32> to vector<16x1024xi32>
    %eq3A_40 = arith.cmpi eq, %eq3A, %iota3A : vector<16x1024xi32>
    %convert_element_type3A = arith.extui %eq3A_40 : vector<16x1024xi1> to vector<16x1024xi32>
    %convert_element_type3A_41 = arith.sitofp %convert_element_type3A : vector<16x1024xi32> to vector<16x1024xf32>
    %dot_general3A = arith.constant dense<0.000000e+00> : vector<16x128xf32>
    %dot_general3A_42 = tpu.matmul %convert_element_type3A_41, %add3A_32, %dot_general3A {dimension_numbers = #tpu.dot_dimension_numbers<[1], [0], [0], [1], [0, 0, 1, 1], [], []>, precision = #tpu.contract_precision<fp32>, transpose_lhs_hint = false} : vector<16x1024xf32>, vector<1024x128xf32>, vector<16x128xf32> -> vector<16x128xf32>
    %mul3A_43 = arith.mulf %add3A_32, %add3A_32 : vector<1024x128xf32>
    %dot_general3A_44 = arith.constant dense<0.000000e+00> : vector<16x128xf32>
    %dot_general3A_45 = tpu.matmul %convert_element_type3A_41, %mul3A_43, %dot_general3A_44 {dimension_numbers = #tpu.dot_dimension_numbers<[1], [0], [0], [1], [0, 0, 1, 1], [], []>, precision = #tpu.contract_precision<fp32>, transpose_lhs_hint = false} : vector<16x1024xf32>, vector<1024x128xf32>, vector<16x128xf32> -> vector<16x128xf32>
    %reduce_sum3A = arith.constant dense<0.000000e+00> : vector<16xf32>
    %reduce_sum3A_46 = vector.multi_reduction <add>, %convert_element_type3A_41, %reduce_sum3A [1] : vector<16x1024xf32> to vector<16xf32>
    %broadcast_in_dim3A_47 = vector.shape_cast %reduce_sum3A_46 : vector<16xf32> to vector<16x1xf32>
    %broadcast_in_dim3A_48 = vector.shape_cast %broadcast_in_dim3A_47 : vector<16x1xf32> to vector<16x1xf32>
    %broadcast_in_dim3A_49 = vector.broadcast %broadcast_in_dim3A_48 : vector<16x1xf32> to vector<16x128xf32>
    %stack3A = vector.shape_cast %dot_general3A_42 : vector<16x128xf32> to vector<1x16x128xf32>
    %stack3A_50 = vector.shape_cast %dot_general3A_45 : vector<16x128xf32> to vector<1x16x128xf32>
    %stack3A_51 = vector.shape_cast %broadcast_in_dim3A_49 : vector<16x128xf32> to vector<1x16x128xf32>
    %stack3A_52 = tpu.concatenate %stack3A, %stack3A_50, %stack3A_51 in 0 : vector<1x16x128xf32>, vector<1x16x128xf32>, vector<1x16x128xf32> -> vector<3x16x128xf32>
    %eq3A_53 = arith.constant 0 : i32
    %eq3A_54 = arith.cmpi eq, %arg0, %eq3A_53 : i32
    %convert_element_type3A_55 = arith.extui %eq3A_54 : i1 to i32
    %cond3A = arith.constant 0 : i32
    %cond3A_56 = arith.cmpi ne, %convert_element_type3A_55, %cond3A : i32
    scf.if %cond3A_56 {
      %swap3A_61 = arith.constant 0 : index
      %swap3A_62 = arith.constant 0 : index
      %swap3A_63 = arith.constant 0 : index
      %swap3A_64 = vector.load %arg7[%swap3A_61, %swap3A_62, %swap3A_63] : memref<3x16x128xf32, #tpu.memory_space<vmem>>, vector<3x16x128xf32>
      tpu.vector_store %arg7[%swap3A_61, %swap3A_62, %swap3A_63], %stack3A_52 {strides = array<i32>} : memref<3x16x128xf32, #tpu.memory_space<vmem>>, vector<3x16x128xf32>,
    } else {
    }
    %gt3A = arith.constant 0 : i32
    %gt3A_57 = arith.cmpi sgt, %arg0, %gt3A : i32
    %convert_element_type3A_58 = arith.extui %gt3A_57 : i1 to i32
    %cond3A_59 = arith.constant 0 : i32
    %cond3A_60 = arith.cmpi ne, %convert_element_type3A_58, %cond3A_59 : i32
    scf.if %cond3A_60 {
      %get3A_61 = arith.constant 0 : index
      %get3A_62 = arith.constant 0 : index
      %get3A_63 = arith.constant 0 : index
      %get3A_64 = vector.load %arg7[%get3A_61, %get3A_62, %get3A_63] : memref<3x16x128xf32, #tpu.memory_space<vmem>>, vector<3x16x128xf32>
      %add3A_65 = arith.addf %get3A_64, %stack3A_52 : vector<3x16x128xf32>
      %swap3A_66 = arith.constant 0 : index
      %swap3A_67 = arith.constant 0 : index
      %swap3A_68 = arith.constant 0 : index
      %swap3A_69 = vector.load %arg7[%swap3A_66, %swap3A_67, %swap3A_68] : memref<3x16x128xf32, #tpu.memory_space<vmem>>, vector<3x16x128xf32>
      tpu.vector_store %arg7[%swap3A_66, %swap3A_67, %swap3A_68], %add3A_65 {strides = array<i32>} : memref<3x16x128xf32, #tpu.memory_space<vmem>>, vector<3x16x128xf32>,
    } else {
    }
    return
  }
  func.func @transform_0(%arg0: i32) -> (i32, i32, i32) {
    %c0_i32 = arith.constant 0 : i32
    %c0_i32_0 = arith.constant 0 : i32
    %c0_i32_1 = arith.constant 0 : i32
    return %c0_i32, %arg0, %c0_i32_0 : i32, i32, i32
  }
  func.func @transform_1(%arg0: i32) -> (i32, i32) {
    %c0_i32 = arith.constant 0 : i32
    %c0_i32_0 = arith.constant 0 : i32
    return %arg0, %c0_i32 : i32, i32
  }
  func.func @transform_2(%arg0: i32) -> (i32, i32, i32) {
    %c0_i32 = arith.constant 0 : i32
    %c0_i32_0 = arith.constant 0 : i32
    %c0_i32_1 = arith.constant 0 : i32
    return %c0_i32, %arg0, %c0_i32_0 : i32, i32, i32
  }
  func.func @transform_3(%arg0: i32) -> (i32, i32) {
    %c0_i32 = arith.constant 0 : i32
    %c0_i32_0 = arith.constant 0 : i32
    %c0_i32_1 = arith.constant 0 : i32
    return %c0_i32, %c0_i32_0 : i32, i32
  }
  func.func @transform_4(%arg0: i32) -> (i32, i32) {
    %c0_i32 = arith.constant 0 : i32
    %c0_i32_0 = arith.constant 0 : i32
    return %c0_i32, %arg0 : i32, i32
  }
  func.func @transform_5(%arg0: i32) -> (i32, i32) {
    %c0_i32 = arith.constant 0 : i32
    %c0_i32_0 = arith.constant 0 : i32
    return %arg0, %c0_i32 : i32, i32
  }
  func.func @transform_6(%arg0: i32) -> (i32, i32, i32) {
    %c0_i32 = arith.constant 0 : i32
    %c0_i32_0 = arith.constant 0 : i32
    %c0_i32_1 = arith.constant 0 : i32
    %c0_i32_2 = arith.constant 0 : i32
    return %c0_i32, %c0_i32_0, %c0_i32_1 : i32, i32, i32
  }
}

module attributes {stable_mosaic.version = 14 : i64} {
  func.func @_tc_h0_body(%arg0: i32, %arg1: memref<1024x128xf32, #tpu.memory_space<vmem>>, %arg2: memref<3x16x128xf32, #tpu.memory_space<vmem>>, %arg3: memref<1x1024xi32, #tpu.memory_space<vmem>>, %arg4: memref<1x128xf32, #tpu.memory_space<vmem>>, %arg5: memref<1x128xf32, #tpu.memory_space<vmem>>, %arg6: memref<1x128xf32, #tpu.memory_space<vmem>>, %arg7: memref<128x128xf32, #tpu.memory_space<vmem>>, %arg8: memref<1024x128xf32, #tpu.memory_space<vmem>>, %arg9: memref<1024x128xf32, #tpu.memory_space<vmem>>) attributes {dimension_semantics = [#tpu.dimension_semantics<arbitrary>], iteration_bounds = array<i64: 10>, scalar_prefetch = 0 : i64, scratch_operands = 0 : i64, tpu.core_type = #tpu.core_type<tc>, window_params = [{transform_indices = @transform_0, window_bounds = array<i64: 1024, 128>}, {pipeline_mode = #tpu.pipeline_mode<synchronous>, transform_indices = @transform_1, window_bounds = array<i64: 3, 16, 128>}, {transform_indices = @transform_2, window_bounds = array<i64: 1, 1024>}, {pipeline_mode = #tpu.pipeline_mode<synchronous>, transform_indices = @transform_3, window_bounds = array<i64: 1, 128>}, {pipeline_mode = #tpu.pipeline_mode<synchronous>, transform_indices = @transform_4, window_bounds = array<i64: 1, 128>}, {pipeline_mode = #tpu.pipeline_mode<synchronous>, transform_indices = @transform_5, window_bounds = array<i64: 1, 128>}, {pipeline_mode = #tpu.pipeline_mode<synchronous>, transform_indices = @transform_6, window_bounds = array<i64: 128, 128>}, {transform_indices = @transform_7, window_bounds = array<i64: 1024, 128>}, {transform_indices = @transform_8, window_bounds = array<i64: 1024, 128>}]} {
    %get3A = arith.constant 0 : index
    %get3A_0 = arith.constant 0 : index
    %get3A_1 = arith.constant 0 : index
    %get3A_2 = vector.load %arg2[%get3A, %get3A_0, %get3A_1] : memref<3x16x128xf32, #tpu.memory_space<vmem>>, vector<3x16x128xf32>
    %slice3A = vector.extract_strided_slice %get3A_2 {offsets = [0, 0, 0], sizes = [1, 16, 128], strides = [1, 1, 1]} : vector<3x16x128xf32> to vector<1x16x128xf32>
    %squeeze3A = vector.shape_cast %slice3A : vector<1x16x128xf32> to vector<16x128xf32>
    %slice3A_3 = vector.extract_strided_slice %get3A_2 {offsets = [1, 0, 0], sizes = [1, 16, 128], strides = [1, 1, 1]} : vector<3x16x128xf32> to vector<1x16x128xf32>
    %squeeze3A_4 = vector.shape_cast %slice3A_3 : vector<1x16x128xf32> to vector<16x128xf32>
    %slice3A_5 = vector.extract_strided_slice %get3A_2 {offsets = [2, 0, 0], sizes = [1, 16, 128], strides = [1, 1, 1]} : vector<3x16x128xf32> to vector<1x16x128xf32>
    %squeeze3A_6 = vector.shape_cast %slice3A_5 : vector<1x16x128xf32> to vector<16x128xf32>
    %get3A_7 = arith.constant 0 : index
    %get3A_8 = arith.constant 0 : index
    %get3A_9 = vector.load %arg6[%get3A_7, %get3A_8] : memref<1x128xf32, #tpu.memory_space<vmem>>, vector<1x128xf32>
    %max3A = arith.constant 1.000000e+00 : f32
    %max3A_10 = vector.broadcast %max3A : f32 to vector<16x128xf32>
    %max3A_11 = arith.maximumf %squeeze3A_6, %max3A_10 : vector<16x128xf32>
    %div3A = arith.divf %squeeze3A, %max3A_11 : vector<16x128xf32>
    %div3A_12 = arith.divf %squeeze3A_4, %max3A_11 : vector<16x128xf32>
    %mul3A = arith.constant 2.000000e+00 : f32
    %mul3A_13 = vector.broadcast %mul3A : f32 to vector<1x128xf32>
    %mul3A_14 = arith.mulf %mul3A_13, %get3A_9 : vector<1x128xf32>
    %mul3A_15 = arith.mulf %get3A_9, %get3A_9 : vector<1x128xf32>
    %sub3A = arith.subf %mul3A_14, %mul3A_15 : vector<1x128xf32>
    %mul3A_16 = vector.broadcast %sub3A : vector<1x128xf32> to vector<16x128xf32>
    %mul3A_17 = arith.mulf %mul3A_16, %div3A : vector<16x128xf32>
    %mul3A_18 = arith.mulf %mul3A_17, %div3A : vector<16x128xf32>
    %sub3A_19 = arith.subf %div3A_12, %mul3A_18 : vector<16x128xf32>
    %max3A_20 = arith.constant 0.000000e+00 : f32
    %max3A_21 = vector.broadcast %max3A_20 : f32 to vector<16x128xf32>
    %max3A_22 = arith.maximumf %sub3A_19, %max3A_21 : vector<16x128xf32>
    %add3A = arith.constant 9.99999974E-6 : f32
    %add3A_23 = vector.broadcast %add3A : f32 to vector<16x128xf32>
    %add3A_24 = arith.addf %max3A_22, %add3A_23 : vector<16x128xf32>
    %rsqrt3A = math.rsqrt %add3A_24 : vector<16x128xf32>
    %mul3A_25 = vector.broadcast %get3A_9 : vector<1x128xf32> to vector<16x128xf32>
    %mul3A_26 = arith.mulf %div3A, %mul3A_25 : vector<16x128xf32>
    %get3A_27 = arith.constant 0 : index
    %get3A_28 = arith.constant 0 : index
    %get3A_29 = vector.load %arg3[%get3A_27, %get3A_28] : memref<1x1024xi32, #tpu.memory_space<vmem>>, vector<1x1024xi32>
    %get3A_30 = vector.shape_cast %get3A_29 : vector<1x1024xi32> to vector<1024xi32>
    %get3A_31 = arith.constant 0 : index
    %get3A_32 = arith.constant 0 : index
    %get3A_33 = vector.load %arg1[%get3A_31, %get3A_32] : memref<1024x128xf32, #tpu.memory_space<vmem>>, vector<1024x128xf32>
    %get3A_34 = arith.constant 0 : index
    %get3A_35 = arith.constant 0 : index
    %get3A_36 = vector.load %arg4[%get3A_34, %get3A_35] : memref<1x128xf32, #tpu.memory_space<vmem>>, vector<1x128xf32>
    %get3A_37 = arith.constant 0 : index
    %get3A_38 = arith.constant 0 : index
    %get3A_39 = vector.load %arg5[%get3A_37, %get3A_38] : memref<1x128xf32, #tpu.memory_space<vmem>>, vector<1x128xf32>
    %broadcast_in_dim3A = vector.shape_cast %get3A_30 : vector<1024xi32> to vector<1024x1xi32>
    %iota3A = tpu.iota {dimensions = array<i32: 1>} : vector<1024x16xi32>
    %eq3A = vector.broadcast %broadcast_in_dim3A : vector<1024x1xi32> to vector<1024x16xi32>
    %eq3A_40 = arith.cmpi eq, %eq3A, %iota3A : vector<1024x16xi32>
    %convert_element_type3A = arith.extui %eq3A_40 : vector<1024x16xi1> to vector<1024x16xi32>
    %convert_element_type3A_41 = arith.sitofp %convert_element_type3A : vector<1024x16xi32> to vector<1024x16xf32>
    %dot_general3A = arith.constant dense<0.000000e+00> : vector<1024x128xf32>
    %dot_general3A_42 = tpu.matmul %convert_element_type3A_41, %mul3A_26, %dot_general3A {dimension_numbers = #tpu.dot_dimension_numbers<[1], [0], [0], [1], [0, 0, 1, 1], [], []>, precision = #tpu.contract_precision<fp32>, transpose_lhs_hint = false} : vector<1024x16xf32>, vector<16x128xf32>, vector<1024x128xf32> -> vector<1024x128xf32>
    %dot_general3A_43 = arith.constant dense<0.000000e+00> : vector<1024x128xf32>
    %dot_general3A_44 = tpu.matmul %convert_element_type3A_41, %rsqrt3A, %dot_general3A_43 {dimension_numbers = #tpu.dot_dimension_numbers<[1], [0], [0], [1], [0, 0, 1, 1], [], []>, precision = #tpu.contract_precision<fp32>, transpose_lhs_hint = false} : vector<1024x16xf32>, vector<16x128xf32>, vector<1024x128xf32> -> vector<1024x128xf32>
    %sub3A_45 = arith.subf %get3A_33, %dot_general3A_42 : vector<1024x128xf32>
    %mul3A_46 = arith.mulf %sub3A_45, %dot_general3A_44 : vector<1024x128xf32>
    %mul3A_47 = vector.broadcast %get3A_36 : vector<1x128xf32> to vector<1024x128xf32>
    %mul3A_48 = arith.mulf %mul3A_47, %mul3A_46 : vector<1024x128xf32>
    %add3A_49 = vector.broadcast %get3A_39 : vector<1x128xf32> to vector<1024x128xf32>
    %add3A_50 = arith.addf %mul3A_48, %add3A_49 : vector<1024x128xf32>
    %swap3A = arith.constant 0 : index
    %swap3A_51 = arith.constant 0 : index
    %swap3A_52 = vector.load %arg8[%swap3A, %swap3A_51] : memref<1024x128xf32, #tpu.memory_space<vmem>>, vector<1024x128xf32>
    tpu.vector_store %arg8[%swap3A, %swap3A_51], %add3A_50 {strides = array<i32>} : memref<1024x128xf32, #tpu.memory_space<vmem>>, vector<1024x128xf32>,
    %get3A_53 = arith.constant 0 : index
    %get3A_54 = arith.constant 0 : index
    %get3A_55 = vector.load %arg7[%get3A_53, %get3A_54] : memref<128x128xf32, #tpu.memory_space<vmem>>, vector<128x128xf32>
    %dot_general3A_56 = arith.constant dense<0.000000e+00> : vector<1024x128xf32>
    %dot_general3A_57 = tpu.matmul %add3A_50, %get3A_55, %dot_general3A_56 {dimension_numbers = #tpu.dot_dimension_numbers<[1], [0], [0], [1], [0, 0, 1, 1], [], []>, transpose_lhs_hint = false} : vector<1024x128xf32>, vector<128x128xf32>, vector<1024x128xf32> -> vector<1024x128xf32>
    %swap3A_58 = arith.constant 0 : index
    %swap3A_59 = arith.constant 0 : index
    %swap3A_60 = vector.load %arg9[%swap3A_58, %swap3A_59] : memref<1024x128xf32, #tpu.memory_space<vmem>>, vector<1024x128xf32>
    tpu.vector_store %arg9[%swap3A_58, %swap3A_59], %dot_general3A_57 {strides = array<i32>} : memref<1024x128xf32, #tpu.memory_space<vmem>>, vector<1024x128xf32>,
    return
  }
  func.func @transform_0(%arg0: i32) -> (i32, i32) {
    %c0_i32 = arith.constant 0 : i32
    %c0_i32_0 = arith.constant 0 : i32
    return %arg0, %c0_i32 : i32, i32
  }
  func.func @transform_1(%arg0: i32) -> (i32, i32, i32) {
    %c0_i32 = arith.constant 0 : i32
    %c0_i32_0 = arith.constant 0 : i32
    %c0_i32_1 = arith.constant 0 : i32
    %c0_i32_2 = arith.constant 0 : i32
    return %c0_i32, %c0_i32_0, %c0_i32_1 : i32, i32, i32
  }
  func.func @transform_2(%arg0: i32) -> (i32, i32) {
    %c0_i32 = arith.constant 0 : i32
    %c0_i32_0 = arith.constant 0 : i32
    return %c0_i32, %arg0 : i32, i32
  }
  func.func @transform_3(%arg0: i32) -> (i32, i32) {
    %c0_i32 = arith.constant 0 : i32
    %c0_i32_0 = arith.constant 0 : i32
    %c0_i32_1 = arith.constant 0 : i32
    return %c0_i32, %c0_i32_0 : i32, i32
  }
  func.func @transform_4(%arg0: i32) -> (i32, i32) {
    %c0_i32 = arith.constant 0 : i32
    %c0_i32_0 = arith.constant 0 : i32
    %c0_i32_1 = arith.constant 0 : i32
    return %c0_i32, %c0_i32_0 : i32, i32
  }
  func.func @transform_5(%arg0: i32) -> (i32, i32) {
    %c0_i32 = arith.constant 0 : i32
    %c0_i32_0 = arith.constant 0 : i32
    %c0_i32_1 = arith.constant 0 : i32
    return %c0_i32, %c0_i32_0 : i32, i32
  }
  func.func @transform_6(%arg0: i32) -> (i32, i32) {
    %c0_i32 = arith.constant 0 : i32
    %c0_i32_0 = arith.constant 0 : i32
    %c0_i32_1 = arith.constant 0 : i32
    return %c0_i32, %c0_i32_0 : i32, i32
  }
  func.func @transform_7(%arg0: i32) -> (i32, i32) {
    %c0_i32 = arith.constant 0 : i32
    %c0_i32_0 = arith.constant 0 : i32
    return %arg0, %c0_i32 : i32, i32
  }
  func.func @transform_8(%arg0: i32) -> (i32, i32) {
    %c0_i32 = arith.constant 0 : i32
    %c0_i32_0 = arith.constant 0 : i32
    return %arg0, %c0_i32 : i32, i32
  }
}

module attributes {stable_mosaic.version = 14 : i64} {
  func.func @_tc_gru_body(%arg0: i32, %arg1: memref<2x1024x128xf32, #tpu.memory_space<vmem>>, %arg2: memref<1024x128xf32, #tpu.memory_space<vmem>>, %arg3: memref<128x384xf32, #tpu.memory_space<vmem>>, %arg4: memref<128x384xf32, #tpu.memory_space<vmem>>, %arg5: memref<1x384xf32, #tpu.memory_space<vmem>>, %arg6: memref<1x384xf32, #tpu.memory_space<vmem>>, %arg7: memref<128x128xf32, #tpu.memory_space<vmem>>, %arg8: memref<1024x128xf32, #tpu.memory_space<vmem>>, %arg9: memref<1024x128xf32, #tpu.memory_space<vmem>>) attributes {dimension_semantics = [#tpu.dimension_semantics<arbitrary>], iteration_bounds = array<i64: 10>, scalar_prefetch = 0 : i64, scratch_operands = 0 : i64, tpu.core_type = #tpu.core_type<tc>, window_params = [{transform_indices = @transform_0, window_bounds = array<i64: 2, 1024, 128>}, {transform_indices = @transform_1, window_bounds = array<i64: 1024, 128>}, {pipeline_mode = #tpu.pipeline_mode<synchronous>, transform_indices = @transform_2, window_bounds = array<i64: 128, 384>}, {pipeline_mode = #tpu.pipeline_mode<synchronous>, transform_indices = @transform_3, window_bounds = array<i64: 128, 384>}, {pipeline_mode = #tpu.pipeline_mode<synchronous>, transform_indices = @transform_4, window_bounds = array<i64: 1, 384>}, {pipeline_mode = #tpu.pipeline_mode<synchronous>, transform_indices = @transform_5, window_bounds = array<i64: 1, 384>}, {pipeline_mode = #tpu.pipeline_mode<synchronous>, transform_indices = @transform_6, window_bounds = array<i64: 128, 128>}, {transform_indices = @transform_7, window_bounds = array<i64: 1024, 128>}, {transform_indices = @transform_8, window_bounds = array<i64: 1024, 128>}]} {
    %get3A = arith.constant 0 : index
    %get3A_0 = arith.constant 0 : index
    %get3A_1 = arith.constant 0 : index
    %get3A_2 = vector.load %arg1[%get3A, %get3A_0, %get3A_1] : memref<2x1024x128xf32, #tpu.memory_space<vmem>>, vector<1x1024x128xf32>
    %get3A_3 = vector.shape_cast %get3A_2 : vector<1x1024x128xf32> to vector<1024x128xf32>
    %get3A_4 = arith.constant 1 : index
    %get3A_5 = arith.constant 0 : index
    %get3A_6 = arith.constant 0 : index
    %get3A_7 = vector.load %arg1[%get3A_4, %get3A_5, %get3A_6] : memref<2x1024x128xf32, #tpu.memory_space<vmem>>, vector<1x1024x128xf32>
    %get3A_8 = vector.shape_cast %get3A_7 : vector<1x1024x128xf32> to vector<1024x128xf32>
    %add3A = arith.addf %get3A_3, %get3A_8 : vector<1024x128xf32>
    %get3A_9 = arith.constant 0 : index
    %get3A_10 = arith.constant 0 : index
    %get3A_11 = vector.load %arg2[%get3A_9, %get3A_10] : memref<1024x128xf32, #tpu.memory_space<vmem>>, vector<1024x128xf32>
    %get3A_12 = arith.constant 0 : index
    %get3A_13 = arith.constant 0 : index
    %get3A_14 = vector.load %arg3[%get3A_12, %get3A_13] : memref<128x384xf32, #tpu.memory_space<vmem>>, vector<128x384xf32>
    %dot_general3A = arith.constant dense<0.000000e+00> : vector<1024x384xf32>
    %dot_general3A_15 = tpu.matmul %add3A, %get3A_14, %dot_general3A {dimension_numbers = #tpu.dot_dimension_numbers<[1], [0], [0], [1], [0, 0, 1, 1], [], []>, transpose_lhs_hint = false} : vector<1024x128xf32>, vector<128x384xf32>, vector<1024x384xf32> -> vector<1024x384xf32>
    %get3A_16 = arith.constant 0 : index
    %get3A_17 = arith.constant 0 : index
    %get3A_18 = vector.load %arg5[%get3A_16, %get3A_17] : memref<1x384xf32, #tpu.memory_space<vmem>>, vector<1x384xf32>
    %add3A_19 = vector.broadcast %get3A_18 : vector<1x384xf32> to vector<1024x384xf32>
    %add3A_20 = arith.addf %dot_general3A_15, %add3A_19 : vector<1024x384xf32>
    %get3A_21 = arith.constant 0 : index
    %get3A_22 = arith.constant 0 : index
    %get3A_23 = vector.load %arg4[%get3A_21, %get3A_22] : memref<128x384xf32, #tpu.memory_space<vmem>>, vector<128x384xf32>
    %dot_general3A_24 = arith.constant dense<0.000000e+00> : vector<1024x384xf32>
    %dot_general3A_25 = tpu.matmul %get3A_11, %get3A_23, %dot_general3A_24 {dimension_numbers = #tpu.dot_dimension_numbers<[1], [0], [0], [1], [0, 0, 1, 1], [], []>, transpose_lhs_hint = false} : vector<1024x128xf32>, vector<128x384xf32>, vector<1024x384xf32> -> vector<1024x384xf32>
    %get3A_26 = arith.constant 0 : index
    %get3A_27 = arith.constant 0 : index
    %get3A_28 = vector.load %arg6[%get3A_26, %get3A_27] : memref<1x384xf32, #tpu.memory_space<vmem>>, vector<1x384xf32>
    %add3A_29 = vector.broadcast %get3A_28 : vector<1x384xf32> to vector<1024x384xf32>
    %add3A_30 = arith.addf %dot_general3A_25, %add3A_29 : vector<1024x384xf32>
    %slice3A = vector.extract_strided_slice %add3A_20 {offsets = [0, 0], sizes = [1024, 128], strides = [1, 1]} : vector<1024x384xf32> to vector<1024x128xf32>
    %slice3A_31 = vector.extract_strided_slice %add3A_30 {offsets = [0, 0], sizes = [1024, 128], strides = [1, 1]} : vector<1024x384xf32> to vector<1024x128xf32>
    %add3A_32 = arith.addf %slice3A, %slice3A_31 : vector<1024x128xf32>
    %logistic3A = arith.negf %add3A_32 : vector<1024x128xf32>
    %logistic3A_33 = math.exp %logistic3A : vector<1024x128xf32>
    %logistic3A_34 = arith.constant 1.000000e+00 : f32
    %logistic3A_35 = vector.broadcast %logistic3A_34 : f32 to vector<1024x128xf32>
    %logistic3A_36 = arith.addf %logistic3A_35, %logistic3A_33 : vector<1024x128xf32>
    %logistic3A_37 = arith.divf %logistic3A_35, %logistic3A_36 : vector<1024x128xf32>
    %slice3A_38 = vector.extract_strided_slice %add3A_20 {offsets = [0, 128], sizes = [1024, 128], strides = [1, 1]} : vector<1024x384xf32> to vector<1024x128xf32>
    %slice3A_39 = vector.extract_strided_slice %add3A_30 {offsets = [0, 128], sizes = [1024, 128], strides = [1, 1]} : vector<1024x384xf32> to vector<1024x128xf32>
    %add3A_40 = arith.addf %slice3A_38, %slice3A_39 : vector<1024x128xf32>
    %logistic3A_41 = arith.negf %add3A_40 : vector<1024x128xf32>
    %logistic3A_42 = math.exp %logistic3A_41 : vector<1024x128xf32>
    %logistic3A_43 = arith.constant 1.000000e+00 : f32
    %logistic3A_44 = vector.broadcast %logistic3A_43 : f32 to vector<1024x128xf32>
    %logistic3A_45 = arith.addf %logistic3A_44, %logistic3A_42 : vector<1024x128xf32>
    %logistic3A_46 = arith.divf %logistic3A_44, %logistic3A_45 : vector<1024x128xf32>
    %slice3A_47 = vector.extract_strided_slice %add3A_20 {offsets = [0, 256], sizes = [1024, 128], strides = [1, 1]} : vector<1024x384xf32> to vector<1024x128xf32>
    %slice3A_48 = vector.extract_strided_slice %add3A_30 {offsets = [0, 256], sizes = [1024, 128], strides = [1, 1]} : vector<1024x384xf32> to vector<1024x128xf32>
    %mul3A = arith.mulf %logistic3A_37, %slice3A_48 : vector<1024x128xf32>
    %add3A_49 = arith.addf %slice3A_47, %mul3A : vector<1024x128xf32>
    %tanh3A = math.tanh %add3A_49 : vector<1024x128xf32>
    %sub3A = arith.constant 1.000000e+00 : f32
    %sub3A_50 = vector.broadcast %sub3A : f32 to vector<1024x128xf32>
    %sub3A_51 = arith.subf %sub3A_50, %logistic3A_46 : vector<1024x128xf32>
    %mul3A_52 = arith.mulf %sub3A_51, %tanh3A : vector<1024x128xf32>
    %mul3A_53 = arith.mulf %logistic3A_46, %get3A_11 : vector<1024x128xf32>
    %add3A_54 = arith.addf %mul3A_52, %mul3A_53 : vector<1024x128xf32>
    %swap3A = arith.constant 0 : index
    %swap3A_55 = arith.constant 0 : index
    %swap3A_56 = vector.load %arg8[%swap3A, %swap3A_55] : memref<1024x128xf32, #tpu.memory_space<vmem>>, vector<1024x128xf32>
    tpu.vector_store %arg8[%swap3A, %swap3A_55], %add3A_54 {strides = array<i32>} : memref<1024x128xf32, #tpu.memory_space<vmem>>, vector<1024x128xf32>,
    %get3A_57 = arith.constant 0 : index
    %get3A_58 = arith.constant 0 : index
    %get3A_59 = vector.load %arg7[%get3A_57, %get3A_58] : memref<128x128xf32, #tpu.memory_space<vmem>>, vector<128x128xf32>
    %dot_general3A_60 = arith.constant dense<0.000000e+00> : vector<1024x128xf32>
    %dot_general3A_61 = tpu.matmul %add3A_54, %get3A_59, %dot_general3A_60 {dimension_numbers = #tpu.dot_dimension_numbers<[1], [0], [0], [1], [0, 0, 1, 1], [], []>, transpose_lhs_hint = false} : vector<1024x128xf32>, vector<128x128xf32>, vector<1024x128xf32> -> vector<1024x128xf32>
    %swap3A_62 = arith.constant 0 : index
    %swap3A_63 = arith.constant 0 : index
    %swap3A_64 = vector.load %arg9[%swap3A_62, %swap3A_63] : memref<1024x128xf32, #tpu.memory_space<vmem>>, vector<1024x128xf32>
    tpu.vector_store %arg9[%swap3A_62, %swap3A_63], %dot_general3A_61 {strides = array<i32>} : memref<1024x128xf32, #tpu.memory_space<vmem>>, vector<1024x128xf32>,
    return
  }
  func.func @transform_0(%arg0: i32) -> (i32, i32, i32) {
    %c0_i32 = arith.constant 0 : i32
    %c0_i32_0 = arith.constant 0 : i32
    %c0_i32_1 = arith.constant 0 : i32
    return %c0_i32, %arg0, %c0_i32_0 : i32, i32, i32
  }
  func.func @transform_1(%arg0: i32) -> (i32, i32) {
    %c0_i32 = arith.constant 0 : i32
    %c0_i32_0 = arith.constant 0 : i32
    return %arg0, %c0_i32 : i32, i32
  }
  func.func @transform_2(%arg0: i32) -> (i32, i32) {
    %c0_i32 = arith.constant 0 : i32
    %c0_i32_0 = arith.constant 0 : i32
    %c0_i32_1 = arith.constant 0 : i32
    return %c0_i32, %c0_i32_0 : i32, i32
  }
  func.func @transform_3(%arg0: i32) -> (i32, i32) {
    %c0_i32 = arith.constant 0 : i32
    %c0_i32_0 = arith.constant 0 : i32
    %c0_i32_1 = arith.constant 0 : i32
    return %c0_i32, %c0_i32_0 : i32, i32
  }
  func.func @transform_4(%arg0: i32) -> (i32, i32) {
    %c0_i32 = arith.constant 0 : i32
    %c0_i32_0 = arith.constant 0 : i32
    %c0_i32_1 = arith.constant 0 : i32
    return %c0_i32, %c0_i32_0 : i32, i32
  }
  func.func @transform_5(%arg0: i32) -> (i32, i32) {
    %c0_i32 = arith.constant 0 : i32
    %c0_i32_0 = arith.constant 0 : i32
    %c0_i32_1 = arith.constant 0 : i32
    return %c0_i32, %c0_i32_0 : i32, i32
  }
  func.func @transform_6(%arg0: i32) -> (i32, i32) {
    %c0_i32 = arith.constant 0 : i32
    %c0_i32_0 = arith.constant 0 : i32
    %c0_i32_1 = arith.constant 0 : i32
    return %c0_i32, %c0_i32_0 : i32, i32
  }
  func.func @transform_7(%arg0: i32) -> (i32, i32) {
    %c0_i32 = arith.constant 0 : i32
    %c0_i32_0 = arith.constant 0 : i32
    return %arg0, %c0_i32 : i32, i32
  }
  func.func @transform_8(%arg0: i32) -> (i32, i32) {
    %c0_i32 = arith.constant 0 : i32
    %c0_i32_0 = arith.constant 0 : i32
    return %arg0, %c0_i32 : i32, i32
  }
}

module attributes {stable_mosaic.version = 14 : i64} {
  func.func @_tc_gru2_body(%arg0: i32, %arg1: memref<2x1024x128xf32, #tpu.memory_space<vmem>>, %arg2: memref<1024x128xf32, #tpu.memory_space<vmem>>, %arg3: memref<128x384xf32, #tpu.memory_space<vmem>>, %arg4: memref<128x384xf32, #tpu.memory_space<vmem>>, %arg5: memref<1x384xf32, #tpu.memory_space<vmem>>, %arg6: memref<1x384xf32, #tpu.memory_space<vmem>>, %arg7: memref<1x1024xi32, #tpu.memory_space<vmem>>, %arg8: memref<1024x128xf32, #tpu.memory_space<vmem>>, %arg9: memref<3x16x128xf32, #tpu.memory_space<vmem>>) attributes {dimension_semantics = [#tpu.dimension_semantics<arbitrary>], iteration_bounds = array<i64: 10>, scalar_prefetch = 0 : i64, scratch_operands = 0 : i64, tpu.core_type = #tpu.core_type<tc>, window_params = [{transform_indices = @transform_0, window_bounds = array<i64: 2, 1024, 128>}, {transform_indices = @transform_1, window_bounds = array<i64: 1024, 128>}, {pipeline_mode = #tpu.pipeline_mode<synchronous>, transform_indices = @transform_2, window_bounds = array<i64: 128, 384>}, {pipeline_mode = #tpu.pipeline_mode<synchronous>, transform_indices = @transform_3, window_bounds = array<i64: 128, 384>}, {pipeline_mode = #tpu.pipeline_mode<synchronous>, transform_indices = @transform_4, window_bounds = array<i64: 1, 384>}, {pipeline_mode = #tpu.pipeline_mode<synchronous>, transform_indices = @transform_5, window_bounds = array<i64: 1, 384>}, {transform_indices = @transform_6, window_bounds = array<i64: 1, 1024>}, {transform_indices = @transform_7, window_bounds = array<i64: 1024, 128>}, {pipeline_mode = #tpu.pipeline_mode<synchronous>, transform_indices = @transform_8, window_bounds = array<i64: 3, 16, 128>}]} {
    %get3A = arith.constant 0 : index
    %get3A_0 = arith.constant 0 : index
    %get3A_1 = arith.constant 0 : index
    %get3A_2 = vector.load %arg1[%get3A, %get3A_0, %get3A_1] : memref<2x1024x128xf32, #tpu.memory_space<vmem>>, vector<1x1024x128xf32>
    %get3A_3 = vector.shape_cast %get3A_2 : vector<1x1024x128xf32> to vector<1024x128xf32>
    %get3A_4 = arith.constant 1 : index
    %get3A_5 = arith.constant 0 : index
    %get3A_6 = arith.constant 0 : index
    %get3A_7 = vector.load %arg1[%get3A_4, %get3A_5, %get3A_6] : memref<2x1024x128xf32, #tpu.memory_space<vmem>>, vector<1x1024x128xf32>
    %get3A_8 = vector.shape_cast %get3A_7 : vector<1x1024x128xf32> to vector<1024x128xf32>
    %add3A = arith.addf %get3A_3, %get3A_8 : vector<1024x128xf32>
    %get3A_9 = arith.constant 0 : index
    %get3A_10 = arith.constant 0 : index
    %get3A_11 = vector.load %arg2[%get3A_9, %get3A_10] : memref<1024x128xf32, #tpu.memory_space<vmem>>, vector<1024x128xf32>
    %get3A_12 = arith.constant 0 : index
    %get3A_13 = arith.constant 0 : index
    %get3A_14 = vector.load %arg3[%get3A_12, %get3A_13] : memref<128x384xf32, #tpu.memory_space<vmem>>, vector<128x384xf32>
    %dot_general3A = arith.constant dense<0.000000e+00> : vector<1024x384xf32>
    %dot_general3A_15 = tpu.matmul %add3A, %get3A_14, %dot_general3A {dimension_numbers = #tpu.dot_dimension_numbers<[1], [0], [0], [1], [0, 0, 1, 1], [], []>, transpose_lhs_hint = false} : vector<1024x128xf32>, vector<128x384xf32>, vector<1024x384xf32> -> vector<1024x384xf32>
    %get3A_16 = arith.constant 0 : index
    %get3A_17 = arith.constant 0 : index
    %get3A_18 = vector.load %arg5[%get3A_16, %get3A_17] : memref<1x384xf32, #tpu.memory_space<vmem>>, vector<1x384xf32>
    %add3A_19 = vector.broadcast %get3A_18 : vector<1x384xf32> to vector<1024x384xf32>
    %add3A_20 = arith.addf %dot_general3A_15, %add3A_19 : vector<1024x384xf32>
    %get3A_21 = arith.constant 0 : index
    %get3A_22 = arith.constant 0 : index
    %get3A_23 = vector.load %arg4[%get3A_21, %get3A_22] : memref<128x384xf32, #tpu.memory_space<vmem>>, vector<128x384xf32>
    %dot_general3A_24 = arith.constant dense<0.000000e+00> : vector<1024x384xf32>
    %dot_general3A_25 = tpu.matmul %get3A_11, %get3A_23, %dot_general3A_24 {dimension_numbers = #tpu.dot_dimension_numbers<[1], [0], [0], [1], [0, 0, 1, 1], [], []>, transpose_lhs_hint = false} : vector<1024x128xf32>, vector<128x384xf32>, vector<1024x384xf32> -> vector<1024x384xf32>
    %get3A_26 = arith.constant 0 : index
    %get3A_27 = arith.constant 0 : index
    %get3A_28 = vector.load %arg6[%get3A_26, %get3A_27] : memref<1x384xf32, #tpu.memory_space<vmem>>, vector<1x384xf32>
    %add3A_29 = vector.broadcast %get3A_28 : vector<1x384xf32> to vector<1024x384xf32>
    %add3A_30 = arith.addf %dot_general3A_25, %add3A_29 : vector<1024x384xf32>
    %slice3A = vector.extract_strided_slice %add3A_20 {offsets = [0, 0], sizes = [1024, 128], strides = [1, 1]} : vector<1024x384xf32> to vector<1024x128xf32>
    %slice3A_31 = vector.extract_strided_slice %add3A_30 {offsets = [0, 0], sizes = [1024, 128], strides = [1, 1]} : vector<1024x384xf32> to vector<1024x128xf32>
    %add3A_32 = arith.addf %slice3A, %slice3A_31 : vector<1024x128xf32>
    %logistic3A = arith.negf %add3A_32 : vector<1024x128xf32>
    %logistic3A_33 = math.exp %logistic3A : vector<1024x128xf32>
    %logistic3A_34 = arith.constant 1.000000e+00 : f32
    %logistic3A_35 = vector.broadcast %logistic3A_34 : f32 to vector<1024x128xf32>
    %logistic3A_36 = arith.addf %logistic3A_35, %logistic3A_33 : vector<1024x128xf32>
    %logistic3A_37 = arith.divf %logistic3A_35, %logistic3A_36 : vector<1024x128xf32>
    %slice3A_38 = vector.extract_strided_slice %add3A_20 {offsets = [0, 128], sizes = [1024, 128], strides = [1, 1]} : vector<1024x384xf32> to vector<1024x128xf32>
    %slice3A_39 = vector.extract_strided_slice %add3A_30 {offsets = [0, 128], sizes = [1024, 128], strides = [1, 1]} : vector<1024x384xf32> to vector<1024x128xf32>
    %add3A_40 = arith.addf %slice3A_38, %slice3A_39 : vector<1024x128xf32>
    %logistic3A_41 = arith.negf %add3A_40 : vector<1024x128xf32>
    %logistic3A_42 = math.exp %logistic3A_41 : vector<1024x128xf32>
    %logistic3A_43 = arith.constant 1.000000e+00 : f32
    %logistic3A_44 = vector.broadcast %logistic3A_43 : f32 to vector<1024x128xf32>
    %logistic3A_45 = arith.addf %logistic3A_44, %logistic3A_42 : vector<1024x128xf32>
    %logistic3A_46 = arith.divf %logistic3A_44, %logistic3A_45 : vector<1024x128xf32>
    %slice3A_47 = vector.extract_strided_slice %add3A_20 {offsets = [0, 256], sizes = [1024, 128], strides = [1, 1]} : vector<1024x384xf32> to vector<1024x128xf32>
    %slice3A_48 = vector.extract_strided_slice %add3A_30 {offsets = [0, 256], sizes = [1024, 128], strides = [1, 1]} : vector<1024x384xf32> to vector<1024x128xf32>
    %mul3A = arith.mulf %logistic3A_37, %slice3A_48 : vector<1024x128xf32>
    %add3A_49 = arith.addf %slice3A_47, %mul3A : vector<1024x128xf32>
    %tanh3A = math.tanh %add3A_49 : vector<1024x128xf32>
    %sub3A = arith.constant 1.000000e+00 : f32
    %sub3A_50 = vector.broadcast %sub3A : f32 to vector<1024x128xf32>
    %sub3A_51 = arith.subf %sub3A_50, %logistic3A_46 : vector<1024x128xf32>
    %mul3A_52 = arith.mulf %sub3A_51, %tanh3A : vector<1024x128xf32>
    %mul3A_53 = arith.mulf %logistic3A_46, %get3A_11 : vector<1024x128xf32>
    %add3A_54 = arith.addf %mul3A_52, %mul3A_53 : vector<1024x128xf32>
    %mul3A_55 = arith.constant 5.000000e-01 : f32
    %mul3A_56 = vector.broadcast %mul3A_55 : f32 to vector<1024x128xf32>
    %mul3A_57 = arith.mulf %mul3A_56, %add3A_54 : vector<1024x128xf32>
    %mul3A_58 = arith.constant 0.707106769 : f32
    %mul3A_59 = vector.broadcast %mul3A_58 : f32 to vector<1024x128xf32>
    %mul3A_60 = arith.mulf %add3A_54, %mul3A_59 : vector<1024x128xf32>
    %erf3A = math.erf %mul3A_60 : vector<1024x128xf32>
    %add3A_61 = arith.constant 1.000000e+00 : f32
    %add3A_62 = vector.broadcast %add3A_61 : f32 to vector<1024x128xf32>
    %add3A_63 = arith.addf %add3A_62, %erf3A : vector<1024x128xf32>
    %mul3A_64 = arith.mulf %mul3A_57, %add3A_63 : vector<1024x128xf32>
    %swap3A = arith.constant 0 : index
    %swap3A_65 = arith.constant 0 : index
    %swap3A_66 = vector.load %arg8[%swap3A, %swap3A_65] : memref<1024x128xf32, #tpu.memory_space<vmem>>, vector<1024x128xf32>
    tpu.vector_store %arg8[%swap3A, %swap3A_65], %mul3A_64 {strides = array<i32>} : memref<1024x128xf32, #tpu.memory_space<vmem>>, vector<1024x128xf32>,
    %get3A_67 = arith.constant 0 : index
    %get3A_68 = arith.constant 0 : index
    %get3A_69 = vector.load %arg7[%get3A_67, %get3A_68] : memref<1x1024xi32, #tpu.memory_space<vmem>>, vector<1x1024xi32>
    %get3A_70 = vector.shape_cast %get3A_69 : vector<1x1024xi32> to vector<1024xi32>
    %broadcast_in_dim3A = vector.shape_cast %get3A_70 : vector<1024xi32> to vector<1x1024xi32>
    %iota3A = tpu.iota {dimensions = array<i32: 0>} : vector<16x1024xi32>
    %eq3A = vector.broadcast %broadcast_in_dim3A : vector<1x1024xi32> to vector<16x1024xi32>
    %eq3A_71 = arith.cmpi eq, %eq3A, %iota3A : vector<16x1024xi32>
    %convert_element_type3A = arith.extui %eq3A_71 : vector<16x1024xi1> to vector<16x1024xi32>
    %convert_element_type3A_72 = arith.sitofp %convert_element_type3A : vector<16x1024xi32> to vector<16x1024xf32>
    %dot_general3A_73 = arith.constant dense<0.000000e+00> : vector<16x128xf32>
    %dot_general3A_74 = tpu.matmul %convert_element_type3A_72, %mul3A_64, %dot_general3A_73 {dimension_numbers = #tpu.dot_dimension_numbers<[1], [0], [0], [1], [0, 0, 1, 1], [], []>, precision = #tpu.contract_precision<fp32>, transpose_lhs_hint = false} : vector<16x1024xf32>, vector<1024x128xf32>, vector<16x128xf32> -> vector<16x128xf32>
    %mul3A_75 = arith.mulf %mul3A_64, %mul3A_64 : vector<1024x128xf32>
    %dot_general3A_76 = arith.constant dense<0.000000e+00> : vector<16x128xf32>
    %dot_general3A_77 = tpu.matmul %convert_element_type3A_72, %mul3A_75, %dot_general3A_76 {dimension_numbers = #tpu.dot_dimension_numbers<[1], [0], [0], [1], [0, 0, 1, 1], [], []>, precision = #tpu.contract_precision<fp32>, transpose_lhs_hint = false} : vector<16x1024xf32>, vector<1024x128xf32>, vector<16x128xf32> -> vector<16x128xf32>
    %reduce_sum3A = arith.constant dense<0.000000e+00> : vector<16xf32>
    %reduce_sum3A_78 = vector.multi_reduction <add>, %convert_element_type3A_72, %reduce_sum3A [1] : vector<16x1024xf32> to vector<16xf32>
    %broadcast_in_dim3A_79 = vector.shape_cast %reduce_sum3A_78 : vector<16xf32> to vector<16x1xf32>
    %broadcast_in_dim3A_80 = vector.shape_cast %broadcast_in_dim3A_79 : vector<16x1xf32> to vector<16x1xf32>
    %broadcast_in_dim3A_81 = vector.broadcast %broadcast_in_dim3A_80 : vector<16x1xf32> to vector<16x128xf32>
    %stack3A = vector.shape_cast %dot_general3A_74 : vector<16x128xf32> to vector<1x16x128xf32>
    %stack3A_82 = vector.shape_cast %dot_general3A_77 : vector<16x128xf32> to vector<1x16x128xf32>
    %stack3A_83 = vector.shape_cast %broadcast_in_dim3A_81 : vector<16x128xf32> to vector<1x16x128xf32>
    %stack3A_84 = tpu.concatenate %stack3A, %stack3A_82, %stack3A_83 in 0 : vector<1x16x128xf32>, vector<1x16x128xf32>, vector<1x16x128xf32> -> vector<3x16x128xf32>
    %eq3A_85 = arith.constant 0 : i32
    %eq3A_86 = arith.cmpi eq, %arg0, %eq3A_85 : i32
    %convert_element_type3A_87 = arith.extui %eq3A_86 : i1 to i32
    %cond3A = arith.constant 0 : i32
    %cond3A_88 = arith.cmpi ne, %convert_element_type3A_87, %cond3A : i32
    scf.if %cond3A_88 {
      %swap3A_93 = arith.constant 0 : index
      %swap3A_94 = arith.constant 0 : index
      %swap3A_95 = arith.constant 0 : index
      %swap3A_96 = vector.load %arg9[%swap3A_93, %swap3A_94, %swap3A_95] : memref<3x16x128xf32, #tpu.memory_space<vmem>>, vector<3x16x128xf32>
      tpu.vector_store %arg9[%swap3A_93, %swap3A_94, %swap3A_95], %stack3A_84 {strides = array<i32>} : memref<3x16x128xf32, #tpu.memory_space<vmem>>, vector<3x16x128xf32>,
    } else {
    }
    %gt3A = arith.constant 0 : i32
    %gt3A_89 = arith.cmpi sgt, %arg0, %gt3A : i32
    %convert_element_type3A_90 = arith.extui %gt3A_89 : i1 to i32
    %cond3A_91 = arith.constant 0 : i32
    %cond3A_92 = arith.cmpi ne, %convert_element_type3A_90, %cond3A_91 : i32
    scf.if %cond3A_92 {
      %get3A_93 = arith.constant 0 : index
      %get3A_94 = arith.constant 0 : index
      %get3A_95 = arith.constant 0 : index
      %get3A_96 = vector.load %arg9[%get3A_93, %get3A_94, %get3A_95] : memref<3x16x128xf32, #tpu.memory_space<vmem>>, vector<3x16x128xf32>
      %add3A_97 = arith.addf %get3A_96, %stack3A_84 : vector<3x16x128xf32>
      %swap3A_98 = arith.constant 0 : index
      %swap3A_99 = arith.constant 0 : index
      %swap3A_100 = arith.constant 0 : index
      %swap3A_101 = vector.load %arg9[%swap3A_98, %swap3A_99, %swap3A_100] : memref<3x16x128xf32, #tpu.memory_space<vmem>>, vector<3x16x128xf32>
      tpu.vector_store %arg9[%swap3A_98, %swap3A_99, %swap3A_100], %add3A_97 {strides = array<i32>} : memref<3x16x128xf32, #tpu.memory_space<vmem>>, vector<3x16x128xf32>,
    } else {
    }
    return
  }
  func.func @transform_0(%arg0: i32) -> (i32, i32, i32) {
    %c0_i32 = arith.constant 0 : i32
    %c0_i32_0 = arith.constant 0 : i32
    %c0_i32_1 = arith.constant 0 : i32
    return %c0_i32, %arg0, %c0_i32_0 : i32, i32, i32
  }
  func.func @transform_1(%arg0: i32) -> (i32, i32) {
    %c0_i32 = arith.constant 0 : i32
    %c0_i32_0 = arith.constant 0 : i32
    return %arg0, %c0_i32 : i32, i32
  }
  func.func @transform_2(%arg0: i32) -> (i32, i32) {
    %c0_i32 = arith.constant 0 : i32
    %c0_i32_0 = arith.constant 0 : i32
    %c0_i32_1 = arith.constant 0 : i32
    return %c0_i32, %c0_i32_0 : i32, i32
  }
  func.func @transform_3(%arg0: i32) -> (i32, i32) {
    %c0_i32 = arith.constant 0 : i32
    %c0_i32_0 = arith.constant 0 : i32
    %c0_i32_1 = arith.constant 0 : i32
    return %c0_i32, %c0_i32_0 : i32, i32
  }
  func.func @transform_4(%arg0: i32) -> (i32, i32) {
    %c0_i32 = arith.constant 0 : i32
    %c0_i32_0 = arith.constant 0 : i32
    %c0_i32_1 = arith.constant 0 : i32
    return %c0_i32, %c0_i32_0 : i32, i32
  }
  func.func @transform_5(%arg0: i32) -> (i32, i32) {
    %c0_i32 = arith.constant 0 : i32
    %c0_i32_0 = arith.constant 0 : i32
    %c0_i32_1 = arith.constant 0 : i32
    return %c0_i32, %c0_i32_0 : i32, i32
  }
  func.func @transform_6(%arg0: i32) -> (i32, i32) {
    %c0_i32 = arith.constant 0 : i32
    %c0_i32_0 = arith.constant 0 : i32
    return %c0_i32, %arg0 : i32, i32
  }
  func.func @transform_7(%arg0: i32) -> (i32, i32) {
    %c0_i32 = arith.constant 0 : i32
    %c0_i32_0 = arith.constant 0 : i32
    return %arg0, %c0_i32 : i32, i32
  }
  func.func @transform_8(%arg0: i32) -> (i32, i32, i32) {
    %c0_i32 = arith.constant 0 : i32
    %c0_i32_0 = arith.constant 0 : i32
    %c0_i32_1 = arith.constant 0 : i32
    %c0_i32_2 = arith.constant 0 : i32
    return %c0_i32, %c0_i32_0, %c0_i32_1 : i32, i32, i32
  }
}

module attributes {stable_mosaic.version = 14 : i64} {
  func.func @_tc_fin_body(%arg0: i32, %arg1: memref<1024x128xf32, #tpu.memory_space<vmem>>, %arg2: memref<3x16x128xf32, #tpu.memory_space<vmem>>, %arg3: memref<1x1024xi32, #tpu.memory_space<vmem>>, %arg4: memref<1x128xf32, #tpu.memory_space<vmem>>, %arg5: memref<1x128xf32, #tpu.memory_space<vmem>>, %arg6: memref<1x128xf32, #tpu.memory_space<vmem>>, %arg7: memref<1024x128xf32, #tpu.memory_space<vmem>>, %arg8: memref<128x128xf32, #tpu.memory_space<vmem>>, %arg9: memref<1x128xf32, #tpu.memory_space<vmem>>, %arg10: memref<1024x128xf32, #tpu.memory_space<vmem>>) attributes {dimension_semantics = [#tpu.dimension_semantics<arbitrary>], iteration_bounds = array<i64: 10>, scalar_prefetch = 0 : i64, scratch_operands = 0 : i64, tpu.core_type = #tpu.core_type<tc>, window_params = [{transform_indices = @transform_0, window_bounds = array<i64: 1024, 128>}, {pipeline_mode = #tpu.pipeline_mode<synchronous>, transform_indices = @transform_1, window_bounds = array<i64: 3, 16, 128>}, {transform_indices = @transform_2, window_bounds = array<i64: 1, 1024>}, {pipeline_mode = #tpu.pipeline_mode<synchronous>, transform_indices = @transform_3, window_bounds = array<i64: 1, 128>}, {pipeline_mode = #tpu.pipeline_mode<synchronous>, transform_indices = @transform_4, window_bounds = array<i64: 1, 128>}, {pipeline_mode = #tpu.pipeline_mode<synchronous>, transform_indices = @transform_5, window_bounds = array<i64: 1, 128>}, {transform_indices = @transform_6, window_bounds = array<i64: 1024, 128>}, {pipeline_mode = #tpu.pipeline_mode<synchronous>, transform_indices = @transform_7, window_bounds = array<i64: 128, 128>}, {pipeline_mode = #tpu.pipeline_mode<synchronous>, transform_indices = @transform_8, window_bounds = array<i64: 1, 128>}, {transform_indices = @transform_9, window_bounds = array<i64: 1024, 128>}]} {
    %get3A = arith.constant 0 : index
    %get3A_0 = arith.constant 0 : index
    %get3A_1 = arith.constant 0 : index
    %get3A_2 = vector.load %arg2[%get3A, %get3A_0, %get3A_1] : memref<3x16x128xf32, #tpu.memory_space<vmem>>, vector<3x16x128xf32>
    %slice3A = vector.extract_strided_slice %get3A_2 {offsets = [0, 0, 0], sizes = [1, 16, 128], strides = [1, 1, 1]} : vector<3x16x128xf32> to vector<1x16x128xf32>
    %squeeze3A = vector.shape_cast %slice3A : vector<1x16x128xf32> to vector<16x128xf32>
    %slice3A_3 = vector.extract_strided_slice %get3A_2 {offsets = [1, 0, 0], sizes = [1, 16, 128], strides = [1, 1, 1]} : vector<3x16x128xf32> to vector<1x16x128xf32>
    %squeeze3A_4 = vector.shape_cast %slice3A_3 : vector<1x16x128xf32> to vector<16x128xf32>
    %slice3A_5 = vector.extract_strided_slice %get3A_2 {offsets = [2, 0, 0], sizes = [1, 16, 128], strides = [1, 1, 1]} : vector<3x16x128xf32> to vector<1x16x128xf32>
    %squeeze3A_6 = vector.shape_cast %slice3A_5 : vector<1x16x128xf32> to vector<16x128xf32>
    %get3A_7 = arith.constant 0 : index
    %get3A_8 = arith.constant 0 : index
    %get3A_9 = vector.load %arg6[%get3A_7, %get3A_8] : memref<1x128xf32, #tpu.memory_space<vmem>>, vector<1x128xf32>
    %max3A = arith.constant 1.000000e+00 : f32
    %max3A_10 = vector.broadcast %max3A : f32 to vector<16x128xf32>
    %max3A_11 = arith.maximumf %squeeze3A_6, %max3A_10 : vector<16x128xf32>
    %div3A = arith.divf %squeeze3A, %max3A_11 : vector<16x128xf32>
    %div3A_12 = arith.divf %squeeze3A_4, %max3A_11 : vector<16x128xf32>
    %mul3A = arith.constant 2.000000e+00 : f32
    %mul3A_13 = vector.broadcast %mul3A : f32 to vector<1x128xf32>
    %mul3A_14 = arith.mulf %mul3A_13, %get3A_9 : vector<1x128xf32>
    %mul3A_15 = arith.mulf %get3A_9, %get3A_9 : vector<1x128xf32>
    %sub3A = arith.subf %mul3A_14, %mul3A_15 : vector<1x128xf32>
    %mul3A_16 = vector.broadcast %sub3A : vector<1x128xf32> to vector<16x128xf32>
    %mul3A_17 = arith.mulf %mul3A_16, %div3A : vector<16x128xf32>
    %mul3A_18 = arith.mulf %mul3A_17, %div3A : vector<16x128xf32>
    %sub3A_19 = arith.subf %div3A_12, %mul3A_18 : vector<16x128xf32>
    %max3A_20 = arith.constant 0.000000e+00 : f32
    %max3A_21 = vector.broadcast %max3A_20 : f32 to vector<16x128xf32>
    %max3A_22 = arith.maximumf %sub3A_19, %max3A_21 : vector<16x128xf32>
    %add3A = arith.constant 9.99999974E-6 : f32
    %add3A_23 = vector.broadcast %add3A : f32 to vector<16x128xf32>
    %add3A_24 = arith.addf %max3A_22, %add3A_23 : vector<16x128xf32>
    %rsqrt3A = math.rsqrt %add3A_24 : vector<16x128xf32>
    %mul3A_25 = vector.broadcast %get3A_9 : vector<1x128xf32> to vector<16x128xf32>
    %mul3A_26 = arith.mulf %div3A, %mul3A_25 : vector<16x128xf32>
    %get3A_27 = arith.constant 0 : index
    %get3A_28 = arith.constant 0 : index
    %get3A_29 = vector.load %arg3[%get3A_27, %get3A_28] : memref<1x1024xi32, #tpu.memory_space<vmem>>, vector<1x1024xi32>
    %get3A_30 = vector.shape_cast %get3A_29 : vector<1x1024xi32> to vector<1024xi32>
    %get3A_31 = arith.constant 0 : index
    %get3A_32 = arith.constant 0 : index
    %get3A_33 = vector.load %arg1[%get3A_31, %get3A_32] : memref<1024x128xf32, #tpu.memory_space<vmem>>, vector<1024x128xf32>
    %get3A_34 = arith.constant 0 : index
    %get3A_35 = arith.constant 0 : index
    %get3A_36 = vector.load %arg4[%get3A_34, %get3A_35] : memref<1x128xf32, #tpu.memory_space<vmem>>, vector<1x128xf32>
    %get3A_37 = arith.constant 0 : index
    %get3A_38 = arith.constant 0 : index
    %get3A_39 = vector.load %arg5[%get3A_37, %get3A_38] : memref<1x128xf32, #tpu.memory_space<vmem>>, vector<1x128xf32>
    %broadcast_in_dim3A = vector.shape_cast %get3A_30 : vector<1024xi32> to vector<1024x1xi32>
    %iota3A = tpu.iota {dimensions = array<i32: 1>} : vector<1024x16xi32>
    %eq3A = vector.broadcast %broadcast_in_dim3A : vector<1024x1xi32> to vector<1024x16xi32>
    %eq3A_40 = arith.cmpi eq, %eq3A, %iota3A : vector<1024x16xi32>
    %convert_element_type3A = arith.extui %eq3A_40 : vector<1024x16xi1> to vector<1024x16xi32>
    %convert_element_type3A_41 = arith.sitofp %convert_element_type3A : vector<1024x16xi32> to vector<1024x16xf32>
    %dot_general3A = arith.constant dense<0.000000e+00> : vector<1024x128xf32>
    %dot_general3A_42 = tpu.matmul %convert_element_type3A_41, %mul3A_26, %dot_general3A {dimension_numbers = #tpu.dot_dimension_numbers<[1], [0], [0], [1], [0, 0, 1, 1], [], []>, precision = #tpu.contract_precision<fp32>, transpose_lhs_hint = false} : vector<1024x16xf32>, vector<16x128xf32>, vector<1024x128xf32> -> vector<1024x128xf32>
    %dot_general3A_43 = arith.constant dense<0.000000e+00> : vector<1024x128xf32>
    %dot_general3A_44 = tpu.matmul %convert_element_type3A_41, %rsqrt3A, %dot_general3A_43 {dimension_numbers = #tpu.dot_dimension_numbers<[1], [0], [0], [1], [0, 0, 1, 1], [], []>, precision = #tpu.contract_precision<fp32>, transpose_lhs_hint = false} : vector<1024x16xf32>, vector<16x128xf32>, vector<1024x128xf32> -> vector<1024x128xf32>
    %sub3A_45 = arith.subf %get3A_33, %dot_general3A_42 : vector<1024x128xf32>
    %mul3A_46 = arith.mulf %sub3A_45, %dot_general3A_44 : vector<1024x128xf32>
    %mul3A_47 = vector.broadcast %get3A_36 : vector<1x128xf32> to vector<1024x128xf32>
    %mul3A_48 = arith.mulf %mul3A_47, %mul3A_46 : vector<1024x128xf32>
    %add3A_49 = vector.broadcast %get3A_39 : vector<1x128xf32> to vector<1024x128xf32>
    %add3A_50 = arith.addf %mul3A_48, %add3A_49 : vector<1024x128xf32>
    %get3A_51 = arith.constant 0 : index
    %get3A_52 = arith.constant 0 : index
    %get3A_53 = vector.load %arg7[%get3A_51, %get3A_52] : memref<1024x128xf32, #tpu.memory_space<vmem>>, vector<1024x128xf32>
    %add3A_54 = arith.addf %get3A_53, %add3A_50 : vector<1024x128xf32>
    %get3A_55 = arith.constant 0 : index
    %get3A_56 = arith.constant 0 : index
    %get3A_57 = vector.load %arg8[%get3A_55, %get3A_56] : memref<128x128xf32, #tpu.memory_space<vmem>>, vector<128x128xf32>
    %dot_general3A_58 = arith.constant dense<0.000000e+00> : vector<1024x128xf32>
    %dot_general3A_59 = tpu.matmul %add3A_54, %get3A_57, %dot_general3A_58 {dimension_numbers = #tpu.dot_dimension_numbers<[1], [0], [0], [1], [0, 0, 1, 1], [], []>, transpose_lhs_hint = false} : vector<1024x128xf32>, vector<128x128xf32>, vector<1024x128xf32> -> vector<1024x128xf32>
    %get3A_60 = arith.constant 0 : index
    %get3A_61 = arith.constant 0 : index
    %get3A_62 = vector.load %arg9[%get3A_60, %get3A_61] : memref<1x128xf32, #tpu.memory_space<vmem>>, vector<1x128xf32>
    %add3A_63 = vector.broadcast %get3A_62 : vector<1x128xf32> to vector<1024x128xf32>
    %add3A_64 = arith.addf %dot_general3A_59, %add3A_63 : vector<1024x128xf32>
    %swap3A = arith.constant 0 : index
    %swap3A_65 = arith.constant 0 : index
    %swap3A_66 = vector.load %arg10[%swap3A, %swap3A_65] : memref<1024x128xf32, #tpu.memory_space<vmem>>, vector<1024x128xf32>
    tpu.vector_store %arg10[%swap3A, %swap3A_65], %add3A_64 {strides = array<i32>} : memref<1024x128xf32, #tpu.memory_space<vmem>>, vector<1024x128xf32>,
    return
  }
  func.func @transform_0(%arg0: i32) -> (i32, i32) {
    %c0_i32 = arith.constant 0 : i32
    %c0_i32_0 = arith.constant 0 : i32
    return %arg0, %c0_i32 : i32, i32
  }
  func.func @transform_1(%arg0: i32) -> (i32, i32, i32) {
    %c0_i32 = arith.constant 0 : i32
    %c0_i32_0 = arith.constant 0 : i32
    %c0_i32_1 = arith.constant 0 : i32
    %c0_i32_2 = arith.constant 0 : i32
    return %c0_i32, %c0_i32_0, %c0_i32_1 : i32, i32, i32
  }
  func.func @transform_2(%arg0: i32) -> (i32, i32) {
    %c0_i32 = arith.constant 0 : i32
    %c0_i32_0 = arith.constant 0 : i32
    return %c0_i32, %arg0 : i32, i32
  }
  func.func @transform_3(%arg0: i32) -> (i32, i32) {
    %c0_i32 = arith.constant 0 : i32
    %c0_i32_0 = arith.constant 0 : i32
    %c0_i32_1 = arith.constant 0 : i32
    return %c0_i32, %c0_i32_0 : i32, i32
  }
  func.func @transform_4(%arg0: i32) -> (i32, i32) {
    %c0_i32 = arith.constant 0 : i32
    %c0_i32_0 = arith.constant 0 : i32
    %c0_i32_1 = arith.constant 0 : i32
    return %c0_i32, %c0_i32_0 : i32, i32
  }
  func.func @transform_5(%arg0: i32) -> (i32, i32) {
    %c0_i32 = arith.constant 0 : i32
    %c0_i32_0 = arith.constant 0 : i32
    %c0_i32_1 = arith.constant 0 : i32
    return %c0_i32, %c0_i32_0 : i32, i32
  }
  func.func @transform_6(%arg0: i32) -> (i32, i32) {
    %c0_i32 = arith.constant 0 : i32
    %c0_i32_0 = arith.constant 0 : i32
    return %arg0, %c0_i32 : i32, i32
  }
  func.func @transform_7(%arg0: i32) -> (i32, i32) {
    %c0_i32 = arith.constant 0 : i32
    %c0_i32_0 = arith.constant 0 : i32
    %c0_i32_1 = arith.constant 0 : i32
    return %c0_i32, %c0_i32_0 : i32, i32
  }
  func.func @transform_8(%arg0: i32) -> (i32, i32) {
    %c0_i32 = arith.constant 0 : i32
    %c0_i32_0 = arith.constant 0 : i32
    %c0_i32_1 = arith.constant 0 : i32
    return %c0_i32, %c0_i32_0 : i32, i32
  }
  func.func @transform_9(%arg0: i32) -> (i32, i32) {
    %c0_i32 = arith.constant 0 : i32
    %c0_i32_0 = arith.constant 0 : i32
    return %arg0, %c0_i32 : i32, i32
  }
}

</mosaic_0001>

<sc_bundles>
// kernel: kernel.13.cloned.1.call-start
scs
__scs_entry_jumppad:
0x0: {  	(pc) =	sbr.rel $0x88, $3  }
0x1: {  	(tag) =	ssettag $0x0;
	lr =	simm.s32 $0x1  }
0x2: {  	[smem:$0x3F8F] =	sst lr;
	_ =	strace $0xD0000000  }
0x3: {  	_ = 	snop  }
0x4: {  	_ = 	snop  }
0x5: {  	_ = 	snop  }
0x6: {  	_ = 	snop  }
0x7: {  	_ = 	snop  }
__scs_overlays_trampoline_lowered:
0x8: {  	[smem:$0x3F9E] =	sst s0  }
0x9: {  	[smem:$0x3F9F] =	sst s1  }
0xa: {  	[smem:$0x3FA0] =	sst s2  }
0xb: {  	[smem:$0x3FA1] =	sst s3  }
0xc: {  	[smem:$0x3FA2] =	sst s4  }
0xd: {  	[smem:$0x3FA3] =	sst s5  }
0xe: {  	[smem:$0x3FA4] =	sst s6  }
0xf: {  	[smem:$0x3FA5] =	sst s7  }
0x10: {  	[smem:$0x3FA6] =	sst s8  }
0x11: {  	[smem:$0x3FA7] =	sst s9;
	s0 =	simm.s32 @!p0 $0x0  }
0x12: {  	s1 =	sld [smem:$0x3F8D];
	s0 =	simm.s32 @p0 $0x1  }
0x13: {  	[smem:$0x3FA8] =	sst s0;
	s0 =	simm.s32 @!p1 $0x0  }
0x14: {  	s2 =	sld [smem:$0x3F8C];
	s0 =	simm.s32 @p1 $0x1  }
0x15: {  	[smem:$0x3FA9] =	sst s0;
	s0 =	simm.s32 @!p2 $0x0  }
0x16: {  	s3 =	sld [smem:$0x3FDB];
	s0 =	simm.s32 @p2 $0x1  }
0x17: {  	s4 =	simm.s32 $0x1BF5;
	[smem:$0x3FAB] =	sst s0  }
0x18: {  	s0 =	sld [smem:$0x3F8E];
	_ =	swait.ge [sflag:s4], $0x0  }
0x19: {  	s7 =	sld [smem:$0x3F8F]  }
0x1a: {  	s8 =	sadd.s32 $0xFFFFE003, lr  }
0x1b: {  	s9 =	sadd.s32 $0xFFFFFEF7, lr;
	s5 =	simm.s32 $0xFFFFFFFF;
	p2 =	slt.u32 s8, $0xFFFFF086  }
0x1c: {  	p1 =	slt.u32 s9, $0xF7A;
	s5 =	simm.s32 @!p2 $0x0  }
0x1d: {  	s5 =	simm.s32 @p1 $0x1;
	p0 =	seq.s32 s7, s2  }
0x1e: {  	s7 =	smul.u32 @!p0 $0xF7A, s2;
	p2 =	seq.s32 @!p0 s5, $0x0  }
0x1f: {  	s9 =	smul.u32 $0xF7A, s1;
	s8 =	simm.s32 @!p0 $0x1BF5;
	p2 =	por !p2, p0  }
0x20: {  	[sflag:s8] =	ssyncset.s32 @!p0 $0xFFFFF086;
	s6 =	sadd.s32 @!p0 s3, s7;
	s7 =	simm.s32 @!p0 $0x108  }
0x21: {  	s3 =	sadd.s32 s3, s9;
	s6 =	sadd.s32 @!p0 $0x88, s6;
	s7 =	simm.s32 @p2 $0x1082  }
0x22: {  	[simem:s7], [sflag:s8] =	dma.local @!p0 [hbm:s6], $0xF7A  }
0x23: {  	s9 =	sor.u32 $0xD0000000, s2;
	s6 =	simm.s32 $0x108;
	_ =	swait.ge @!p0 [sflag:s8], $0x0  }
0x24: {  	s3 =	sadd.s32 $0x88, s3;
	s6 =	simm.s32 @!p1 $0x1082;
	[sflag:s4] =	ssyncset.s32 $0xFFFFF086  }
0x25: {  	[simem:s6], [sflag:s4] =	dma.local [hbm:s3], $0xF7A  }
0x26: {  	[smem:$0x3F8F] =	sst s1;
	(tag) =	ssettag s2;
	_ =	strace s9  }
0x27: {  	s1 =	sld [smem:$0x3F9F]  }
0x28: {  	s2 =	sld [smem:$0x3FA0]  }
0x29: {  	s4 =	sld [smem:$0x3FA2]  }
0x2a: {  	p0 =	seq.s32 s5, $0x0;
	s5 =	sld [smem:$0x3FA3]  }
0x2b: {  	s6 =	sld [smem:$0x3FA4]  }
0x2c: {  	s7 =	sld [smem:$0x3FA5]  }
0x2d: {  	s3 =	simm.s32 $0x108;
	s8 =	sld [smem:$0x3FA6]  }
0x2e: {  	s3 =	simm.s32 @!p0 $0x1082;
	s9 =	sld [smem:$0x3FA7]  }
0x2f: {  	lr =	sadd.s32 s0, s3;
	s0 =	sld [smem:$0x3F9E]  }
0x30: {  	s3 =	sld [smem:$0x3FA1]  }
0x31: {  	[smem:$0x3FAA] =	sst s10  }
0x32: {  	s10 =	sld [smem:$0x3FA8];
	_ =	sdelay $0x3  }
0x33: {  	p0 =	seq.s32 s10, $0x1;
	s10 =	sld [smem:$0x3FAA];
	_ =	sdelay $0x3  }
0x34: {  	[smem:$0x3FAA] =	sst s10  }
0x35: {  	s10 =	sld [smem:$0x3FA9];
	_ =	sdelay $0x3  }
0x36: {  	p1 =	seq.s32 s10, $0x1;
	s10 =	sld [smem:$0x3FAA];
	_ =	sdelay $0x3  }
0x37: {  	[smem:$0x3FAA] =	sst s10  }
0x38: {  	s10 =	sld [smem:$0x3FAB]  }
0x39: {  	_ = 	snop;
	(pc) =	sbr.ind lr, $3  }
0x3a: {  	_ = 	snop  }
0x3b: {  	_ = 	snop  }
0x3c: {  	p2 =	seq.s32 s10, $0x1;
	s10 =	sld [smem:$0x3FAA]  }
0x3d: {  	_ =	shalt  }
0x3e: {  	_ =	shalt  }
0x3f: {  	_ =	shalt  }
0x40: {  	_ =	shalt  }
0x41: {  	_ =	shalt  }
0x42: {  	_ =	shalt  }
0x43: {  	_ =	shalt  }
0x44: {  	_ =	shalt  }
0x45: {  	_ =	shalt  }
0x46: {  	_ =	shalt  }
0x47: {  	_ =	shalt  }
0x48: {  	_ =	shalt  }
0x49: {  	_ =	shalt  }
0x4a: {  	_ =	shalt  }
0x4b: {  	_ =	shalt  }
0x4c: {  	_ =	shalt  }
0x4d: {  	_ =	shalt  }
0x4e: {  	_ =	shalt  }
0x4f: {  	_ =	shalt  }
0x50: {  	_ =	shalt  }
0x51: {  	_ =	shalt  }
0x52: {  	_ =	shalt  }
0x53: {  	_ =	shalt  }
0x54: {  	_ =	shalt  }
0x55: {  	_ =	shalt  }
0x56: {  	_ =	shalt  }
0x57: {  	_ =	shalt  }
0x58: {  	_ =	shalt  }
0x59: {  	_ =	shalt  }
0x5a: {  	_ =	shalt  }
0x5b: {  	_ =	shalt  }
0x5c: {  	_ =	shalt  }
0x5d: {  	_ =	shalt  }
0x5e: {  	_ =	shalt  }
0x5f: {  	_ =	shalt  }
0x60: {  	_ =	shalt  }
0x61: {  	_ =	shalt  }
0x62: {  	_ =	shalt  }
0x63: {  	_ =	shalt  }
0x64: {  	_ =	shalt  }
0x65: {  	_ =	shalt  }
0x66: {  	_ =	shalt  }
0x67: {  	_ =	shalt  }
0x68: {  	_ =	shalt  }
0x69: {  	_ =	shalt  }
0x6a: {  	_ =	shalt  }
0x6b: {  	_ =	shalt  }
0x6c: {  	_ =	shalt  }
0x6d: {  	_ =	shalt  }
0x6e: {  	_ =	shalt  }
0x6f: {  	_ =	shalt  }
0x70: {  	_ =	shalt  }
0x71: {  	_ =	shalt  }
0x72: {  	_ =	shalt  }
0x73: {  	_ =	shalt  }
0x74: {  	_ =	shalt  }
0x75: {  	_ =	shalt  }
0x76: {  	_ =	shalt  }
0x77: {  	_ =	shalt  }
0x78: {  	_ =	shalt  }
0x79: {  	_ =	shalt  }
0x7a: {  	_ =	shalt  }
0x7b: {  	_ =	shalt  }
0x7c: {  	_ =	shalt  }
0x7d: {  	_ =	shalt  }
0x7e: {  	_ =	shalt  }
0x7f: {  	_ =	shalt  }
0x80: {  	_ =	shalt  }
0x81: {  	_ =	shalt  }
0x82: {  	_ =	shalt  }
0x83: {  	_ =	shalt  }
0x84: {  	_ =	shalt  }
0x85: {  	_ =	shalt  }
0x86: {  	_ =	shalt  }
0x87: {  	_ =	shalt  }
.Lfunc_end0:
.L_simem_size_0:
called_computation_lowered:
.L_overlay_start_0:
0x88: {  	s2 =	sld [smem:$0x3FD9]  }
0x89: {  	s3 =	sld [smem:$0x3FFE];
	_ =	sdelay $0x1  }
0x8a: {  	s1 =	srdreg.scid  }
0x8b: {  	s0 =	sand.u32 $0x1, s1  }
0x8c: {  	s16 =	sshll.u32 s0, $0xA;
	s2 =	sadd.s32 s3, s2  }
0x8d: {  	s2 =	sadd.s32 s2, s16  }
0x8e: {  	[smem:$0x3FB6] =	sst s2  }
0x8f: {  	_ = 	snop  }
0x90: {  	(tm) =	ssettm $0x1  }
0x91: {  	s17 =	sld [smem:$0x3FFB];
	_ =	sdelay $0x3  }
0x92: {  	_ =	strace s17  }
0x93: {  	s2 =	sld [smem:$0x3FFC];
	_ =	sdelay $0x3  }
0x94: {  	_ =	strace s2  }
0x95: {  	s2 =	sld [smem:$0x3FFD];
	_ =	sdelay $0x3  }
0x96: {  	_ =	strace s2  }
0x97: {  	_ =	strace $0x8FFFFFFF  }
0x98: {  	s18 =	sld [smem:$0x3FDB];
	_ =	sdelay $0x1  }
0x99: {  	s19 =	simm.s32 $_scs_section_size  }
0x9a: {  	s4 =	simm.s32 $_size__tile_overlayer_lowered;
	s5 =	simm.s32 $_tile_overlayer_lowered  }
0x9b: {  	s22 =	simm.s32 $0x1BFF;
	s21 =	sshll.u32 s5, $0x1;
	s2 =	sadd.s32 s19, s18  }
0x9c: {  	s6 =	simm.s32 $0x0;
	s20 =	sshll.u32 s4, $0x1;
	s4 =	sadd.s32 s21, s2  }
0x9d: {  	[timem:s6], [sflag:s22] =	dma.local [hbm:s4], s20  }
0x9e: {  	_ =	swait.ge [sflag:s22], s20  }
0x9f: {  	s3 =	ssub.s32 $0x0, s20;
	[sflag:s22] =	ssyncset.done $0x0  }
0xa0: {  	[sflag:s22] =	ssyncadd.s32 s3;
	_ =	sdelay $0x1  }
0xa1: {  	s23 =	simm.s32 $0x1B8B  }
0xa2: {  	_ =	swait.ge [sflag:s23], $0x1  }
0xa3: {  	[sflag:s23] =	ssyncset.done $0x0  }
0xa4: {  	s25 =	simm.s32 $0x1B8E;
	s24 =	sld [smem:$0x3FFE];
	[sflag:s23] =	ssyncadd.s32 $0xFFFFFFFF  }
0xa5: {  	s26 =	simm.s32 $execute0_lowered;
	[smem:$0x3FD2] =	sst s25  }
0xa6: {  	s4 =	sshll.u32 s26, $0x1;
	_ =	strace $0x80000046;
	[dreg:$0x1] =	wrdreg $0xFFFFFFFF  }
0xa7: {  	s28 =	simm.s32 $_size_execute0_lowered;
	s2 =	sadd.s32 s2, s4;
	[dreg:$0x0] =	wrdreg $0x0  }
0xa8: {  	s4 =	sshll.u32 s28, $0x1;
	[dreg:$0x2] =	wrdreg s2  }
0xa9: {  	[dreg:$0x3] =	wrdreg s4  }
0xaa: {  	[dreg:$0x4] =	wrdreg $0xC0  }
0xab: {  	_ =	task [dreg:s6], $0x5FFFF  }
0xac: {  	[dreg:$0x1] =	wrdreg $0xFFFFFFFF  }
0xad: {  	[dreg:$0x0] =	wrdreg $0x60  }
0xae: {  	[dreg:$0x2] =	wrdreg s24  }
0xaf: {  	[dreg:$0x3] =	wrdreg $0x68000  }
0xb0: {  	[dreg:$0x4] =	wrdreg $0x9  }
0xb1: {  	_ =	task.clear_ibuf [dreg:s6], $0x5FFFF;
	_ =	strace $0x90000046  }
0xb2: {  	s29 =	simm.s32 $0x9;
	_ =	strace $0x80000048  }
0xb3: {  	_ =	swait.ge [sflag:s29], $0x1  }
0xb4: {  	[sflag:s29] =	ssyncadd.s32 $0xFFFFFFFF  }
0xb5: {  	_ =	strace $0x90000048  }
0xb6: {  	_ =	sfence  }
0xb7: {  	s30 =	sld [smem:$0x0];
	_ =	sdelay $0x2  }
0xb8: {  	s31 =	sshll.u32 s1, $0xD;
	s1 =	sshrl.u32 s1, $0x2  }
0xb9: {  	s3 =	sand.u32 $0x4000, s31;
	s1 =	sadd.s32 s1, s30  }
0xba: {  	s0 =	sor.u32 s3, s0;
	s1 =	sshll.u32 s1, $0x11  }
0xbb: {  	s0 =	sor.u32 s1, s0  }
0xbc: {  	s0 =	sadd.s32 $0x8F2B, s0  }
0xbd: {  	[sflag:s0] =	ssyncadd.remote.s32 $0x1  }
0xbe: {  	_ =	sfence.sel $0xFFFF  }
0xbf: {  	[dreg:$0x0] =	wrdreg $0xFFFFFFFF;
	(pc) =	sbr.abs _section_cstart, $3  }
0xc0: {  	[dreg:$0x1] =	wrdreg $0xFFFFFFFF  }
0xc1: {  	_ =	task.clear_ibuf [dreg:s6], $0x2FFFF;
	_ =	strace $0x9FFFFFFF  }
0xc2: {  	(tm) =	ssettm $0x7FFFFFFF  }
0xc3: {  	_ =	shalt  }
tec
execute0_lowered:
.L_overlay_start_1:
0x0: {  	(tag) =	ssettag $0x1  }
0x1: {  	s1 =	srdreg.scid  }
0x2: {  	s0 =	stileid.u32;
	s5 =	rddreg [dreg:$0x0]  }
0x3: {  	s2 =	rddreg [dreg:$0x1];
	s3 =	simm.s32 $0x0;
	s13 =	simm.s32 $0x70  }
0x4: {  	s14 =	simm.s32 $0x1;
	s15 =	simm.s32 $0x0;
	s4 =	sand.u32 $0x1, s1  }
0x5: {  	s28 =	sshll.u32 s0, $0x1;
	s7 =	smul.u32 $0x14000, s0;
	[smem:$0x7FF] =	sst s3  }
0x6: {  	s10 =	smul.u32 $0x50000, s0;
	s11 =	sshll.u32 s0, $0x6;
	s1 =	sor.u32 s4, s28  }
0x7: {  	s8 =	smul.u32 $0x140000, s4;
	s29 =	ssub.s32 $0x2, s4;
	s4 =	sadd.s32 $0x38400, s5  }
0x8: {  	s11 =	sor.u32 $0x1C02, s11;
	s6 =	smul.u32 $0x600, s1;
	s1 =	rddreg [dreg:$0x2]  }
0x9: {  	_ =	strace $0x80000047;
	s9 =	sshrl.u32 s7, $0x3;
	s30 =	sshrl.u32 s29, $0x1  }
0xa: {  	s31 =	sshrl.u32 s10, $0x2;
	s10 =	simm.s32 $0x3000;
	s9 =	sadd.s32 s9, s5  }
0xb: {  	s7 =	sadd.s32 s7, s8;
	s8 =	ssub.s32 s29, s30;
	s12 =	sadd.s32 s31, s2  }
0xc: {  	s6 =	sadd.s32 s6, s5;
	s7 =	sshrl.u32 s7, $0x3;
	s8 =	smax.u32 s8, $0x1  }
0xd: {  	s12 =	sshrl.u32 s12, $0x3;
	s7 =	sadd.s32 s7, s5;
	s5 =	sadd.s32 $0x4400, s6  }
0xe: {  	s6 =	sadd.s32 $0x10400, s9;
	s9 =	simm.s32 $0x2;
	s7 =	sadd.s32 $0x38C00, s7  }
.LBB2_1:
0xf: {  	[tilespmem:s3], [sflag:$0x2] =	stream.linear.gather [hbm4b:s5+s3], $0x2D00, $0x38;
	[tilespmem:$0x1A800] =	vst v63  }
0x10: {  	_ =	swait.ge [sflag:s9], $0x2D00  }
0x11: {  	[sflag:s9] =	ssyncset.done $0x0  }
0x12: {  	[sflag:s9] =	ssyncadd.s32 $0xFFFFD300  }
0x13: {  	[tilespmem:s10], [sflag:$0x2] =	stream.linear.gather [hbm4b:s4+s3], $0x3800, $0x38;
	[tilespmem:$0x1A800] =	vst v63  }
0x14: {  	_ =	swait.ge [sflag:s9], $0x3800  }
0x15: {  	[sflag:s9] =	ssyncset.done $0x0  }
0x16: {  	[sflag:s9] =	ssyncadd.s32 $0xFFFFC800  }
0x17: {  	[spmem:s12], [sflag:s11] =	dma.local [hbm:s6], $0x2800  }
0x18: {  	_ =	swait.ge [sflag:s9], $0x2800  }
0x19: {  	[sflag:s9] =	ssyncset.done $0x0  }
0x1a: {  	[sflag:s9] =	ssyncadd.s32 $0xFFFFD800  }
0x1b: {  	s16 =	simm.s32 $0x0;
	[bflag:$0x0] =	sbarrier.arrive $0xFFFF  }
.LBB2_2:
0x1c: {  	p0 =	sne.s32 s16, $0xB200  }
.Ltmp0:
0x1d: {  	_ = 	snop;
	(pc) =	sbr.rel @p0 .LBB2_2-.Ltmp0, $3  }
0x1e: {  	_ =	sdelay $0x1  }
0x1f: {  	s17 =	sshra.s32 s16, $0x2;
	s16 =	sadd.s32 $0x200, s16  }
0x20: {  	[spmem:s2] =	stream.indirect.scatter.add.f32 [tilespmem:s10], [sflag:$0x1], $0x80, s17, s13, $0xb8;
	[tilespmem:$0x1A800] =	vst v63  }
0x21: {  	_ =	swait.ge [sflag:s14], $0x3800  }
0x22: {  	s16 =	simm.s32 $0x59;
	[sflag:s14] =	ssyncset.done $0x0  }
.LBB2_4:
0x23: {  	p0 =	sne.s32 s16, $0x1;
	s16 =	sadd.s32 $0xFFFFFFFF, s16;
	[sflag:s14] =	ssyncadd.s32 $0xFFFFC800  }
.Ltmp1:
0x24: {  	(pc) =	sbr.rel @p0 .LBB2_4-.Ltmp1, $3  }
0x25: {  	_ =	sdelay $0x1  }
0x26: {  	_ =	swait.ge [sflag:s14], $0x3800  }
0x27: {  	[sflag:s14] =	ssyncset.done $0x0  }
0x28: {  	s15 =	sadd.s32 $0x1, s15  }
0x29: {  	[sflag:s14] =	ssyncadd.s32 $0xFFFFC800;
	p0 =	sne.s32 s15, s8  }
.Ltmp2:
0x2a: {  	[bflag:$0x0] =	sbarrier.arrive $0xFFFF;
	(pc) =	sbr.rel @p0 .LBB2_1-.Ltmp2, $4  }
0x2b: {  	[hbm:s7], [sflag:s11] =	dma.local [spmem:s12], $0x2800  }
0x2c: {  	_ =	swait.ge [sflag:s9], $0x2800  }
0x2d: {  	[sflag:s9] =	ssyncset.done $0x0  }
0x2e: {  	[sflag:s9] =	ssyncadd.s32 $0xFFFFD800  }
0x2f: {  	_ =	sfence.sel $0x180000  }
0x30: {  	[bflag:$0x0] =	sbarrier.arrive $0xFFFF  }
0x31: {  	p0 =	sne.s32 s0, $0x0;
	_ =	strace $0x90000047  }
0x32: {  	s0 =	sadd.s32 @!p0 $0x100000, s1;
	[bflag:$0x2] =	sbarrier.arrive $0xFFFF  }
0x33: {  	[sflag:s0] =	ssyncadd.tile.s32 @!p0 $0x1;
	_ =	shalt  }
.Lfunc_end2:
_tile_overlayer_lowered:
.L_overlay_start_2:
0x34: {  	(tag) =	ssettag $0x2  }
0x35: {  	s0 =	rddreg [dreg:$0x0];
	s2 =	stileid.u32  }
0x36: {  	s1 =	rddreg [dreg:$0x1];
	p0 =	sne.s32 s2, $0x0  }
0x37: {  	s3 =	rddreg [dreg:$0x2];
	[bflag:$0x3] =	sbarrier.arrive $0xFFFF;
	s2 =	simm.s32 @!p0 $0x1C02  }
0x38: {  	[timem:s3], [sflag:s2] =	dma.local @!p0 [hbm:s0], s1  }
0x39: {  	s0 =	simm.s32 @!p0 $0x2  }
0x3a: {  	_ =	swait.ge @!p0 [sflag:s0], s1  }
0x3b: {  	s1 =	ssub.s32 @!p0 $0x0, s1;
	[sflag:s0] =	ssyncset.done @!p0 $0x0  }
0x3c: {  	[sflag:s0] =	ssyncadd.s32 @!p0 s1  }
0x3d: {  	[bflag:$0x3] =	sbarrier.arrive $0xFFFF  }
0x3e: {  	_ =	shalt  }

// kernel: kernel.16.cloned.1.call-start
scs
__scs_entry_jumppad:
0x0: {  	(pc) =	sbr.rel $0x88, $3  }
0x1: {  	(tag) =	ssettag $0x0;
	lr =	simm.s32 $0x1  }
0x2: {  	[smem:$0x3F8F] =	sst lr;
	_ =	strace $0xD0000000  }
0x3: {  	_ = 	snop  }
0x4: {  	_ = 	snop  }
0x5: {  	_ = 	snop  }
0x6: {  	_ = 	snop  }
0x7: {  	_ = 	snop  }
__scs_overlays_trampoline_lowered:
0x8: {  	[smem:$0x3F9E] =	sst s0  }
0x9: {  	[smem:$0x3F9F] =	sst s1  }
0xa: {  	[smem:$0x3FA0] =	sst s2  }
0xb: {  	[smem:$0x3FA1] =	sst s3  }
0xc: {  	[smem:$0x3FA2] =	sst s4  }
0xd: {  	[smem:$0x3FA3] =	sst s5  }
0xe: {  	[smem:$0x3FA4] =	sst s6  }
0xf: {  	[smem:$0x3FA5] =	sst s7  }
0x10: {  	[smem:$0x3FA6] =	sst s8  }
0x11: {  	[smem:$0x3FA7] =	sst s9;
	s0 =	simm.s32 @!p0 $0x0  }
0x12: {  	s1 =	sld [smem:$0x3F8D];
	s0 =	simm.s32 @p0 $0x1  }
0x13: {  	[smem:$0x3FA8] =	sst s0;
	s0 =	simm.s32 @!p1 $0x0  }
0x14: {  	s2 =	sld [smem:$0x3F8C];
	s0 =	simm.s32 @p1 $0x1  }
0x15: {  	[smem:$0x3FA9] =	sst s0;
	s0 =	simm.s32 @!p2 $0x0  }
0x16: {  	s3 =	sld [smem:$0x3FDB];
	s0 =	simm.s32 @p2 $0x1  }
0x17: {  	s4 =	simm.s32 $0x1BF5;
	[smem:$0x3FAB] =	sst s0  }
0x18: {  	s0 =	sld [smem:$0x3F8E];
	_ =	swait.ge [sflag:s4], $0x0  }
0x19: {  	s7 =	sld [smem:$0x3F8F]  }
0x1a: {  	s8 =	sadd.s32 $0xFFFFE003, lr  }
0x1b: {  	s9 =	sadd.s32 $0xFFFFFEF7, lr;
	s5 =	simm.s32 $0xFFFFFFFF;
	p2 =	slt.u32 s8, $0xFFFFF086  }
0x1c: {  	p1 =	slt.u32 s9, $0xF7A;
	s5 =	simm.s32 @!p2 $0x0  }
0x1d: {  	s5 =	simm.s32 @p1 $0x1;
	p0 =	seq.s32 s7, s2  }
0x1e: {  	s7 =	smul.u32 @!p0 $0xF7A, s2;
	p2 =	seq.s32 @!p0 s5, $0x0  }
0x1f: {  	s9 =	smul.u32 $0xF7A, s1;
	s8 =	simm.s32 @!p0 $0x1BF5;
	p2 =	por !p2, p0  }
0x20: {  	[sflag:s8] =	ssyncset.s32 @!p0 $0xFFFFF086;
	s6 =	sadd.s32 @!p0 s3, s7;
	s7 =	simm.s32 @!p0 $0x108  }
0x21: {  	s3 =	sadd.s32 s3, s9;
	s6 =	sadd.s32 @!p0 $0x88, s6;
	s7 =	simm.s32 @p2 $0x1082  }
0x22: {  	[simem:s7], [sflag:s8] =	dma.local @!p0 [hbm:s6], $0xF7A  }
0x23: {  	s9 =	sor.u32 $0xD0000000, s2;
	s6 =	simm.s32 $0x108;
	_ =	swait.ge @!p0 [sflag:s8], $0x0  }
0x24: {  	s3 =	sadd.s32 $0x88, s3;
	s6 =	simm.s32 @!p1 $0x1082;
	[sflag:s4] =	ssyncset.s32 $0xFFFFF086  }
0x25: {  	[simem:s6], [sflag:s4] =	dma.local [hbm:s3], $0xF7A  }
0x26: {  	[smem:$0x3F8F] =	sst s1;
	(tag) =	ssettag s2;
	_ =	strace s9  }
0x27: {  	s1 =	sld [smem:$0x3F9F]  }
0x28: {  	s2 =	sld [smem:$0x3FA0]  }
0x29: {  	s4 =	sld [smem:$0x3FA2]  }
0x2a: {  	p0 =	seq.s32 s5, $0x0;
	s5 =	sld [smem:$0x3FA3]  }
0x2b: {  	s6 =	sld [smem:$0x3FA4]  }
0x2c: {  	s7 =	sld [smem:$0x3FA5]  }
0x2d: {  	s3 =	simm.s32 $0x108;
	s8 =	sld [smem:$0x3FA6]  }
0x2e: {  	s3 =	simm.s32 @!p0 $0x1082;
	s9 =	sld [smem:$0x3FA7]  }
0x2f: {  	lr =	sadd.s32 s0, s3;
	s0 =	sld [smem:$0x3F9E]  }
0x30: {  	s3 =	sld [smem:$0x3FA1]  }
0x31: {  	[smem:$0x3FAA] =	sst s10  }
0x32: {  	s10 =	sld [smem:$0x3FA8];
	_ =	sdelay $0x3  }
0x33: {  	p0 =	seq.s32 s10, $0x1;
	s10 =	sld [smem:$0x3FAA];
	_ =	sdelay $0x3  }
0x34: {  	[smem:$0x3FAA] =	sst s10  }
0x35: {  	s10 =	sld [smem:$0x3FA9];
	_ =	sdelay $0x3  }
0x36: {  	p1 =	seq.s32 s10, $0x1;
	s10 =	sld [smem:$0x3FAA];
	_ =	sdelay $0x3  }
0x37: {  	[smem:$0x3FAA] =	sst s10  }
0x38: {  	s10 =	sld [smem:$0x3FAB]  }
0x39: {  	_ = 	snop;
	(pc) =	sbr.ind lr, $3  }
0x3a: {  	_ = 	snop  }
0x3b: {  	_ = 	snop  }
0x3c: {  	p2 =	seq.s32 s10, $0x1;
	s10 =	sld [smem:$0x3FAA]  }
0x3d: {  	_ =	shalt  }
0x3e: {  	_ =	shalt  }
0x3f: {  	_ =	shalt  }
0x40: {  	_ =	shalt  }
0x41: {  	_ =	shalt  }
0x42: {  	_ =	shalt  }
0x43: {  	_ =	shalt  }
0x44: {  	_ =	shalt  }
0x45: {  	_ =	shalt  }
0x46: {  	_ =	shalt  }
0x47: {  	_ =	shalt  }
0x48: {  	_ =	shalt  }
0x49: {  	_ =	shalt  }
0x4a: {  	_ =	shalt  }
0x4b: {  	_ =	shalt  }
0x4c: {  	_ =	shalt  }
0x4d: {  	_ =	shalt  }
0x4e: {  	_ =	shalt  }
0x4f: {  	_ =	shalt  }
0x50: {  	_ =	shalt  }
0x51: {  	_ =	shalt  }
0x52: {  	_ =	shalt  }
0x53: {  	_ =	shalt  }
0x54: {  	_ =	shalt  }
0x55: {  	_ =	shalt  }
0x56: {  	_ =	shalt  }
0x57: {  	_ =	shalt  }
0x58: {  	_ =	shalt  }
0x59: {  	_ =	shalt  }
0x5a: {  	_ =	shalt  }
0x5b: {  	_ =	shalt  }
0x5c: {  	_ =	shalt  }
0x5d: {  	_ =	shalt  }
0x5e: {  	_ =	shalt  }
0x5f: {  	_ =	shalt  }
0x60: {  	_ =	shalt  }
0x61: {  	_ =	shalt  }
0x62: {  	_ =	shalt  }
0x63: {  	_ =	shalt  }
0x64: {  	_ =	shalt  }
0x65: {  	_ =	shalt  }
0x66: {  	_ =	shalt  }
0x67: {  	_ =	shalt  }
0x68: {  	_ =	shalt  }
0x69: {  	_ =	shalt  }
0x6a: {  	_ =	shalt  }
0x6b: {  	_ =	shalt  }
0x6c: {  	_ =	shalt  }
0x6d: {  	_ =	shalt  }
0x6e: {  	_ =	shalt  }
0x6f: {  	_ =	shalt  }
0x70: {  	_ =	shalt  }
0x71: {  	_ =	shalt  }
0x72: {  	_ =	shalt  }
0x73: {  	_ =	shalt  }
0x74: {  	_ =	shalt  }
0x75: {  	_ =	shalt  }
0x76: {  	_ =	shalt  }
0x77: {  	_ =	shalt  }
0x78: {  	_ =	shalt  }
0x79: {  	_ =	shalt  }
0x7a: {  	_ =	shalt  }
0x7b: {  	_ =	shalt  }
0x7c: {  	_ =	shalt  }
0x7d: {  	_ =	shalt  }
0x7e: {  	_ =	shalt  }
0x7f: {  	_ =	shalt  }
0x80: {  	_ =	shalt  }
0x81: {  	_ =	shalt  }
0x82: {  	_ =	shalt  }
0x83: {  	_ =	shalt  }
0x84: {  	_ =	shalt  }
0x85: {  	_ =	shalt  }
0x86: {  	_ =	shalt  }
0x87: {  	_ =	shalt  }
.Lfunc_end0:
.L_simem_size_0:
called_computation.1_lowered:
.L_overlay_start_0:
0x88: {  	s2 =	sld [smem:$0x3FD9]  }
0x89: {  	s3 =	sld [smem:$0x3FFE];
	_ =	sdelay $0x1  }
0x8a: {  	s1 =	srdreg.scid  }
0x8b: {  	s0 =	sand.u32 $0x1, s1  }
0x8c: {  	s17 =	sshll.u32 s0, $0xA;
	s2 =	sadd.s32 s3, s2  }
0x8d: {  	s2 =	sadd.s32 s2, s17  }
0x8e: {  	[smem:$0x3FB6] =	sst s2  }
0x8f: {  	_ = 	snop  }
0x90: {  	s2 =	sld [smem:$0x3FD0];
	(tm) =	ssettm $0x1  }
0x91: {  	s18 =	sld [smem:$0x3FFB];
	_ =	sdelay $0x3  }
0x92: {  	_ =	strace s18  }
0x93: {  	s3 =	sld [smem:$0x3FFC];
	_ =	sdelay $0x3  }
0x94: {  	_ =	strace s3  }
0x95: {  	s3 =	sld [smem:$0x3FFD];
	_ =	sdelay $0x3  }
0x96: {  	_ =	strace s3  }
0x97: {  	_ =	strace $0x8FFFFFFF  }
0x98: {  	s19 =	sld [smem:$0x3FDB];
	_ =	sdelay $0x1  }
0x99: {  	s4 =	simm.s32 $_scs_section_size  }
0x9a: {  	s5 =	simm.s32 $_size__tile_overlayer_lowered;
	s6 =	simm.s32 $_tile_overlayer_lowered  }
0x9b: {  	s22 =	simm.s32 $0x1BFF;
	s21 =	sshll.u32 s6, $0x1;
	s3 =	sadd.s32 s4, s19  }
0x9c: {  	s7 =	simm.s32 $0x0;
	s20 =	sshll.u32 s5, $0x1;
	s5 =	sadd.s32 s21, s3  }
0x9d: {  	[timem:s7], [sflag:s22] =	dma.local [hbm:s5], s20  }
0x9e: {  	_ =	swait.ge [sflag:s22], s20  }
0x9f: {  	s4 =	ssub.s32 $0x0, s20;
	[sflag:s22] =	ssyncset.done $0x0  }
0xa0: {  	[sflag:s22] =	ssyncadd.s32 s4;
	_ =	sdelay $0x1  }
0xa1: {  	s23 =	simm.s32 $0x1B8B  }
0xa2: {  	_ =	swait.ge [sflag:s23], $0x1  }
0xa3: {  	[sflag:s23] =	ssyncset.done $0x0  }
0xa4: {  	s25 =	simm.s32 $0x1B8E;
	s24 =	sld [smem:$0x3FFE];
	[sflag:s23] =	ssyncadd.s32 $0xFFFFFFFF  }
0xa5: {  	s26 =	simm.s32 $execute0_lowered;
	[smem:$0x3FD2] =	sst s25  }
0xa6: {  	s5 =	sshll.u32 s26, $0x1;
	_ =	strace $0x80000049;
	[dreg:$0x1] =	wrdreg $0xFFFFFFFF  }
0xa7: {  	s28 =	simm.s32 $_size_execute0_lowered;
	s3 =	sadd.s32 s3, s5;
	[dreg:$0x0] =	wrdreg $0x0  }
0xa8: {  	s5 =	sshll.u32 s28, $0x1;
	[dreg:$0x2] =	wrdreg s3  }
0xa9: {  	[dreg:$0x3] =	wrdreg s5  }
0xaa: {  	[dreg:$0x4] =	wrdreg $0xC0  }
0xab: {  	_ =	task [dreg:s7], $0x5FFFF  }
0xac: {  	[dreg:$0x1] =	wrdreg $0xFFFFFFFF  }
0xad: {  	[dreg:$0x0] =	wrdreg $0x60  }
0xae: {  	[dreg:$0x2] =	wrdreg s24  }
0xaf: {  	[dreg:$0x3] =	wrdreg s2  }
0xb0: {  	[dreg:$0x4] =	wrdreg $0xAB000  }
0xb1: {  	[dreg:$0x5] =	wrdreg $0x9  }
0xb2: {  	_ =	task.clear_ibuf [dreg:s7], $0x6FFFF;
	_ =	strace $0x90000049  }
0xb3: {  	s29 =	simm.s32 $0x9;
	_ =	strace $0x8000004B  }
0xb4: {  	_ =	swait.ge [sflag:s29], $0x1  }
0xb5: {  	[sflag:s29] =	ssyncadd.s32 $0xFFFFFFFF  }
0xb6: {  	_ =	strace $0x9000004B  }
0xb7: {  	_ =	sfence  }
0xb8: {  	s30 =	sld [smem:$0x0];
	_ =	sdelay $0x2  }
0xb9: {  	s31 =	sshll.u32 s1, $0xD;
	s1 =	sshrl.u32 s1, $0x2  }
0xba: {  	s3 =	sand.u32 $0x4000, s31;
	s1 =	sadd.s32 s1, s30  }
0xbb: {  	s0 =	sor.u32 s3, s0;
	s1 =	sshll.u32 s1, $0x11  }
0xbc: {  	s0 =	sor.u32 s1, s0  }
0xbd: {  	s0 =	sadd.s32 $0x8F2B, s0  }
0xbe: {  	[sflag:s0] =	ssyncadd.remote.s32 $0x1  }
0xbf: {  	_ =	sfence.sel $0xFFFF  }
0xc0: {  	[dreg:$0x0] =	wrdreg $0xFFFFFFFF;
	(pc) =	sbr.abs _section_cstart, $3  }
0xc1: {  	[dreg:$0x1] =	wrdreg $0xFFFFFFFF  }
0xc2: {  	_ =	task.clear_ibuf [dreg:s7], $0x2FFFF;
	_ =	strace $0x9FFFFFFF  }
0xc3: {  	(tm) =	ssettm $0x7FFFFFFF  }
tec
execute0_lowered:
.L_overlay_start_1:
0x0: {  	(tag) =	ssettag $0x1  }
0x1: {  	s0 =	rddreg [dreg:$0x0]  }
0x2: {  	s2 =	rddreg [dreg:$0x1]  }
0x3: {  	s3 =	rddreg [dreg:$0x2]  }
0x4: {  	s12 =	stileid.u32;
	s1 =	srdreg.scid  }
0x5: {  	s4 =	simm.s32 $0x0;
	s17 =	simm.s32 $0x7;
	s18 =	simm.s32 $0x100  }
0x6: {  	s28 =	simm.s32 $0x4;
	s29 =	simm.s32 $0x80;
	s30 =	simm.s32 $0x5  }
0x7: {  	s31 =	simm.s32 $0x180;
	s6 =	smul.u32 $0x14000, s12;
	s1 =	sand.u32 $0x1, s1  }
0x8: {  	[smem:$0x7FF] =	sst s4;
	s5 =	sadd.s32 $0x88C00, s0;
	s19 =	smul.u32 $0x50000, s12  }
0x9: {  	s9 =	sshll.u32 s12, $0x1;
	s11 =	smul.u32 $0xB400, s12;
	s22 =	sshll.u32 s12, $0x6  }
0xa: {  	s7 =	smul.u32 $0x140000, s1;
	_ =	strace $0x8000004A;
	s20 =	ssub.s32 $0x2, s1  }
0xb: {  	s9 =	sor.u32 s1, s9;
	s1 =	smul.u32 $0x5A00, s1;
	s8 =	sshrl.u32 s6, $0x3  }
0xc: {  	s10 =	sshrl.u32 s20, $0x1;
	s9 =	smul.u32 $0x5A00, s9;
	s8 =	sadd.s32 s8, s0  }
0xd: {  	s6 =	sadd.s32 s6, s7;
	s7 =	sshrl.u32 s19, $0x2;
	s1 =	sadd.s32 s1, s11  }
0xe: {  	s19 =	simm.s32 $0x200;
	s6 =	sshrl.u32 s6, $0x3;
	s21 =	sadd.s32 s7, s3  }
0xf: {  	s9 =	sshrl.u32 s9, $0x3;
	s8 =	sadd.s32 $0x10400, s8;
	s7 =	sor.u32 $0x1C07, s22  }
0x10: {  	s24 =	sadd.s32 $0x500, s1;
	s25 =	sadd.s32 $0x400, s1;
	s15 =	sadd.s32 $0x300, s1  }
0x11: {  	s22 =	simm.s32 $0x300;
	s1 =	simm.s32 $0x280;
	s0 =	sadd.s32 s6, s0  }
0x12: {  	s6 =	ssub.s32 s20, s10;
	[dreg:$0x4] =	wrdreg s8;
	s8 =	sadd.s32 s2, s9  }
0x13: {  	s26 =	sshrl.u32 s25, $0x3;
	s16 =	sshrl.u32 s21, $0x3;
	s9 =	sadd.s32 $0x20, s8  }
0x14: {  	s20 =	simm.s32 $0x1;
	s23 =	sadd.s32 $0x40, s8;
	[dreg:$0x5] =	wrdreg s9  }
0x15: {  	s21 =	simm.s32 $0x70;
	s0 =	sadd.s32 $0xB0C00, s0;
	[dreg:$0x6] =	wrdreg s23  }
0x16: {  	s25 =	simm.s32 $0x3;
	s6 =	smax.u32 s6, $0x1;
	[dreg:$0x7] =	wrdreg s0  }
0x17: {  	s14 =	sadd.s32 s26, s2;
	s26 =	simm.s32 $0x7300;
	[dreg:$0x8] =	wrdreg s6  }
0x18: {  	s0 =	sshrl.u32 s24, $0x3;
	s23 =	simm.s32 $0x2;
	s24 =	simm.s32 $0x3B00  }
0x19: {  	s6 =	simm.s32 $0x0;
	s13 =	sadd.s32 s0, s2;
	s0 =	simm.s32 $0x6  }
.LBB2_1:
0x1a: {  	s9 =	rddreg [dreg:$0x4]  }
0x1b: {  	[spmem:s16], [sflag:s7] =	dma.local [hbm:s9], $0x2800  }
0x1c: {  	_ =	swait.ge [sflag:s17], $0x2800  }
0x1d: {  	[sflag:s17] =	ssyncset.done $0x0  }
0x1e: {  	[sflag:s17] =	ssyncadd.s32 $0xFFFFD800  }
0x1f: {  	[bflag:$0x0] =	sbarrier.arrive $0xFFFF  }
0x20: {  	[tilespmem:s4], [sflag:$0x1] =	stream.linear.gather [hbm4b:s8+s4], $0x100, $0x38;
	[tilespmem:$0x1EB00] =	vst v63  }
0x21: {  	s12 =	rddreg [dreg:$0x5]  }
0x22: {  	[tilespmem:s18], [sflag:$0x2] =	stream.linear.gather [hbm4b:s12+s4], $0x100, $0x38;
	[tilespmem:$0x1EB00] =	vst v63  }
0x23: {  	s10 =	rddreg [dreg:$0x6]  }
0x24: {  	[tilespmem:s19], [sflag:$0x3] =	stream.linear.gather [hbm4b:s10+s4], $0x100, $0x38;
	[tilespmem:$0x1EB00] =	vst v63  }
0x25: {  	_ =	swait.ge [sflag:s20], $0x100  }
0x26: {  	[sflag:s20] =	ssyncset.done $0x0  }
0x27: {  	[sflag:s20] =	ssyncadd.s32 $0xFFFFFF00  }
0x28: {  	[tilespmem:s22], [sflag:$0x4] =	stream.indirect.gather [hbm4b:s5+s21], $0x80, s4, s21, $0xb8;
	[tilespmem:$0x1EB00] =	vst v63  }
0x29: {  	_ =	swait.ge [sflag:s23], $0x100  }
0x2a: {  	[sflag:s23] =	ssyncset.done $0x0  }
0x2b: {  	[sflag:s23] =	ssyncadd.s32 $0xFFFFFF00  }
0x2c: {  	[tilespmem:s24], [sflag:$0x5] =	stream.indirect.gather [hbm4b:s5+s21], $0x80, s18, s21, $0xb8;
	[tilespmem:$0x1EB00] =	vst v63  }
0x2d: {  	_ =	swait.ge [sflag:s25], $0x100  }
0x2e: {  	[sflag:s25] =	ssyncset.done $0x0  }
0x2f: {  	[sflag:s25] =	ssyncadd.s32 $0xFFFFFF00  }
0x30: {  	[tilespmem:s26], [sflag:$0x6] =	stream.indirect.gather [hbm4b:s5+s21], $0x80, s19, s21, $0xb8;
	[tilespmem:$0x1EB00] =	vst v63  }
0x31: {  	_ =	swait.ge [sflag:s28], $0x3800  }
0x32: {  	[sflag:s28] =	ssyncset.done $0x0  }
0x33: {  	[sflag:s28] =	ssyncadd.s32 $0xFFFFC800  }
0x34: {  	[spmem:s3] =	stream.indirect.scatter.add.f32 [tilespmem:s22], [sflag:$0x7], $0x80, s29, s21, $0xb8;
	[tilespmem:$0x1EB00] =	vst v63  }
0x35: {  	_ =	swait.ge [sflag:s17], $0x3800  }
0x36: {  	s11 =	sshrl.u32 s15, $0x3;
	[sflag:s17] =	ssyncset.done $0x0  }
0x37: {  	s9 =	sadd.s32 s2, s11;
	[sflag:s17] =	ssyncadd.s32 $0xFFFFC800  }
0x38: {  	[tilespmem:s4], [sflag:$0x1] =	stream.linear.gather [hbm4b:s9+s4], $0x100, $0x38;
	[tilespmem:$0x1EB00] =	vst v63  }
0x39: {  	_ =	swait.ge [sflag:s20], $0x100  }
0x3a: {  	[sflag:s20] =	ssyncset.done $0x0  }
0x3b: {  	[sflag:s20] =	ssyncadd.s32 $0xFFFFFF00  }
0x3c: {  	[tilespmem:s22], [sflag:$0x4] =	stream.indirect.gather [hbm4b:s5+s21], $0x80, s4, s21, $0xb8;
	[tilespmem:$0x1EB00] =	vst v63  }
0x3d: {  	_ =	swait.ge [sflag:s30], $0x3800  }
0x3e: {  	[sflag:s30] =	ssyncset.done $0x0  }
0x3f: {  	[sflag:s30] =	ssyncadd.s32 $0xFFFFC800  }
0x40: {  	[spmem:s3] =	stream.indirect.scatter.add.f32 [tilespmem:s24], [sflag:$0x7], $0x80, s31, s21, $0xb8;
	[tilespmem:$0x1EB00] =	vst v63  }
0x41: {  	_ =	swait.ge [sflag:s17], $0x3800  }
0x42: {  	[sflag:s17] =	ssyncset.done $0x0  }
0x43: {  	s12 =	sadd.s32 $0x0, s14;
	[sflag:s17] =	ssyncadd.s32 $0xFFFFC800  }
0x44: {  	[tilespmem:s18], [sflag:$0x2] =	stream.linear.gather [hbm4b:s12+s4], $0x100, $0x38;
	[tilespmem:$0x1EB00] =	vst v63  }
0x45: {  	_ =	swait.ge [sflag:s23], $0x100  }
0x46: {  	[sflag:s23] =	ssyncset.done $0x0  }
0x47: {  	[sflag:s23] =	ssyncadd.s32 $0xFFFFFF00  }
0x48: {  	[tilespmem:s24], [sflag:$0x5] =	stream.indirect.gather [hbm4b:s5+s21], $0x80, s18, s21, $0xb8;
	[tilespmem:$0x1EB00] =	vst v63  }
0x49: {  	_ =	swait.ge [sflag:s0], $0x3800  }
0x4a: {  	[sflag:s0] =	ssyncset.done $0x0  }
0x4b: {  	[sflag:s0] =	ssyncadd.s32 $0xFFFFC800  }
0x4c: {  	[spmem:s3] =	stream.indirect.scatter.add.f32 [tilespmem:s26], [sflag:$0x7], $0x80, s1, s21, $0xb8;
	[tilespmem:$0x1EB00] =	vst v63  }
0x4d: {  	_ =	swait.ge [sflag:s17], $0x3800  }
0x4e: {  	s11 =	sadd.s32 $0x0, s13;
	[sflag:s17] =	ssyncset.done $0x0  }
0x4f: {  	s10 =	sadd.s32 $0x300, s15;
	s9 =	simm.s32 $0x60;
	[sflag:s17] =	ssyncadd.s32 $0xFFFFC800  }
.LBB2_2:
0x50: {  	[tilespmem:s19], [sflag:$0x3] =	stream.linear.gather [hbm4b:s11+s4], $0x100, $0x38;
	[tilespmem:$0x1EB00] =	vst v63  }
0x51: {  	s11 =	smov.u32 s9  }
0x52: {  	p0 =	sne.s32 s9, $0xA80;
	s9 =	sadd.s32 $0x60, s9;
	_ =	swait.ge [sflag:s25], $0x100  }
0x53: {  	[sflag:s25] =	ssyncset.done $0x0  }
0x54: {  	[sflag:s25] =	ssyncadd.s32 $0xFFFFFF00  }
0x55: {  	[tilespmem:s26], [sflag:$0x6] =	stream.indirect.gather [hbm4b:s5+s21], $0x80, s19, s21, $0xb8;
	[tilespmem:$0x1EB00] =	vst v63  }
0x56: {  	_ =	swait.ge [sflag:s28], $0x3800  }
0x57: {  	[sflag:s28] =	ssyncset.done $0x0  }
0x58: {  	[sflag:s28] =	ssyncadd.s32 $0xFFFFC800  }
0x59: {  	[spmem:s3] =	stream.indirect.scatter.add.f32 [tilespmem:s22], [sflag:$0x7], $0x80, s29, s21, $0xb8;
	[tilespmem:$0x1EB00] =	vst v63  }
0x5a: {  	_ =	swait.ge [sflag:s17], $0x3800  }
0x5b: {  	s12 =	sshrl.u32 s10, $0x3;
	[sflag:s17] =	ssyncset.done $0x0  }
0x5c: {  	s12 =	sadd.s32 s2, s12;
	[sflag:s17] =	ssyncadd.s32 $0xFFFFC800  }
0x5d: {  	[tilespmem:s4], [sflag:$0x1] =	stream.linear.gather [hbm4b:s12+s4], $0x100, $0x38;
	[tilespmem:$0x1EB00] =	vst v63  }
0x5e: {  	_ =	swait.ge [sflag:s20], $0x100  }
0x5f: {  	[sflag:s20] =	ssyncset.done $0x0  }
0x60: {  	[sflag:s20] =	ssyncadd.s32 $0xFFFFFF00  }
0x61: {  	[tilespmem:s22], [sflag:$0x4] =	stream.indirect.gather [hbm4b:s5+s21], $0x80, s4, s21, $0xb8;
	[tilespmem:$0x1EB00] =	vst v63  }
0x62: {  	_ =	swait.ge [sflag:s30], $0x3800  }
0x63: {  	[sflag:s30] =	ssyncset.done $0x0  }
0x64: {  	[sflag:s30] =	ssyncadd.s32 $0xFFFFC800  }
0x65: {  	[spmem:s3] =	stream.indirect.scatter.add.f32 [tilespmem:s24], [sflag:$0x7], $0x80, s31, s21, $0xb8;
	[tilespmem:$0x1EB00] =	vst v63  }
0x66: {  	_ =	swait.ge [sflag:s17], $0x3800  }
0x67: {  	[sflag:s17] =	ssyncset.done $0x0  }
0x68: {  	s12 =	sadd.s32 s11, s14;
	[sflag:s17] =	ssyncadd.s32 $0xFFFFC800  }
0x69: {  	[tilespmem:s18], [sflag:$0x2] =	stream.linear.gather [hbm4b:s12+s4], $0x100, $0x38;
	[tilespmem:$0x1EB00] =	vst v63  }
0x6a: {  	_ =	swait.ge [sflag:s23], $0x100  }
0x6b: {  	[sflag:s23] =	ssyncset.done $0x0  }
0x6c: {  	[sflag:s23] =	ssyncadd.s32 $0xFFFFFF00  }
0x6d: {  	[tilespmem:s24], [sflag:$0x5] =	stream.indirect.gather [hbm4b:s5+s21], $0x80, s18, s21, $0xb8;
	[tilespmem:$0x1EB00] =	vst v63  }
0x6e: {  	_ =	swait.ge [sflag:s0], $0x3800  }
0x6f: {  	[sflag:s0] =	ssyncset.done $0x0  }
.Ltmp0:
0x70: {  	[sflag:s0] =	ssyncadd.s32 $0xFFFFC800;
	(pc) =	sbr.rel @p0 .LBB2_2-.Ltmp0, $4  }
0x71: {  	[spmem:s3] =	stream.indirect.scatter.add.f32 [tilespmem:s26], [sflag:$0x7], $0x80, s1, s21, $0xb8;
	[tilespmem:$0x1EB00] =	vst v63  }
0x72: {  	_ =	swait.ge [sflag:s17], $0x3800  }
0x73: {  	[sflag:s17] =	ssyncset.done $0x0  }
0x74: {  	s10 =	sadd.s32 $0x300, s10;
	s11 =	sadd.s32 s11, s13;
	[sflag:s17] =	ssyncadd.s32 $0xFFFFC800  }
0x75: {  	[tilespmem:s19], [sflag:$0x3] =	stream.linear.gather [hbm4b:s11+s4], $0x100, $0x38;
	[tilespmem:$0x1EB00] =	vst v63  }
0x76: {  	_ =	swait.ge [sflag:s25], $0x100  }
0x77: {  	[sflag:s25] =	ssyncset.done $0x0  }
0x78: {  	[sflag:s25] =	ssyncadd.s32 $0xFFFFFF00  }
0x79: {  	[tilespmem:s26], [sflag:$0x6] =	stream.indirect.gather [hbm4b:s5+s21], $0x80, s19, s21, $0xb8;
	[tilespmem:$0x1EB00] =	vst v63  }
0x7a: {  	_ =	swait.ge [sflag:s28], $0x3800  }
0x7b: {  	[sflag:s28] =	ssyncset.done $0x0  }
0x7c: {  	[sflag:s28] =	ssyncadd.s32 $0xFFFFC800  }
0x7d: {  	[spmem:s3] =	stream.indirect.scatter.add.f32 [tilespmem:s22], [sflag:$0x7], $0x80, s29, s21, $0xb8;
	[tilespmem:$0x1EB00] =	vst v63  }
0x7e: {  	_ =	swait.ge [sflag:s17], $0x3800  }
0x7f: {  	[sflag:s17] =	ssyncset.done $0x0  }
0x80: {  	[sflag:s17] =	ssyncadd.s32 $0xFFFFC800  }
0x81: {  	_ =	swait.ge [sflag:s30], $0x3800  }
0x82: {  	[sflag:s30] =	ssyncset.done $0x0  }
0x83: {  	[sflag:s30] =	ssyncadd.s32 $0xFFFFC800  }
0x84: {  	[spmem:s3] =	stream.indirect.scatter.add.f32 [tilespmem:s24], [sflag:$0x7], $0x80, s31, s21, $0xb8;
	[tilespmem:$0x1EB00] =	vst v63  }
0x85: {  	_ =	swait.ge [sflag:s17], $0x3800  }
0x86: {  	[sflag:s17] =	ssyncset.done $0x0  }
0x87: {  	[sflag:s17] =	ssyncadd.s32 $0xFFFFC800  }
0x88: {  	_ =	swait.ge [sflag:s0], $0x3800  }
0x89: {  	[sflag:s0] =	ssyncset.done $0x0  }
0x8a: {  	[sflag:s0] =	ssyncadd.s32 $0xFFFFC800  }
0x8b: {  	[spmem:s3] =	stream.indirect.scatter.add.f32 [tilespmem:s26], [sflag:$0x7], $0x80, s1, s21, $0xb8;
	[tilespmem:$0x1EB00] =	vst v63  }
0x8c: {  	_ =	swait.ge [sflag:s17], $0x3800  }
0x8d: {  	[sflag:s17] =	ssyncset.done $0x0  }
0x8e: {  	[sflag:s17] =	ssyncadd.s32 $0xFFFFC800  }
0x8f: {  	[bflag:$0x0] =	sbarrier.arrive $0xFFFF  }
0x90: {  	s9 =	rddreg [dreg:$0x7]  }
0x91: {  	[hbm:s9], [sflag:s7] =	dma.local [spmem:s16], $0x2800  }
0x92: {  	_ =	swait.ge [sflag:s17], $0x2800  }
0x93: {  	s6 =	sadd.s32 $0x1, s6;
	s12 =	rddreg [dreg:$0x8]  }
0x94: {  	p0 =	sne.s32 s6, s12  }
.Ltmp1:
0x95: {  	_ = 	snop;
	(pc) =	sbr.rel @p0 .LBB2_1-.Ltmp1, $3  }
0x96: {  	_ =	sdelay $0x1  }
0x97: {  	[sflag:s17] =	ssyncset.done $0x0  }
0x98: {  	[sflag:s17] =	ssyncadd.s32 $0xFFFFD800  }
0x99: {  	_ =	sfence.sel $0x180000  }
0x9a: {  	[bflag:$0x0] =	sbarrier.arrive $0xFFFF  }
0x9b: {  	_ =	strace $0x9000004A  }
0x9c: {  	s0 =	stileid.u32;
	[bflag:$0x2] =	sbarrier.arrive $0xFFFF  }
0x9d: {  	p0 =	sne.s32 s0, $0x0;
	s0 =	rddreg [dreg:$0x3]  }
0x9e: {  	s0 =	sadd.s32 @!p0 $0x100000, s0  }
0x9f: {  	[sflag:s0] =	ssyncadd.tile.s32 @!p0 $0x1;
	_ =	shalt  }
.Lfunc_end2:
_tile_overlayer_lowered:
.L_overlay_start_2:
0xa0: {  	(tag) =	ssettag $0x2  }
0xa1: {  	s0 =	rddreg [dreg:$0x0];
	s2 =	stileid.u32  }
0xa2: {  	s1 =	rddreg [dreg:$0x1];
	p0 =	sne.s32 s2, $0x0  }
0xa3: {  	s3 =	rddreg [dreg:$0x2];
	[bflag:$0x3] =	sbarrier.arrive $0xFFFF;
	s2 =	simm.s32 @!p0 $0x1C07  }
0xa4: {  	[timem:s3], [sflag:s2] =	dma.local @!p0 [hbm:s0], s1  }
0xa5: {  	s0 =	simm.s32 @!p0 $0x7  }
0xa6: {  	_ =	swait.ge @!p0 [sflag:s0], s1  }
0xa7: {  	s1 =	ssub.s32 @!p0 $0x0, s1;
	[sflag:s0] =	ssyncset.done @!p0 $0x0  }
0xa8: {  	[sflag:s0] =	ssyncadd.s32 @!p0 s1  }
0xa9: {  	[bflag:$0x3] =	sbarrier.arrive $0xFFFF  }
0xaa: {  	_ =	shalt  }

// kernel: kernel.19.cloned.1.call-start
scs
__scs_entry_jumppad:
0x0: {  	(pc) =	sbr.rel $0x88, $3  }
0x1: {  	(tag) =	ssettag $0x0;
	lr =	simm.s32 $0x1  }
0x2: {  	[smem:$0x3F8F] =	sst lr;
	_ =	strace $0xD0000000  }
0x3: {  	_ = 	snop  }
0x4: {  	_ = 	snop  }
0x5: {  	_ = 	snop  }
0x6: {  	_ = 	snop  }
0x7: {  	_ = 	snop  }
__scs_overlays_trampoline_lowered:
0x8: {  	[smem:$0x3F9E] =	sst s0  }
0x9: {  	[smem:$0x3F9F] =	sst s1  }
0xa: {  	[smem:$0x3FA0] =	sst s2  }
0xb: {  	[smem:$0x3FA1] =	sst s3  }
0xc: {  	[smem:$0x3FA2] =	sst s4  }
0xd: {  	[smem:$0x3FA3] =	sst s5  }
0xe: {  	[smem:$0x3FA4] =	sst s6  }
0xf: {  	[smem:$0x3FA5] =	sst s7  }
0x10: {  	[smem:$0x3FA6] =	sst s8  }
0x11: {  	[smem:$0x3FA7] =	sst s9;
	s0 =	simm.s32 @!p0 $0x0  }
0x12: {  	s1 =	sld [smem:$0x3F8D];
	s0 =	simm.s32 @p0 $0x1  }
0x13: {  	[smem:$0x3FA8] =	sst s0;
	s0 =	simm.s32 @!p1 $0x0  }
0x14: {  	s2 =	sld [smem:$0x3F8C];
	s0 =	simm.s32 @p1 $0x1  }
0x15: {  	[smem:$0x3FA9] =	sst s0;
	s0 =	simm.s32 @!p2 $0x0  }
0x16: {  	s3 =	sld [smem:$0x3FDB];
	s0 =	simm.s32 @p2 $0x1  }
0x17: {  	s4 =	simm.s32 $0x1BF5;
	[smem:$0x3FAB] =	sst s0  }
0x18: {  	s0 =	sld [smem:$0x3F8E];
	_ =	swait.ge [sflag:s4], $0x0  }
0x19: {  	s7 =	sld [smem:$0x3F8F]  }
0x1a: {  	s8 =	sadd.s32 $0xFFFFE003, lr  }
0x1b: {  	s9 =	sadd.s32 $0xFFFFFEF7, lr;
	s5 =	simm.s32 $0xFFFFFFFF;
	p2 =	slt.u32 s8, $0xFFFFF086  }
0x1c: {  	p1 =	slt.u32 s9, $0xF7A;
	s5 =	simm.s32 @!p2 $0x0  }
0x1d: {  	s5 =	simm.s32 @p1 $0x1;
	p0 =	seq.s32 s7, s2  }
0x1e: {  	s7 =	smul.u32 @!p0 $0xF7A, s2;
	p2 =	seq.s32 @!p0 s5, $0x0  }
0x1f: {  	s9 =	smul.u32 $0xF7A, s1;
	s8 =	simm.s32 @!p0 $0x1BF5;
	p2 =	por !p2, p0  }
0x20: {  	[sflag:s8] =	ssyncset.s32 @!p0 $0xFFFFF086;
	s6 =	sadd.s32 @!p0 s3, s7;
	s7 =	simm.s32 @!p0 $0x108  }
0x21: {  	s3 =	sadd.s32 s3, s9;
	s6 =	sadd.s32 @!p0 $0x88, s6;
	s7 =	simm.s32 @p2 $0x1082  }
0x22: {  	[simem:s7], [sflag:s8] =	dma.local @!p0 [hbm:s6], $0xF7A  }
0x23: {  	s9 =	sor.u32 $0xD0000000, s2;
	s6 =	simm.s32 $0x108;
	_ =	swait.ge @!p0 [sflag:s8], $0x0  }
0x24: {  	s3 =	sadd.s32 $0x88, s3;
	s6 =	simm.s32 @!p1 $0x1082;
	[sflag:s4] =	ssyncset.s32 $0xFFFFF086  }
0x25: {  	[simem:s6], [sflag:s4] =	dma.local [hbm:s3], $0xF7A  }
0x26: {  	[smem:$0x3F8F] =	sst s1;
	(tag) =	ssettag s2;
	_ =	strace s9  }
0x27: {  	s1 =	sld [smem:$0x3F9F]  }
0x28: {  	s2 =	sld [smem:$0x3FA0]  }
0x29: {  	s4 =	sld [smem:$0x3FA2]  }
0x2a: {  	p0 =	seq.s32 s5, $0x0;
	s5 =	sld [smem:$0x3FA3]  }
0x2b: {  	s6 =	sld [smem:$0x3FA4]  }
0x2c: {  	s7 =	sld [smem:$0x3FA5]  }
0x2d: {  	s3 =	simm.s32 $0x108;
	s8 =	sld [smem:$0x3FA6]  }
0x2e: {  	s3 =	simm.s32 @!p0 $0x1082;
	s9 =	sld [smem:$0x3FA7]  }
0x2f: {  	lr =	sadd.s32 s0, s3;
	s0 =	sld [smem:$0x3F9E]  }
0x30: {  	s3 =	sld [smem:$0x3FA1]  }
0x31: {  	[smem:$0x3FAA] =	sst s10  }
0x32: {  	s10 =	sld [smem:$0x3FA8];
	_ =	sdelay $0x3  }
0x33: {  	p0 =	seq.s32 s10, $0x1;
	s10 =	sld [smem:$0x3FAA];
	_ =	sdelay $0x3  }
0x34: {  	[smem:$0x3FAA] =	sst s10  }
0x35: {  	s10 =	sld [smem:$0x3FA9];
	_ =	sdelay $0x3  }
0x36: {  	p1 =	seq.s32 s10, $0x1;
	s10 =	sld [smem:$0x3FAA];
	_ =	sdelay $0x3  }
0x37: {  	[smem:$0x3FAA] =	sst s10  }
0x38: {  	s10 =	sld [smem:$0x3FAB]  }
0x39: {  	_ = 	snop;
	(pc) =	sbr.ind lr, $3  }
0x3a: {  	_ = 	snop  }
0x3b: {  	_ = 	snop  }
0x3c: {  	p2 =	seq.s32 s10, $0x1;
	s10 =	sld [smem:$0x3FAA]  }
0x3d: {  	_ =	shalt  }
0x3e: {  	_ =	shalt  }
0x3f: {  	_ =	shalt  }
0x40: {  	_ =	shalt  }
0x41: {  	_ =	shalt  }
0x42: {  	_ =	shalt  }
0x43: {  	_ =	shalt  }
0x44: {  	_ =	shalt  }
0x45: {  	_ =	shalt  }
0x46: {  	_ =	shalt  }
0x47: {  	_ =	shalt  }
0x48: {  	_ =	shalt  }
0x49: {  	_ =	shalt  }
0x4a: {  	_ =	shalt  }
0x4b: {  	_ =	shalt  }
0x4c: {  	_ =	shalt  }
0x4d: {  	_ =	shalt  }
0x4e: {  	_ =	shalt  }
0x4f: {  	_ =	shalt  }
0x50: {  	_ =	shalt  }
0x51: {  	_ =	shalt  }
0x52: {  	_ =	shalt  }
0x53: {  	_ =	shalt  }
0x54: {  	_ =	shalt  }
0x55: {  	_ =	shalt  }
0x56: {  	_ =	shalt  }
0x57: {  	_ =	shalt  }
0x58: {  	_ =	shalt  }
0x59: {  	_ =	shalt  }
0x5a: {  	_ =	shalt  }
0x5b: {  	_ =	shalt  }
0x5c: {  	_ =	shalt  }
0x5d: {  	_ =	shalt  }
0x5e: {  	_ =	shalt  }
0x5f: {  	_ =	shalt  }
0x60: {  	_ =	shalt  }
0x61: {  	_ =	shalt  }
0x62: {  	_ =	shalt  }
0x63: {  	_ =	shalt  }
0x64: {  	_ =	shalt  }
0x65: {  	_ =	shalt  }
0x66: {  	_ =	shalt  }
0x67: {  	_ =	shalt  }
0x68: {  	_ =	shalt  }
0x69: {  	_ =	shalt  }
0x6a: {  	_ =	shalt  }
0x6b: {  	_ =	shalt  }
0x6c: {  	_ =	shalt  }
0x6d: {  	_ =	shalt  }
0x6e: {  	_ =	shalt  }
0x6f: {  	_ =	shalt  }
0x70: {  	_ =	shalt  }
0x71: {  	_ =	shalt  }
0x72: {  	_ =	shalt  }
0x73: {  	_ =	shalt  }
0x74: {  	_ =	shalt  }
0x75: {  	_ =	shalt  }
0x76: {  	_ =	shalt  }
0x77: {  	_ =	shalt  }
0x78: {  	_ =	shalt  }
0x79: {  	_ =	shalt  }
0x7a: {  	_ =	shalt  }
0x7b: {  	_ =	shalt  }
0x7c: {  	_ =	shalt  }
0x7d: {  	_ =	shalt  }
0x7e: {  	_ =	shalt  }
0x7f: {  	_ =	shalt  }
0x80: {  	_ =	shalt  }
0x81: {  	_ =	shalt  }
0x82: {  	_ =	shalt  }
0x83: {  	_ =	shalt  }
0x84: {  	_ =	shalt  }
0x85: {  	_ =	shalt  }
0x86: {  	_ =	shalt  }
0x87: {  	_ =	shalt  }
.Lfunc_end0:
.L_simem_size_0:
called_computation.2_lowered:
.L_overlay_start_0:
0x88: {  	s2 =	sld [smem:$0x3FD9]  }
0x89: {  	s3 =	sld [smem:$0x3FFE];
	_ =	sdelay $0x1  }
0x8a: {  	s1 =	srdreg.scid  }
0x8b: {  	s0 =	sand.u32 $0x1, s1  }
0x8c: {  	s17 =	sshll.u32 s0, $0xA;
	s2 =	sadd.s32 s3, s2  }
0x8d: {  	s2 =	sadd.s32 s2, s17  }
0x8e: {  	[smem:$0x3FB6] =	sst s2  }
0x8f: {  	_ = 	snop  }
0x90: {  	s2 =	sld [smem:$0x3FD0];
	(tm) =	ssettm $0x1  }
0x91: {  	s18 =	sld [smem:$0x3FFB];
	_ =	sdelay $0x3  }
0x92: {  	_ =	strace s18  }
0x93: {  	s3 =	sld [smem:$0x3FFC];
	_ =	sdelay $0x3  }
0x94: {  	_ =	strace s3  }
0x95: {  	s3 =	sld [smem:$0x3FFD];
	_ =	sdelay $0x3  }
0x96: {  	_ =	strace s3  }
0x97: {  	_ =	strace $0x8FFFFFFF  }
0x98: {  	s19 =	sld [smem:$0x3FDB];
	_ =	sdelay $0x1  }
0x99: {  	s4 =	simm.s32 $_scs_section_size  }
0x9a: {  	s5 =	simm.s32 $_size__tile_overlayer_lowered;
	s6 =	simm.s32 $_tile_overlayer_lowered  }
0x9b: {  	s22 =	simm.s32 $0x1BFF;
	s21 =	sshll.u32 s6, $0x1;
	s3 =	sadd.s32 s4, s19  }
0x9c: {  	s7 =	simm.s32 $0x0;
	s20 =	sshll.u32 s5, $0x1;
	s5 =	sadd.s32 s21, s3  }
0x9d: {  	[timem:s7], [sflag:s22] =	dma.local [hbm:s5], s20  }
0x9e: {  	_ =	swait.ge [sflag:s22], s20  }
0x9f: {  	s4 =	ssub.s32 $0x0, s20;
	[sflag:s22] =	ssyncset.done $0x0  }
0xa0: {  	[sflag:s22] =	ssyncadd.s32 s4;
	_ =	sdelay $0x1  }
0xa1: {  	s23 =	simm.s32 $0x1B8B  }
0xa2: {  	_ =	swait.ge [sflag:s23], $0x1  }
0xa3: {  	[sflag:s23] =	ssyncset.done $0x0  }
0xa4: {  	s25 =	simm.s32 $0x1B8E;
	s24 =	sld [smem:$0x3FFE];
	[sflag:s23] =	ssyncadd.s32 $0xFFFFFFFF  }
0xa5: {  	s26 =	simm.s32 $execute0_lowered;
	[smem:$0x3FD2] =	sst s25  }
0xa6: {  	s5 =	sshll.u32 s26, $0x1;
	_ =	strace $0x8000004C;
	[dreg:$0x1] =	wrdreg $0xFFFFFFFF  }
0xa7: {  	s28 =	simm.s32 $_size_execute0_lowered;
	s3 =	sadd.s32 s3, s5;
	[dreg:$0x0] =	wrdreg $0x0  }
0xa8: {  	s5 =	sshll.u32 s28, $0x1;
	[dreg:$0x2] =	wrdreg s3  }
0xa9: {  	[dreg:$0x3] =	wrdreg s5  }
0xaa: {  	[dreg:$0x4] =	wrdreg $0xC0  }
0xab: {  	_ =	task [dreg:s7], $0x5FFFF  }
0xac: {  	[dreg:$0x1] =	wrdreg $0xFFFFFFFF  }
0xad: {  	[dreg:$0x0] =	wrdreg $0x60  }
0xae: {  	[dreg:$0x2] =	wrdreg s24  }
0xaf: {  	[dreg:$0x3] =	wrdreg s2  }
0xb0: {  	[dreg:$0x4] =	wrdreg $0xAB000  }
0xb1: {  	[dreg:$0x5] =	wrdreg $0x9  }
0xb2: {  	_ =	task.clear_ibuf [dreg:s7], $0x6FFFF;
	_ =	strace $0x9000004C  }
0xb3: {  	s29 =	simm.s32 $0x9;
	_ =	strace $0x8000004E  }
0xb4: {  	_ =	swait.ge [sflag:s29], $0x1  }
0xb5: {  	[sflag:s29] =	ssyncadd.s32 $0xFFFFFFFF  }
0xb6: {  	_ =	strace $0x9000004E  }
0xb7: {  	_ =	sfence  }
0xb8: {  	s30 =	sld [smem:$0x0];
	_ =	sdelay $0x2  }
0xb9: {  	s31 =	sshll.u32 s1, $0xD;
	s1 =	sshrl.u32 s1, $0x2  }
0xba: {  	s3 =	sand.u32 $0x4000, s31;
	s1 =	sadd.s32 s1, s30  }
0xbb: {  	s0 =	sor.u32 s3, s0;
	s1 =	sshll.u32 s1, $0x11  }
0xbc: {  	s0 =	sor.u32 s1, s0  }
0xbd: {  	s0 =	sadd.s32 $0x8F2B, s0  }
0xbe: {  	[sflag:s0] =	ssyncadd.remote.s32 $0x1  }
0xbf: {  	_ =	sfence.sel $0xFFFF  }
0xc0: {  	[dreg:$0x0] =	wrdreg $0xFFFFFFFF;
	(pc) =	sbr.abs _section_cstart, $3  }
0xc1: {  	[dreg:$0x1] =	wrdreg $0xFFFFFFFF  }
0xc2: {  	_ =	task.clear_ibuf [dreg:s7], $0x2FFFF;
	_ =	strace $0x9FFFFFFF  }
0xc3: {  	(tm) =	ssettm $0x7FFFFFFF  }
tec
execute0_lowered:
.L_overlay_start_1:
0x0: {  	(tag) =	ssettag $0x1  }
0x1: {  	s0 =	rddreg [dreg:$0x0]  }
0x2: {  	s2 =	rddreg [dreg:$0x1]  }
0x3: {  	s3 =	rddreg [dreg:$0x2]  }
0x4: {  	s12 =	stileid.u32;
	s1 =	srdreg.scid  }
0x5: {  	s4 =	simm.s32 $0x0;
	s17 =	simm.s32 $0x7;
	s18 =	simm.s32 $0x100  }
0x6: {  	s28 =	simm.s32 $0x4;
	s29 =	simm.s32 $0x80;
	s30 =	simm.s32 $0x5  }
0x7: {  	s31 =	simm.s32 $0x180;
	s6 =	smul.u32 $0x14000, s12;
	s1 =	sand.u32 $0x1, s1  }
0x8: {  	[smem:$0x7FF] =	sst s4;
	s5 =	sadd.s32 $0x38400, s0;
	s19 =	smul.u32 $0x50000, s12  }
0x9: {  	s9 =	sshll.u32 s12, $0x1;
	s11 =	smul.u32 $0xB400, s12;
	s22 =	sshll.u32 s12, $0x6  }
0xa: {  	s7 =	smul.u32 $0x140000, s1;
	_ =	strace $0x8000004D;
	s20 =	ssub.s32 $0x2, s1  }
0xb: {  	s9 =	sor.u32 s1, s9;
	s1 =	smul.u32 $0x5A00, s1;
	s8 =	sshrl.u32 s6, $0x3  }
0xc: {  	s10 =	sshrl.u32 s20, $0x1;
	s9 =	smul.u32 $0x5A00, s9;
	s8 =	sadd.s32 s8, s0  }
0xd: {  	s6 =	sadd.s32 s6, s7;
	s7 =	sshrl.u32 s19, $0x2;
	s1 =	sadd.s32 s1, s11  }
0xe: {  	s19 =	simm.s32 $0x200;
	s6 =	sshrl.u32 s6, $0x3;
	s21 =	sadd.s32 s7, s3  }
0xf: {  	s9 =	sshrl.u32 s9, $0x3;
	s8 =	sadd.s32 $0x10400, s8;
	s7 =	sor.u32 $0x1C07, s22  }
0x10: {  	s24 =	sadd.s32 $0x500, s1;
	s25 =	sadd.s32 $0x400, s1;
	s15 =	sadd.s32 $0x300, s1  }
0x11: {  	s22 =	simm.s32 $0x300;
	s1 =	simm.s32 $0x280;
	s0 =	sadd.s32 s6, s0  }
0x12: {  	s6 =	ssub.s32 s20, s10;
	[dreg:$0x4] =	wrdreg s8;
	s8 =	sadd.s32 s2, s9  }
0x13: {  	s26 =	sshrl.u32 s25, $0x3;
	s16 =	sshrl.u32 s21, $0x3;
	s9 =	sadd.s32 $0x20, s8  }
0x14: {  	s20 =	simm.s32 $0x1;
	s23 =	sadd.s32 $0x40, s8;
	[dreg:$0x5] =	wrdreg s9  }
0x15: {  	s21 =	simm.s32 $0x70;
	s0 =	sadd.s32 $0x60400, s0;
	[dreg:$0x6] =	wrdreg s23  }
0x16: {  	s25 =	simm.s32 $0x3;
	s6 =	smax.u32 s6, $0x1;
	[dreg:$0x7] =	wrdreg s0  }
0x17: {  	s14 =	sadd.s32 s26, s2;
	s26 =	simm.s32 $0x7300;
	[dreg:$0x8] =	wrdreg s6  }
0x18: {  	s0 =	sshrl.u32 s24, $0x3;
	s23 =	simm.s32 $0x2;
	s24 =	simm.s32 $0x3B00  }
0x19: {  	s6 =	simm.s32 $0x0;
	s13 =	sadd.s32 s0, s2;
	s0 =	simm.s32 $0x6  }
.LBB2_1:
0x1a: {  	s9 =	rddreg [dreg:$0x4]  }
0x1b: {  	[spmem:s16], [sflag:s7] =	dma.local [hbm:s9], $0x2800  }
0x1c: {  	_ =	swait.ge [sflag:s17], $0x2800  }
0x1d: {  	[sflag:s17] =	ssyncset.done $0x0  }
0x1e: {  	[sflag:s17] =	ssyncadd.s32 $0xFFFFD800  }
0x1f: {  	[bflag:$0x0] =	sbarrier.arrive $0xFFFF  }
0x20: {  	[tilespmem:s4], [sflag:$0x1] =	stream.linear.gather [hbm4b:s8+s4], $0x100, $0x38;
	[tilespmem:$0x1EB00] =	vst v63  }
0x21: {  	s12 =	rddreg [dreg:$0x5]  }
0x22: {  	[tilespmem:s18], [sflag:$0x2] =	stream.linear.gather [hbm4b:s12+s4], $0x100, $0x38;
	[tilespmem:$0x1EB00] =	vst v63  }
0x23: {  	s10 =	rddreg [dreg:$0x6]  }
0x24: {  	[tilespmem:s19], [sflag:$0x3] =	stream.linear.gather [hbm4b:s10+s4], $0x100, $0x38;
	[tilespmem:$0x1EB00] =	vst v63  }
0x25: {  	_ =	swait.ge [sflag:s20], $0x100  }
0x26: {  	[sflag:s20] =	ssyncset.done $0x0  }
0x27: {  	[sflag:s20] =	ssyncadd.s32 $0xFFFFFF00  }
0x28: {  	[tilespmem:s22], [sflag:$0x4] =	stream.indirect.gather [hbm4b:s5+s21], $0x80, s4, s21, $0xb8;
	[tilespmem:$0x1EB00] =	vst v63  }
0x29: {  	_ =	swait.ge [sflag:s23], $0x100  }
0x2a: {  	[sflag:s23] =	ssyncset.done $0x0  }
0x2b: {  	[sflag:s23] =	ssyncadd.s32 $0xFFFFFF00  }
0x2c: {  	[tilespmem:s24], [sflag:$0x5] =	stream.indirect.gather [hbm4b:s5+s21], $0x80, s18, s21, $0xb8;
	[tilespmem:$0x1EB00] =	vst v63  }
0x2d: {  	_ =	swait.ge [sflag:s25], $0x100  }
0x2e: {  	[sflag:s25] =	ssyncset.done $0x0  }
0x2f: {  	[sflag:s25] =	ssyncadd.s32 $0xFFFFFF00  }
0x30: {  	[tilespmem:s26], [sflag:$0x6] =	stream.indirect.gather [hbm4b:s5+s21], $0x80, s19, s21, $0xb8;
	[tilespmem:$0x1EB00] =	vst v63  }
0x31: {  	_ =	swait.ge [sflag:s28], $0x3800  }
0x32: {  	[sflag:s28] =	ssyncset.done $0x0  }
0x33: {  	[sflag:s28] =	ssyncadd.s32 $0xFFFFC800  }
0x34: {  	[spmem:s3] =	stream.indirect.scatter.add.f32 [tilespmem:s22], [sflag:$0x7], $0x80, s29, s21, $0xb8;
	[tilespmem:$0x1EB00] =	vst v63  }
0x35: {  	_ =	swait.ge [sflag:s17], $0x3800  }
0x36: {  	s11 =	sshrl.u32 s15, $0x3;
	[sflag:s17] =	ssyncset.done $0x0  }
0x37: {  	s9 =	sadd.s32 s2, s11;
	[sflag:s17] =	ssyncadd.s32 $0xFFFFC800  }
0x38: {  	[tilespmem:s4], [sflag:$0x1] =	stream.linear.gather [hbm4b:s9+s4], $0x100, $0x38;
	[tilespmem:$0x1EB00] =	vst v63  }
0x39: {  	_ =	swait.ge [sflag:s20], $0x100  }
0x3a: {  	[sflag:s20] =	ssyncset.done $0x0  }
0x3b: {  	[sflag:s20] =	ssyncadd.s32 $0xFFFFFF00  }
0x3c: {  	[tilespmem:s22], [sflag:$0x4] =	stream.indirect.gather [hbm4b:s5+s21], $0x80, s4, s21, $0xb8;
	[tilespmem:$0x1EB00] =	vst v63  }
0x3d: {  	_ =	swait.ge [sflag:s30], $0x3800  }
0x3e: {  	[sflag:s30] =	ssyncset.done $0x0  }
0x3f: {  	[sflag:s30] =	ssyncadd.s32 $0xFFFFC800  }
0x40: {  	[spmem:s3] =	stream.indirect.scatter.add.f32 [tilespmem:s24], [sflag:$0x7], $0x80, s31, s21, $0xb8;
	[tilespmem:$0x1EB00] =	vst v63  }
0x41: {  	_ =	swait.ge [sflag:s17], $0x3800  }
0x42: {  	[sflag:s17] =	ssyncset.done $0x0  }
0x43: {  	s12 =	sadd.s32 $0x0, s14;
	[sflag:s17] =	ssyncadd.s32 $0xFFFFC800  }
0x44: {  	[tilespmem:s18], [sflag:$0x2] =	stream.linear.gather [hbm4b:s12+s4], $0x100, $0x38;
	[tilespmem:$0x1EB00] =	vst v63  }
0x45: {  	_ =	swait.ge [sflag:s23], $0x100  }
0x46: {  	[sflag:s23] =	ssyncset.done $0x0  }
0x47: {  	[sflag:s23] =	ssyncadd.s32 $0xFFFFFF00  }
0x48: {  	[tilespmem:s24], [sflag:$0x5] =	stream.indirect.gather [hbm4b:s5+s21], $0x80, s18, s21, $0xb8;
	[tilespmem:$0x1EB00] =	vst v63  }
0x49: {  	_ =	swait.ge [sflag:s0], $0x3800  }
0x4a: {  	[sflag:s0] =	ssyncset.done $0x0  }
0x4b: {  	[sflag:s0] =	ssyncadd.s32 $0xFFFFC800  }
0x4c: {  	[spmem:s3] =	stream.indirect.scatter.add.f32 [tilespmem:s26], [sflag:$0x7], $0x80, s1, s21, $0xb8;
	[tilespmem:$0x1EB00] =	vst v63  }
0x4d: {  	_ =	swait.ge [sflag:s17], $0x3800  }
0x4e: {  	s11 =	sadd.s32 $0x0, s13;
	[sflag:s17] =	ssyncset.done $0x0  }
0x4f: {  	s10 =	sadd.s32 $0x300, s15;
	s9 =	simm.s32 $0x60;
	[sflag:s17] =	ssyncadd.s32 $0xFFFFC800  }
.LBB2_2:
0x50: {  	[tilespmem:s19], [sflag:$0x3] =	stream.linear.gather [hbm4b:s11+s4], $0x100, $0x38;
	[tilespmem:$0x1EB00] =	vst v63  }
0x51: {  	s11 =	smov.u32 s9  }
0x52: {  	p0 =	sne.s32 s9, $0xA80;
	s9 =	sadd.s32 $0x60, s9;
	_ =	swait.ge [sflag:s25], $0x100  }
0x53: {  	[sflag:s25] =	ssyncset.done $0x0  }
0x54: {  	[sflag:s25] =	ssyncadd.s32 $0xFFFFFF00  }
0x55: {  	[tilespmem:s26], [sflag:$0x6] =	stream.indirect.gather [hbm4b:s5+s21], $0x80, s19, s21, $0xb8;
	[tilespmem:$0x1EB00] =	vst v63  }
0x56: {  	_ =	swait.ge [sflag:s28], $0x3800  }
0x57: {  	[sflag:s28] =	ssyncset.done $0x0  }
0x58: {  	[sflag:s28] =	ssyncadd.s32 $0xFFFFC800  }
0x59: {  	[spmem:s3] =	stream.indirect.scatter.add.f32 [tilespmem:s22], [sflag:$0x7], $0x80, s29, s21, $0xb8;
	[tilespmem:$0x1EB00] =	vst v63  }
0x5a: {  	_ =	swait.ge [sflag:s17], $0x3800  }
0x5b: {  	s12 =	sshrl.u32 s10, $0x3;
	[sflag:s17] =	ssyncset.done $0x0  }
0x5c: {  	s12 =	sadd.s32 s2, s12;
	[sflag:s17] =	ssyncadd.s32 $0xFFFFC800  }
0x5d: {  	[tilespmem:s4], [sflag:$0x1] =	stream.linear.gather [hbm4b:s12+s4], $0x100, $0x38;
	[tilespmem:$0x1EB00] =	vst v63  }
0x5e: {  	_ =	swait.ge [sflag:s20], $0x100  }
0x5f: {  	[sflag:s20] =	ssyncset.done $0x0  }
0x60: {  	[sflag:s20] =	ssyncadd.s32 $0xFFFFFF00  }
0x61: {  	[tilespmem:s22], [sflag:$0x4] =	stream.indirect.gather [hbm4b:s5+s21], $0x80, s4, s21, $0xb8;
	[tilespmem:$0x1EB00] =	vst v63  }
0x62: {  	_ =	swait.ge [sflag:s30], $0x3800  }
0x63: {  	[sflag:s30] =	ssyncset.done $0x0  }
0x64: {  	[sflag:s30] =	ssyncadd.s32 $0xFFFFC800  }
0x65: {  	[spmem:s3] =	stream.indirect.scatter.add.f32 [tilespmem:s24], [sflag:$0x7], $0x80, s31, s21, $0xb8;
	[tilespmem:$0x1EB00] =	vst v63  }
0x66: {  	_ =	swait.ge [sflag:s17], $0x3800  }
0x67: {  	[sflag:s17] =	ssyncset.done $0x0  }
0x68: {  	s12 =	sadd.s32 s11, s14;
	[sflag:s17] =	ssyncadd.s32 $0xFFFFC800  }
0x69: {  	[tilespmem:s18], [sflag:$0x2] =	stream.linear.gather [hbm4b:s12+s4], $0x100, $0x38;
	[tilespmem:$0x1EB00] =	vst v63  }
0x6a: {  	_ =	swait.ge [sflag:s23], $0x100  }
0x6b: {  	[sflag:s23] =	ssyncset.done $0x0  }
0x6c: {  	[sflag:s23] =	ssyncadd.s32 $0xFFFFFF00  }
0x6d: {  	[tilespmem:s24], [sflag:$0x5] =	stream.indirect.gather [hbm4b:s5+s21], $0x80, s18, s21, $0xb8;
	[tilespmem:$0x1EB00] =	vst v63  }
0x6e: {  	_ =	swait.ge [sflag:s0], $0x3800  }
0x6f: {  	[sflag:s0] =	ssyncset.done $0x0  }
.Ltmp0:
0x70: {  	[sflag:s0] =	ssyncadd.s32 $0xFFFFC800;
	(pc) =	sbr.rel @p0 .LBB2_2-.Ltmp0, $4  }
0x71: {  	[spmem:s3] =	stream.indirect.scatter.add.f32 [tilespmem:s26], [sflag:$0x7], $0x80, s1, s21, $0xb8;
	[tilespmem:$0x1EB00] =	vst v63  }
0x72: {  	_ =	swait.ge [sflag:s17], $0x3800  }
0x73: {  	[sflag:s17] =	ssyncset.done $0x0  }
0x74: {  	s10 =	sadd.s32 $0x300, s10;
	s11 =	sadd.s32 s11, s13;
	[sflag:s17] =	ssyncadd.s32 $0xFFFFC800  }
0x75: {  	[tilespmem:s19], [sflag:$0x3] =	stream.linear.gather [hbm4b:s11+s4], $0x100, $0x38;
	[tilespmem:$0x1EB00] =	vst v63  }
0x76: {  	_ =	swait.ge [sflag:s25], $0x100  }
0x77: {  	[sflag:s25] =	ssyncset.done $0x0  }
0x78: {  	[sflag:s25] =	ssyncadd.s32 $0xFFFFFF00  }
0x79: {  	[tilespmem:s26], [sflag:$0x6] =	stream.indirect.gather [hbm4b:s5+s21], $0x80, s19, s21, $0xb8;
	[tilespmem:$0x1EB00] =	vst v63  }
0x7a: {  	_ =	swait.ge [sflag:s28], $0x3800  }
0x7b: {  	[sflag:s28] =	ssyncset.done $0x0  }
0x7c: {  	[sflag:s28] =	ssyncadd.s32 $0xFFFFC800  }
0x7d: {  	[spmem:s3] =	stream.indirect.scatter.add.f32 [tilespmem:s22], [sflag:$0x7], $0x80, s29, s21, $0xb8;
	[tilespmem:$0x1EB00] =	vst v63  }
0x7e: {  	_ =	swait.ge [sflag:s17], $0x3800  }
0x7f: {  	[sflag:s17] =	ssyncset.done $0x0  }
0x80: {  	[sflag:s17] =	ssyncadd.s32 $0xFFFFC800  }
0x81: {  	_ =	swait.ge [sflag:s30], $0x3800  }
0x82: {  	[sflag:s30] =	ssyncset.done $0x0  }
0x83: {  	[sflag:s30] =	ssyncadd.s32 $0xFFFFC800  }
0x84: {  	[spmem:s3] =	stream.indirect.scatter.add.f32 [tilespmem:s24], [sflag:$0x7], $0x80, s31, s21, $0xb8;
	[tilespmem:$0x1EB00] =	vst v63  }
0x85: {  	_ =	swait.ge [sflag:s17], $0x3800  }
0x86: {  	[sflag:s17] =	ssyncset.done $0x0  }
0x87: {  	[sflag:s17] =	ssyncadd.s32 $0xFFFFC800  }
0x88: {  	_ =	swait.ge [sflag:s0], $0x3800  }
0x89: {  	[sflag:s0] =	ssyncset.done $0x0  }
0x8a: {  	[sflag:s0] =	ssyncadd.s32 $0xFFFFC800  }
0x8b: {  	[spmem:s3] =	stream.indirect.scatter.add.f32 [tilespmem:s26], [sflag:$0x7], $0x80, s1, s21, $0xb8;
	[tilespmem:$0x1EB00] =	vst v63  }
0x8c: {  	_ =	swait.ge [sflag:s17], $0x3800  }
0x8d: {  	[sflag:s17] =	ssyncset.done $0x0  }
0x8e: {  	[sflag:s17] =	ssyncadd.s32 $0xFFFFC800  }
0x8f: {  	[bflag:$0x0] =	sbarrier.arrive $0xFFFF  }
0x90: {  	s9 =	rddreg [dreg:$0x7]  }
0x91: {  	[hbm:s9], [sflag:s7] =	dma.local [spmem:s16], $0x2800  }
0x92: {  	_ =	swait.ge [sflag:s17], $0x2800  }
0x93: {  	s6 =	sadd.s32 $0x1, s6;
	s12 =	rddreg [dreg:$0x8]  }
0x94: {  	p0 =	sne.s32 s6, s12  }
.Ltmp1:
0x95: {  	_ = 	snop;
	(pc) =	sbr.rel @p0 .LBB2_1-.Ltmp1, $3  }
0x96: {  	_ =	sdelay $0x1  }
0x97: {  	[sflag:s17] =	ssyncset.done $0x0  }
0x98: {  	[sflag:s17] =	ssyncadd.s32 $0xFFFFD800  }
0x99: {  	_ =	sfence.sel $0x180000  }
0x9a: {  	[bflag:$0x0] =	sbarrier.arrive $0xFFFF  }
0x9b: {  	_ =	strace $0x9000004D  }
0x9c: {  	s0 =	stileid.u32;
	[bflag:$0x2] =	sbarrier.arrive $0xFFFF  }
0x9d: {  	p0 =	sne.s32 s0, $0x0;
	s0 =	rddreg [dreg:$0x3]  }
0x9e: {  	s0 =	sadd.s32 @!p0 $0x100000, s0  }
0x9f: {  	[sflag:s0] =	ssyncadd.tile.s32 @!p0 $0x1;
	_ =	shalt  }
.Lfunc_end2:
_tile_overlayer_lowered:
.L_overlay_start_2:
0xa0: {  	(tag) =	ssettag $0x2  }
0xa1: {  	s0 =	rddreg [dreg:$0x0];
	s2 =	stileid.u32  }
0xa2: {  	s1 =	rddreg [dreg:$0x1];
	p0 =	sne.s32 s2, $0x0  }
0xa3: {  	s3 =	rddreg [dreg:$0x2];
	[bflag:$0x3] =	sbarrier.arrive $0xFFFF;
	s2 =	simm.s32 @!p0 $0x1C07  }
0xa4: {  	[timem:s3], [sflag:s2] =	dma.local @!p0 [hbm:s0], s1  }
0xa5: {  	s0 =	simm.s32 @!p0 $0x7  }
0xa6: {  	_ =	swait.ge @!p0 [sflag:s0], s1  }
0xa7: {  	s1 =	ssub.s32 @!p0 $0x0, s1;
	[sflag:s0] =	ssyncset.done @!p0 $0x0  }
0xa8: {  	[sflag:s0] =	ssyncadd.s32 @!p0 s1  }
0xa9: {  	[bflag:$0x3] =	sbarrier.arrive $0xFFFF  }
0xaa: {  	_ =	shalt  }

// kernel: kernel.22.cloned.1.call-start
scs
__scs_entry_jumppad:
0x0: {  	(pc) =	sbr.rel $0x88, $3  }
0x1: {  	(tag) =	ssettag $0x0;
	lr =	simm.s32 $0x1  }
0x2: {  	[smem:$0x3F8F] =	sst lr;
	_ =	strace $0xD0000000  }
0x3: {  	_ = 	snop  }
0x4: {  	_ = 	snop  }
0x5: {  	_ = 	snop  }
0x6: {  	_ = 	snop  }
0x7: {  	_ = 	snop  }
__scs_overlays_trampoline_lowered:
0x8: {  	[smem:$0x3F9E] =	sst s0  }
0x9: {  	[smem:$0x3F9F] =	sst s1  }
0xa: {  	[smem:$0x3FA0] =	sst s2  }
0xb: {  	[smem:$0x3FA1] =	sst s3  }
0xc: {  	[smem:$0x3FA2] =	sst s4  }
0xd: {  	[smem:$0x3FA3] =	sst s5  }
0xe: {  	[smem:$0x3FA4] =	sst s6  }
0xf: {  	[smem:$0x3FA5] =	sst s7  }
0x10: {  	[smem:$0x3FA6] =	sst s8  }
0x11: {  	[smem:$0x3FA7] =	sst s9;
	s0 =	simm.s32 @!p0 $0x0  }
0x12: {  	s1 =	sld [smem:$0x3F8D];
	s0 =	simm.s32 @p0 $0x1  }
0x13: {  	[smem:$0x3FA8] =	sst s0;
	s0 =	simm.s32 @!p1 $0x0  }
0x14: {  	s2 =	sld [smem:$0x3F8C];
	s0 =	simm.s32 @p1 $0x1  }
0x15: {  	[smem:$0x3FA9] =	sst s0;
	s0 =	simm.s32 @!p2 $0x0  }
0x16: {  	s3 =	sld [smem:$0x3FDB];
	s0 =	simm.s32 @p2 $0x1  }
0x17: {  	s4 =	simm.s32 $0x1BF5;
	[smem:$0x3FAB] =	sst s0  }
0x18: {  	s0 =	sld [smem:$0x3F8E];
	_ =	swait.ge [sflag:s4], $0x0  }
0x19: {  	s7 =	sld [smem:$0x3F8F]  }
0x1a: {  	s8 =	sadd.s32 $0xFFFFE003, lr  }
0x1b: {  	s9 =	sadd.s32 $0xFFFFFEF7, lr;
	s5 =	simm.s32 $0xFFFFFFFF;
	p2 =	slt.u32 s8, $0xFFFFF086  }
0x1c: {  	p1 =	slt.u32 s9, $0xF7A;
	s5 =	simm.s32 @!p2 $0x0  }
0x1d: {  	s5 =	simm.s32 @p1 $0x1;
	p0 =	seq.s32 s7, s2  }
0x1e: {  	s7 =	smul.u32 @!p0 $0xF7A, s2;
	p2 =	seq.s32 @!p0 s5, $0x0  }
0x1f: {  	s9 =	smul.u32 $0xF7A, s1;
	s8 =	simm.s32 @!p0 $0x1BF5;
	p2 =	por !p2, p0  }
0x20: {  	[sflag:s8] =	ssyncset.s32 @!p0 $0xFFFFF086;
	s6 =	sadd.s32 @!p0 s3, s7;
	s7 =	simm.s32 @!p0 $0x108  }
0x21: {  	s3 =	sadd.s32 s3, s9;
	s6 =	sadd.s32 @!p0 $0x88, s6;
	s7 =	simm.s32 @p2 $0x1082  }
0x22: {  	[simem:s7], [sflag:s8] =	dma.local @!p0 [hbm:s6], $0xF7A  }
0x23: {  	s9 =	sor.u32 $0xD0000000, s2;
	s6 =	simm.s32 $0x108;
	_ =	swait.ge @!p0 [sflag:s8], $0x0  }
0x24: {  	s3 =	sadd.s32 $0x88, s3;
	s6 =	simm.s32 @!p1 $0x1082;
	[sflag:s4] =	ssyncset.s32 $0xFFFFF086  }
0x25: {  	[simem:s6], [sflag:s4] =	dma.local [hbm:s3], $0xF7A  }
0x26: {  	[smem:$0x3F8F] =	sst s1;
	(tag) =	ssettag s2;
	_ =	strace s9  }
0x27: {  	s1 =	sld [smem:$0x3F9F]  }
0x28: {  	s2 =	sld [smem:$0x3FA0]  }
0x29: {  	s4 =	sld [smem:$0x3FA2]  }
0x2a: {  	p0 =	seq.s32 s5, $0x0;
	s5 =	sld [smem:$0x3FA3]  }
0x2b: {  	s6 =	sld [smem:$0x3FA4]  }
0x2c: {  	s7 =	sld [smem:$0x3FA5]  }
0x2d: {  	s3 =	simm.s32 $0x108;
	s8 =	sld [smem:$0x3FA6]  }
0x2e: {  	s3 =	simm.s32 @!p0 $0x1082;
	s9 =	sld [smem:$0x3FA7]  }
0x2f: {  	lr =	sadd.s32 s0, s3;
	s0 =	sld [smem:$0x3F9E]  }
0x30: {  	s3 =	sld [smem:$0x3FA1]  }
0x31: {  	[smem:$0x3FAA] =	sst s10  }
0x32: {  	s10 =	sld [smem:$0x3FA8];
	_ =	sdelay $0x3  }
0x33: {  	p0 =	seq.s32 s10, $0x1;
	s10 =	sld [smem:$0x3FAA];
	_ =	sdelay $0x3  }
0x34: {  	[smem:$0x3FAA] =	sst s10  }
0x35: {  	s10 =	sld [smem:$0x3FA9];
	_ =	sdelay $0x3  }
0x36: {  	p1 =	seq.s32 s10, $0x1;
	s10 =	sld [smem:$0x3FAA];
	_ =	sdelay $0x3  }
0x37: {  	[smem:$0x3FAA] =	sst s10  }
0x38: {  	s10 =	sld [smem:$0x3FAB]  }
0x39: {  	_ = 	snop;
	(pc) =	sbr.ind lr, $3  }
0x3a: {  	_ = 	snop  }
0x3b: {  	_ = 	snop  }
0x3c: {  	p2 =	seq.s32 s10, $0x1;
	s10 =	sld [smem:$0x3FAA]  }
0x3d: {  	_ =	shalt  }
0x3e: {  	_ =	shalt  }
0x3f: {  	_ =	shalt  }
0x40: {  	_ =	shalt  }
0x41: {  	_ =	shalt  }
0x42: {  	_ =	shalt  }
0x43: {  	_ =	shalt  }
0x44: {  	_ =	shalt  }
0x45: {  	_ =	shalt  }
0x46: {  	_ =	shalt  }
0x47: {  	_ =	shalt  }
0x48: {  	_ =	shalt  }
0x49: {  	_ =	shalt  }
0x4a: {  	_ =	shalt  }
0x4b: {  	_ =	shalt  }
0x4c: {  	_ =	shalt  }
0x4d: {  	_ =	shalt  }
0x4e: {  	_ =	shalt  }
0x4f: {  	_ =	shalt  }
0x50: {  	_ =	shalt  }
0x51: {  	_ =	shalt  }
0x52: {  	_ =	shalt  }
0x53: {  	_ =	shalt  }
0x54: {  	_ =	shalt  }
0x55: {  	_ =	shalt  }
0x56: {  	_ =	shalt  }
0x57: {  	_ =	shalt  }
0x58: {  	_ =	shalt  }
0x59: {  	_ =	shalt  }
0x5a: {  	_ =	shalt  }
0x5b: {  	_ =	shalt  }
0x5c: {  	_ =	shalt  }
0x5d: {  	_ =	shalt  }
0x5e: {  	_ =	shalt  }
0x5f: {  	_ =	shalt  }
0x60: {  	_ =	shalt  }
0x61: {  	_ =	shalt  }
0x62: {  	_ =	shalt  }
0x63: {  	_ =	shalt  }
0x64: {  	_ =	shalt  }
0x65: {  	_ =	shalt  }
0x66: {  	_ =	shalt  }
0x67: {  	_ =	shalt  }
0x68: {  	_ =	shalt  }
0x69: {  	_ =	shalt  }
0x6a: {  	_ =	shalt  }
0x6b: {  	_ =	shalt  }
0x6c: {  	_ =	shalt  }
0x6d: {  	_ =	shalt  }
0x6e: {  	_ =	shalt  }
0x6f: {  	_ =	shalt  }
0x70: {  	_ =	shalt  }
0x71: {  	_ =	shalt  }
0x72: {  	_ =	shalt  }
0x73: {  	_ =	shalt  }
0x74: {  	_ =	shalt  }
0x75: {  	_ =	shalt  }
0x76: {  	_ =	shalt  }
0x77: {  	_ =	shalt  }
0x78: {  	_ =	shalt  }
0x79: {  	_ =	shalt  }
0x7a: {  	_ =	shalt  }
0x7b: {  	_ =	shalt  }
0x7c: {  	_ =	shalt  }
0x7d: {  	_ =	shalt  }
0x7e: {  	_ =	shalt  }
0x7f: {  	_ =	shalt  }
0x80: {  	_ =	shalt  }
0x81: {  	_ =	shalt  }
0x82: {  	_ =	shalt  }
0x83: {  	_ =	shalt  }
0x84: {  	_ =	shalt  }
0x85: {  	_ =	shalt  }
0x86: {  	_ =	shalt  }
0x87: {  	_ =	shalt  }
.Lfunc_end0:
.L_simem_size_0:
called_computation.3_lowered:
.L_overlay_start_0:
0x88: {  	s2 =	sld [smem:$0x3FD9]  }
0x89: {  	s3 =	sld [smem:$0x3FFE];
	_ =	sdelay $0x1  }
0x8a: {  	s1 =	srdreg.scid  }
0x8b: {  	s0 =	sand.u32 $0x1, s1  }
0x8c: {  	s17 =	sshll.u32 s0, $0xA;
	s2 =	sadd.s32 s3, s2  }
0x8d: {  	s2 =	sadd.s32 s2, s17  }
0x8e: {  	[smem:$0x3FB6] =	sst s2  }
0x8f: {  	_ = 	snop  }
0x90: {  	s2 =	sld [smem:$0x3FD0];
	(tm) =	ssettm $0x1  }
0x91: {  	s18 =	sld [smem:$0x3FFB];
	_ =	sdelay $0x3  }
0x92: {  	_ =	strace s18  }
0x93: {  	s3 =	sld [smem:$0x3FFC];
	_ =	sdelay $0x3  }
0x94: {  	_ =	strace s3  }
0x95: {  	s3 =	sld [smem:$0x3FFD];
	_ =	sdelay $0x3  }
0x96: {  	_ =	strace s3  }
0x97: {  	_ =	strace $0x8FFFFFFF  }
0x98: {  	s19 =	sld [smem:$0x3FDB];
	_ =	sdelay $0x1  }
0x99: {  	s4 =	simm.s32 $_scs_section_size  }
0x9a: {  	s5 =	simm.s32 $_size__tile_overlayer_lowered;
	s6 =	simm.s32 $_tile_overlayer_lowered  }
0x9b: {  	s22 =	simm.s32 $0x1BFF;
	s21 =	sshll.u32 s6, $0x1;
	s3 =	sadd.s32 s4, s19  }
0x9c: {  	s7 =	simm.s32 $0x0;
	s20 =	sshll.u32 s5, $0x1;
	s5 =	sadd.s32 s21, s3  }
0x9d: {  	[timem:s7], [sflag:s22] =	dma.local [hbm:s5], s20  }
0x9e: {  	_ =	swait.ge [sflag:s22], s20  }
0x9f: {  	s4 =	ssub.s32 $0x0, s20;
	[sflag:s22] =	ssyncset.done $0x0  }
0xa0: {  	[sflag:s22] =	ssyncadd.s32 s4;
	_ =	sdelay $0x1  }
0xa1: {  	s23 =	simm.s32 $0x1B8B  }
0xa2: {  	_ =	swait.ge [sflag:s23], $0x1  }
0xa3: {  	[sflag:s23] =	ssyncset.done $0x0  }
0xa4: {  	s25 =	simm.s32 $0x1B8E;
	s24 =	sld [smem:$0x3FFE];
	[sflag:s23] =	ssyncadd.s32 $0xFFFFFFFF  }
0xa5: {  	s26 =	simm.s32 $execute0_lowered;
	[smem:$0x3FD2] =	sst s25  }
0xa6: {  	s5 =	sshll.u32 s26, $0x1;
	_ =	strace $0x8000004F;
	[dreg:$0x1] =	wrdreg $0xFFFFFFFF  }
0xa7: {  	s28 =	simm.s32 $_size_execute0_lowered;
	s3 =	sadd.s32 s3, s5;
	[dreg:$0x0] =	wrdreg $0x0  }
0xa8: {  	s5 =	sshll.u32 s28, $0x1;
	[dreg:$0x2] =	wrdreg s3  }
0xa9: {  	[dreg:$0x3] =	wrdreg s5  }
0xaa: {  	[dreg:$0x4] =	wrdreg $0xC0  }
0xab: {  	_ =	task [dreg:s7], $0x5FFFF  }
0xac: {  	[dreg:$0x1] =	wrdreg $0xFFFFFFFF  }
0xad: {  	[dreg:$0x0] =	wrdreg $0x60  }
0xae: {  	[dreg:$0x2] =	wrdreg s24  }
0xaf: {  	[dreg:$0x3] =	wrdreg s2  }
0xb0: {  	[dreg:$0x4] =	wrdreg $0xAB000  }
0xb1: {  	[dreg:$0x5] =	wrdreg $0x9  }
0xb2: {  	_ =	task.clear_ibuf [dreg:s7], $0x6FFFF;
	_ =	strace $0x9000004F  }
0xb3: {  	s29 =	simm.s32 $0x9;
	_ =	strace $0x80000051  }
0xb4: {  	_ =	swait.ge [sflag:s29], $0x1  }
0xb5: {  	[sflag:s29] =	ssyncadd.s32 $0xFFFFFFFF  }
0xb6: {  	_ =	strace $0x90000051  }
0xb7: {  	_ =	sfence  }
0xb8: {  	s30 =	sld [smem:$0x0];
	_ =	sdelay $0x2  }
0xb9: {  	s31 =	sshll.u32 s1, $0xD;
	s1 =	sshrl.u32 s1, $0x2  }
0xba: {  	s3 =	sand.u32 $0x4000, s31;
	s1 =	sadd.s32 s1, s30  }
0xbb: {  	s0 =	sor.u32 s3, s0;
	s1 =	sshll.u32 s1, $0x11  }
0xbc: {  	s0 =	sor.u32 s1, s0  }
0xbd: {  	s0 =	sadd.s32 $0x8F2B, s0  }
0xbe: {  	[sflag:s0] =	ssyncadd.remote.s32 $0x1  }
0xbf: {  	_ =	sfence.sel $0xFFFF  }
0xc0: {  	[dreg:$0x0] =	wrdreg $0xFFFFFFFF;
	(pc) =	sbr.abs _section_cstart, $3  }
0xc1: {  	[dreg:$0x1] =	wrdreg $0xFFFFFFFF  }
0xc2: {  	_ =	task.clear_ibuf [dreg:s7], $0x2FFFF;
	_ =	strace $0x9FFFFFFF  }
0xc3: {  	(tm) =	ssettm $0x7FFFFFFF  }
tec
execute0_lowered:
.L_overlay_start_1:
0x0: {  	(tag) =	ssettag $0x1  }
0x1: {  	s0 =	rddreg [dreg:$0x0]  }
0x2: {  	s2 =	rddreg [dreg:$0x1]  }
0x3: {  	s3 =	rddreg [dreg:$0x2]  }
0x4: {  	s12 =	stileid.u32;
	s1 =	srdreg.scid  }
0x5: {  	s4 =	simm.s32 $0x0;
	s17 =	simm.s32 $0x7;
	s18 =	simm.s32 $0x100  }
0x6: {  	s28 =	simm.s32 $0x4;
	s29 =	simm.s32 $0x80;
	s30 =	simm.s32 $0x5  }
0x7: {  	s31 =	simm.s32 $0x180;
	s6 =	smul.u32 $0x14000, s12;
	s1 =	sand.u32 $0x1, s1  }
0x8: {  	[smem:$0x7FF] =	sst s4;
	s5 =	sadd.s32 $0x38400, s0;
	s19 =	smul.u32 $0x50000, s12  }
0x9: {  	s9 =	sshll.u32 s12, $0x1;
	s11 =	smul.u32 $0xB400, s12;
	s22 =	sshll.u32 s12, $0x6  }
0xa: {  	s7 =	smul.u32 $0x140000, s1;
	_ =	strace $0x80000050;
	s20 =	ssub.s32 $0x2, s1  }
0xb: {  	s9 =	sor.u32 s1, s9;
	s1 =	smul.u32 $0x5A00, s1;
	s8 =	sshrl.u32 s6, $0x3  }
0xc: {  	s10 =	sshrl.u32 s20, $0x1;
	s9 =	smul.u32 $0x5A00, s9;
	s8 =	sadd.s32 s8, s0  }
0xd: {  	s6 =	sadd.s32 s6, s7;
	s7 =	sshrl.u32 s19, $0x2;
	s1 =	sadd.s32 s1, s11  }
0xe: {  	s19 =	simm.s32 $0x200;
	s6 =	sshrl.u32 s6, $0x3;
	s21 =	sadd.s32 s7, s3  }
0xf: {  	s9 =	sshrl.u32 s9, $0x3;
	s8 =	sadd.s32 $0x10400, s8;
	s7 =	sor.u32 $0x1C07, s22  }
0x10: {  	s24 =	sadd.s32 $0x500, s1;
	s25 =	sadd.s32 $0x400, s1;
	s15 =	sadd.s32 $0x300, s1  }
0x11: {  	s22 =	simm.s32 $0x300;
	s1 =	simm.s32 $0x280;
	s0 =	sadd.s32 s6, s0  }
0x12: {  	s6 =	ssub.s32 s20, s10;
	[dreg:$0x4] =	wrdreg s8;
	s8 =	sadd.s32 s2, s9  }
0x13: {  	s26 =	sshrl.u32 s25, $0x3;
	s16 =	sshrl.u32 s21, $0x3;
	s9 =	sadd.s32 $0x20, s8  }
0x14: {  	s20 =	simm.s32 $0x1;
	s23 =	sadd.s32 $0x40, s8;
	[dreg:$0x5] =	wrdreg s9  }
0x15: {  	s21 =	simm.s32 $0x70;
	s0 =	sadd.s32 $0x60400, s0;
	[dreg:$0x6] =	wrdreg s23  }
0x16: {  	s25 =	simm.s32 $0x3;
	s6 =	smax.u32 s6, $0x1;
	[dreg:$0x7] =	wrdreg s0  }
0x17: {  	s14 =	sadd.s32 s26, s2;
	s26 =	simm.s32 $0x7300;
	[dreg:$0x8] =	wrdreg s6  }
0x18: {  	s0 =	sshrl.u32 s24, $0x3;
	s23 =	simm.s32 $0x2;
	s24 =	simm.s32 $0x3B00  }
0x19: {  	s6 =	simm.s32 $0x0;
	s13 =	sadd.s32 s0, s2;
	s0 =	simm.s32 $0x6  }
.LBB2_1:
0x1a: {  	s9 =	rddreg [dreg:$0x4]  }
0x1b: {  	[spmem:s16], [sflag:s7] =	dma.local [hbm:s9], $0x2800  }
0x1c: {  	_ =	swait.ge [sflag:s17], $0x2800  }
0x1d: {  	[sflag:s17] =	ssyncset.done $0x0  }
0x1e: {  	[sflag:s17] =	ssyncadd.s32 $0xFFFFD800  }
0x1f: {  	[bflag:$0x0] =	sbarrier.arrive $0xFFFF  }
0x20: {  	[tilespmem:s4], [sflag:$0x1] =	stream.linear.gather [hbm4b:s8+s4], $0x100, $0x38;
	[tilespmem:$0x1EB00] =	vst v63  }
0x21: {  	s12 =	rddreg [dreg:$0x5]  }
0x22: {  	[tilespmem:s18], [sflag:$0x2] =	stream.linear.gather [hbm4b:s12+s4], $0x100, $0x38;
	[tilespmem:$0x1EB00] =	vst v63  }
0x23: {  	s10 =	rddreg [dreg:$0x6]  }
0x24: {  	[tilespmem:s19], [sflag:$0x3] =	stream.linear.gather [hbm4b:s10+s4], $0x100, $0x38;
	[tilespmem:$0x1EB00] =	vst v63  }
0x25: {  	_ =	swait.ge [sflag:s20], $0x100  }
0x26: {  	[sflag:s20] =	ssyncset.done $0x0  }
0x27: {  	[sflag:s20] =	ssyncadd.s32 $0xFFFFFF00  }
0x28: {  	[tilespmem:s22], [sflag:$0x4] =	stream.indirect.gather [hbm4b:s5+s21], $0x80, s4, s21, $0xb8;
	[tilespmem:$0x1EB00] =	vst v63  }
0x29: {  	_ =	swait.ge [sflag:s23], $0x100  }
0x2a: {  	[sflag:s23] =	ssyncset.done $0x0  }
0x2b: {  	[sflag:s23] =	ssyncadd.s32 $0xFFFFFF00  }
0x2c: {  	[tilespmem:s24], [sflag:$0x5] =	stream.indirect.gather [hbm4b:s5+s21], $0x80, s18, s21, $0xb8;
	[tilespmem:$0x1EB00] =	vst v63  }
0x2d: {  	_ =	swait.ge [sflag:s25], $0x100  }
0x2e: {  	[sflag:s25] =	ssyncset.done $0x0  }
0x2f: {  	[sflag:s25] =	ssyncadd.s32 $0xFFFFFF00  }
0x30: {  	[tilespmem:s26], [sflag:$0x6] =	stream.indirect.gather [hbm4b:s5+s21], $0x80, s19, s21, $0xb8;
	[tilespmem:$0x1EB00] =	vst v63  }
0x31: {  	_ =	swait.ge [sflag:s28], $0x3800  }
0x32: {  	[sflag:s28] =	ssyncset.done $0x0  }
0x33: {  	[sflag:s28] =	ssyncadd.s32 $0xFFFFC800  }
0x34: {  	[spmem:s3] =	stream.indirect.scatter.add.f32 [tilespmem:s22], [sflag:$0x7], $0x80, s29, s21, $0xb8;
	[tilespmem:$0x1EB00] =	vst v63  }
0x35: {  	_ =	swait.ge [sflag:s17], $0x3800  }
0x36: {  	s11 =	sshrl.u32 s15, $0x3;
	[sflag:s17] =	ssyncset.done $0x0  }
0x37: {  	s9 =	sadd.s32 s2, s11;
	[sflag:s17] =	ssyncadd.s32 $0xFFFFC800  }
0x38: {  	[tilespmem:s4], [sflag:$0x1] =	stream.linear.gather [hbm4b:s9+s4], $0x100, $0x38;
	[tilespmem:$0x1EB00] =	vst v63  }
0x39: {  	_ =	swait.ge [sflag:s20], $0x100  }
0x3a: {  	[sflag:s20] =	ssyncset.done $0x0  }
0x3b: {  	[sflag:s20] =	ssyncadd.s32 $0xFFFFFF00  }
0x3c: {  	[tilespmem:s22], [sflag:$0x4] =	stream.indirect.gather [hbm4b:s5+s21], $0x80, s4, s21, $0xb8;
	[tilespmem:$0x1EB00] =	vst v63  }
0x3d: {  	_ =	swait.ge [sflag:s30], $0x3800  }
0x3e: {  	[sflag:s30] =	ssyncset.done $0x0  }
0x3f: {  	[sflag:s30] =	ssyncadd.s32 $0xFFFFC800  }
0x40: {  	[spmem:s3] =	stream.indirect.scatter.add.f32 [tilespmem:s24], [sflag:$0x7], $0x80, s31, s21, $0xb8;
	[tilespmem:$0x1EB00] =	vst v63  }
0x41: {  	_ =	swait.ge [sflag:s17], $0x3800  }
0x42: {  	[sflag:s17] =	ssyncset.done $0x0  }
0x43: {  	s12 =	sadd.s32 $0x0, s14;
	[sflag:s17] =	ssyncadd.s32 $0xFFFFC800  }
0x44: {  	[tilespmem:s18], [sflag:$0x2] =	stream.linear.gather [hbm4b:s12+s4], $0x100, $0x38;
	[tilespmem:$0x1EB00] =	vst v63  }
0x45: {  	_ =	swait.ge [sflag:s23], $0x100  }
0x46: {  	[sflag:s23] =	ssyncset.done $0x0  }
0x47: {  	[sflag:s23] =	ssyncadd.s32 $0xFFFFFF00  }
0x48: {  	[tilespmem:s24], [sflag:$0x5] =	stream.indirect.gather [hbm4b:s5+s21], $0x80, s18, s21, $0xb8;
	[tilespmem:$0x1EB00] =	vst v63  }
0x49: {  	_ =	swait.ge [sflag:s0], $0x3800  }
0x4a: {  	[sflag:s0] =	ssyncset.done $0x0  }
0x4b: {  	[sflag:s0] =	ssyncadd.s32 $0xFFFFC800  }
0x4c: {  	[spmem:s3] =	stream.indirect.scatter.add.f32 [tilespmem:s26], [sflag:$0x7], $0x80, s1, s21, $0xb8;
	[tilespmem:$0x1EB00] =	vst v63  }
0x4d: {  	_ =	swait.ge [sflag:s17], $0x3800  }
0x4e: {  	s11 =	sadd.s32 $0x0, s13;
	[sflag:s17] =	ssyncset.done $0x0  }
0x4f: {  	s10 =	sadd.s32 $0x300, s15;
	s9 =	simm.s32 $0x60;
	[sflag:s17] =	ssyncadd.s32 $0xFFFFC800  }
.LBB2_2:
0x50: {  	[tilespmem:s19], [sflag:$0x3] =	stream.linear.gather [hbm4b:s11+s4], $0x100, $0x38;
	[tilespmem:$0x1EB00] =	vst v63  }
0x51: {  	s11 =	smov.u32 s9  }
0x52: {  	p0 =	sne.s32 s9, $0xA80;
	s9 =	sadd.s32 $0x60, s9;
	_ =	swait.ge [sflag:s25], $0x100  }
0x53: {  	[sflag:s25] =	ssyncset.done $0x0  }
0x54: {  	[sflag:s25] =	ssyncadd.s32 $0xFFFFFF00  }
0x55: {  	[tilespmem:s26], [sflag:$0x6] =	stream.indirect.gather [hbm4b:s5+s21], $0x80, s19, s21, $0xb8;
	[tilespmem:$0x1EB00] =	vst v63  }
0x56: {  	_ =	swait.ge [sflag:s28], $0x3800  }
0x57: {  	[sflag:s28] =	ssyncset.done $0x0  }
0x58: {  	[sflag:s28] =	ssyncadd.s32 $0xFFFFC800  }
0x59: {  	[spmem:s3] =	stream.indirect.scatter.add.f32 [tilespmem:s22], [sflag:$0x7], $0x80, s29, s21, $0xb8;
	[tilespmem:$0x1EB00] =	vst v63  }
0x5a: {  	_ =	swait.ge [sflag:s17], $0x3800  }
0x5b: {  	s12 =	sshrl.u32 s10, $0x3;
	[sflag:s17] =	ssyncset.done $0x0  }
0x5c: {  	s12 =	sadd.s32 s2, s12;
	[sflag:s17] =	ssyncadd.s32 $0xFFFFC800  }
0x5d: {  	[tilespmem:s4], [sflag:$0x1] =	stream.linear.gather [hbm4b:s12+s4], $0x100, $0x38;
	[tilespmem:$0x1EB00] =	vst v63  }
0x5e: {  	_ =	swait.ge [sflag:s20], $0x100  }
0x5f: {  	[sflag:s20] =	ssyncset.done $0x0  }
0x60: {  	[sflag:s20] =	ssyncadd.s32 $0xFFFFFF00  }
0x61: {  	[tilespmem:s22], [sflag:$0x4] =	stream.indirect.gather [hbm4b:s5+s21], $0x80, s4, s21, $0xb8;
	[tilespmem:$0x1EB00] =	vst v63  }
0x62: {  	_ =	swait.ge [sflag:s30], $0x3800  }
0x63: {  	[sflag:s30] =	ssyncset.done $0x0  }
0x64: {  	[sflag:s30] =	ssyncadd.s32 $0xFFFFC800  }
0x65: {  	[spmem:s3] =	stream.indirect.scatter.add.f32 [tilespmem:s24], [sflag:$0x7], $0x80, s31, s21, $0xb8;
	[tilespmem:$0x1EB00] =	vst v63  }
0x66: {  	_ =	swait.ge [sflag:s17], $0x3800  }
0x67: {  	[sflag:s17] =	ssyncset.done $0x0  }
0x68: {  	s12 =	sadd.s32 s11, s14;
	[sflag:s17] =	ssyncadd.s32 $0xFFFFC800  }
0x69: {  	[tilespmem:s18], [sflag:$0x2] =	stream.linear.gather [hbm4b:s12+s4], $0x100, $0x38;
	[tilespmem:$0x1EB00] =	vst v63  }
0x6a: {  	_ =	swait.ge [sflag:s23], $0x100  }
0x6b: {  	[sflag:s23] =	ssyncset.done $0x0  }
0x6c: {  	[sflag:s23] =	ssyncadd.s32 $0xFFFFFF00  }
0x6d: {  	[tilespmem:s24], [sflag:$0x5] =	stream.indirect.gather [hbm4b:s5+s21], $0x80, s18, s21, $0xb8;
	[tilespmem:$0x1EB00] =	vst v63  }
0x6e: {  	_ =	swait.ge [sflag:s0], $0x3800  }
0x6f: {  	[sflag:s0] =	ssyncset.done $0x0  }
.Ltmp0:
0x70: {  	[sflag:s0] =	ssyncadd.s32 $0xFFFFC800;
	(pc) =	sbr.rel @p0 .LBB2_2-.Ltmp0, $4  }
0x71: {  	[spmem:s3] =	stream.indirect.scatter.add.f32 [tilespmem:s26], [sflag:$0x7], $0x80, s1, s21, $0xb8;
	[tilespmem:$0x1EB00] =	vst v63  }
0x72: {  	_ =	swait.ge [sflag:s17], $0x3800  }
0x73: {  	[sflag:s17] =	ssyncset.done $0x0  }
0x74: {  	s10 =	sadd.s32 $0x300, s10;
	s11 =	sadd.s32 s11, s13;
	[sflag:s17] =	ssyncadd.s32 $0xFFFFC800  }
0x75: {  	[tilespmem:s19], [sflag:$0x3] =	stream.linear.gather [hbm4b:s11+s4], $0x100, $0x38;
	[tilespmem:$0x1EB00] =	vst v63  }
0x76: {  	_ =	swait.ge [sflag:s25], $0x100  }
0x77: {  	[sflag:s25] =	ssyncset.done $0x0  }
0x78: {  	[sflag:s25] =	ssyncadd.s32 $0xFFFFFF00  }
0x79: {  	[tilespmem:s26], [sflag:$0x6] =	stream.indirect.gather [hbm4b:s5+s21], $0x80, s19, s21, $0xb8;
	[tilespmem:$0x1EB00] =	vst v63  }
0x7a: {  	_ =	swait.ge [sflag:s28], $0x3800  }
0x7b: {  	[sflag:s28] =	ssyncset.done $0x0  }
0x7c: {  	[sflag:s28] =	ssyncadd.s32 $0xFFFFC800  }
0x7d: {  	[spmem:s3] =	stream.indirect.scatter.add.f32 [tilespmem:s22], [sflag:$0x7], $0x80, s29, s21, $0xb8;
	[tilespmem:$0x1EB00] =	vst v63  }
0x7e: {  	_ =	swait.ge [sflag:s17], $0x3800  }
0x7f: {  	[sflag:s17] =	ssyncset.done $0x0  }
0x80: {  	[sflag:s17] =	ssyncadd.s32 $0xFFFFC800  }
0x81: {  	_ =	swait.ge [sflag:s30], $0x3800  }
0x82: {  	[sflag:s30] =	ssyncset.done $0x0  }
0x83: {  	[sflag:s30] =	ssyncadd.s32 $0xFFFFC800  }
0x84: {  	[spmem:s3] =	stream.indirect.scatter.add.f32 [tilespmem:s24], [sflag:$0x7], $0x80, s31, s21, $0xb8;
	[tilespmem:$0x1EB00] =	vst v63  }
0x85: {  	_ =	swait.ge [sflag:s17], $0x3800  }
0x86: {  	[sflag:s17] =	ssyncset.done $0x0  }
0x87: {  	[sflag:s17] =	ssyncadd.s32 $0xFFFFC800  }
0x88: {  	_ =	swait.ge [sflag:s0], $0x3800  }
0x89: {  	[sflag:s0] =	ssyncset.done $0x0  }
0x8a: {  	[sflag:s0] =	ssyncadd.s32 $0xFFFFC800  }
0x8b: {  	[spmem:s3] =	stream.indirect.scatter.add.f32 [tilespmem:s26], [sflag:$0x7], $0x80, s1, s21, $0xb8;
	[tilespmem:$0x1EB00] =	vst v63  }
0x8c: {  	_ =	swait.ge [sflag:s17], $0x3800  }
0x8d: {  	[sflag:s17] =	ssyncset.done $0x0  }
0x8e: {  	[sflag:s17] =	ssyncadd.s32 $0xFFFFC800  }
0x8f: {  	[bflag:$0x0] =	sbarrier.arrive $0xFFFF  }
0x90: {  	s9 =	rddreg [dreg:$0x7]  }
0x91: {  	[hbm:s9], [sflag:s7] =	dma.local [spmem:s16], $0x2800  }
0x92: {  	_ =	swait.ge [sflag:s17], $0x2800  }
0x93: {  	s6 =	sadd.s32 $0x1, s6;
	s12 =	rddreg [dreg:$0x8]  }
0x94: {  	p0 =	sne.s32 s6, s12  }
.Ltmp1:
0x95: {  	_ = 	snop;
	(pc) =	sbr.rel @p0 .LBB2_1-.Ltmp1, $3  }
0x96: {  	_ =	sdelay $0x1  }
0x97: {  	[sflag:s17] =	ssyncset.done $0x0  }
0x98: {  	[sflag:s17] =	ssyncadd.s32 $0xFFFFD800  }
0x99: {  	_ =	sfence.sel $0x180000  }
0x9a: {  	[bflag:$0x0] =	sbarrier.arrive $0xFFFF  }
0x9b: {  	_ =	strace $0x90000050  }
0x9c: {  	s0 =	stileid.u32;
	[bflag:$0x2] =	sbarrier.arrive $0xFFFF  }
0x9d: {  	p0 =	sne.s32 s0, $0x0;
	s0 =	rddreg [dreg:$0x3]  }
0x9e: {  	s0 =	sadd.s32 @!p0 $0x100000, s0  }
0x9f: {  	[sflag:s0] =	ssyncadd.tile.s32 @!p0 $0x1;
	_ =	shalt  }
.Lfunc_end2:
_tile_overlayer_lowered:
.L_overlay_start_2:
0xa0: {  	(tag) =	ssettag $0x2  }
0xa1: {  	s0 =	rddreg [dreg:$0x0];
	s2 =	stileid.u32  }
0xa2: {  	s1 =	rddreg [dreg:$0x1];
	p0 =	sne.s32 s2, $0x0  }
0xa3: {  	s3 =	rddreg [dreg:$0x2];
	[bflag:$0x3] =	sbarrier.arrive $0xFFFF;
	s2 =	simm.s32 @!p0 $0x1C07  }
0xa4: {  	[timem:s3], [sflag:s2] =	dma.local @!p0 [hbm:s0], s1  }
0xa5: {  	s0 =	simm.s32 @!p0 $0x7  }
0xa6: {  	_ =	swait.ge @!p0 [sflag:s0], s1  }
0xa7: {  	s1 =	ssub.s32 @!p0 $0x0, s1;
	[sflag:s0] =	ssyncset.done @!p0 $0x0  }
0xa8: {  	[sflag:s0] =	ssyncadd.s32 @!p0 s1  }
0xa9: {  	[bflag:$0x3] =	sbarrier.arrive $0xFFFF  }
0xaa: {  	_ =	shalt  }

</sc_bundles>
